<compile_context>
chip_gen: v7x
topology: tpu7x:2x2x1
jax: 0.10.2.dev20260603
libtpu: 0.0.44.dev20260713+nightly
codegen_flags: <defaults>
</compile_context>

<pallas_src>
import functools

import jax
import jax.numpy as jnp
from jax import lax
from jax.experimental import pallas as pl
from jax.experimental.pallas import tpu as pltpu
from jax.experimental.pallas import tpu_sc as plsc

N = 10000
NPAD = 10240
E = 320000
D_IN = 128
HID = 256
D_OUT = 64
KSEL = 256

NSUB = 16
RPS = NPAD // NSUB

_mesh = plsc.VectorSubcoreMesh(core_axis_name="c", subcore_axis_name="s",
                               num_cores=2, num_subcores=NSUB)


_DCH = 2000
_DNC = (E // NSUB) // _DCH
_DR = NPAD // 2


@functools.partial(
    pl.kernel,
    out_type=jax.ShapeDtypeStruct((2, NSUB, _DR * 16), jnp.float32),
    mesh=_mesh,
    compiler_params=pltpu.CompilerParams(needs_layout_passes=False),
    scratch_types=[
        pltpu.VMEM((_DCH,), jnp.int32),
        pltpu.VMEM((_DR * 16,), jnp.float32),
    ],
)
def _sc_degree(dst_hbm, out_hbm, dbuf, acc):
    c = lax.axis_index("c")
    s = lax.axis_index("s")
    base = c * _DR
    zero16 = jnp.zeros((16,), jnp.float32)
    one16 = jnp.ones((16,), jnp.float32)
    lane = lax.iota(jnp.int32, 16)

    def z(i, _):
        acc[pl.ds(i * 16, 16)] = zero16
        return 0

    lax.fori_loop(0, _DR, z, 0, unroll=8)

    def chunk(t, _):
        pltpu.sync_copy(dst_hbm.at[s, t], dbuf)

        def b(i, _):
            idx = dbuf[pl.ds(i * 16, 16)]
            mask = (idx >= base) & (idx < base + _DR)
            addr = jnp.where(mask, (idx - base) * 16 + lane, lane)
            val = jnp.where(mask, one16, 0.0)
            plsc.addupdate_scatter(acc, [addr], val)
            return 0

        lax.fori_loop(0, _DCH // 16, b, 0, unroll=4)
        return 0

    lax.fori_loop(0, _DNC, chunk, 0)
    pltpu.sync_copy(acc, out_hbm.at[c, s])


_B = 80
_NCH = 125


def _zero_rows(rows, ncol):
    zero16 = jnp.zeros((16,), jnp.float32)

    def z(i, _):
        def zi(k, _):
            rows[i, pl.ds(k * 16, 16)] = zero16
            return 0
        lax.fori_loop(0, ncol // 16, zi, 0)
        return 0

    lax.fori_loop(0, _B, z, 0, unroll=2)


def _zero_acc(rows, acc, s):
    def zc(k, _):
        pltpu.sync_copy(rows.at[pl.ds(0, 80)],
                        acc.at[pl.ds(s * RPS + k * 80, 80)])
        return 0

    lax.fori_loop(0, RPS // 80, zc, 0)


def _pipelined_run(g_hbm, sbuf, dbuf, nch, rows0, rows1, acc,
                   sg0, sg1, ss0, ss1, ncol):
    _zero_rows(rows1, ncol)
    pltpu.async_copy(rows1, acc.at[dbuf.at[0]], ss1, add=True)
    pltpu.async_copy(g_hbm.at[sbuf.at[0]], rows0, sg0)
    even = nch % 2 == 0

    def pair(t, _):
        e = 2 * t
        nxt = jnp.where(e + 2 < nch, e + 2, 0) if even else e + 2
        pltpu.make_async_copy(rows1, acc.at[dbuf.at[0]], ss1).wait()
        pltpu.async_copy(g_hbm.at[sbuf.at[e + 1]], rows1, sg1)
        pltpu.make_async_copy(g_hbm.at[sbuf.at[0]], rows0, sg0).wait()
        pltpu.async_copy(rows0, acc.at[dbuf.at[e]], ss0, add=True)
        pltpu.make_async_copy(rows0, acc.at[dbuf.at[0]], ss0).wait()
        pltpu.async_copy(g_hbm.at[sbuf.at[nxt]], rows0, sg0)
        pltpu.make_async_copy(g_hbm.at[sbuf.at[0]], rows1, sg1).wait()
        pltpu.async_copy(rows1, acc.at[dbuf.at[e + 1]], ss1, add=True)
        return 0

    lax.fori_loop(0, nch // 2, pair, 0)
    pltpu.make_async_copy(g_hbm.at[sbuf.at[0]], rows0, sg0).wait()
    if not even:
        pltpu.async_copy(rows0, acc.at[dbuf.at[nch - 1]], ss0, add=True)
        pltpu.make_async_copy(rows0, acc.at[dbuf.at[0]], ss0).wait()
    pltpu.make_async_copy(rows1, acc.at[dbuf.at[0]], ss1).wait()


_ST = 64


@functools.partial(
    pl.kernel,
    out_type=jax.ShapeDtypeStruct((2, NPAD, D_IN), jnp.float32),
    mesh=_mesh,
    scratch_types=[
        pltpu.VMEM((_ST, _B), jnp.int32),
        pltpu.VMEM((_ST, _B), jnp.int32),
        pltpu.VMEM((_B, D_IN), jnp.float32),
        pltpu.VMEM((_B, D_IN), jnp.float32),
        pltpu.VMEM_SHARED((NPAD, D_IN), jnp.float32),
        pltpu.SemaphoreType.DMA,
        pltpu.SemaphoreType.DMA,
        pltpu.SemaphoreType.DMA,
        pltpu.SemaphoreType.DMA,
    ],
)
def _sc_scatter1(g_hbm, src_hbm, dst_hbm, out_hbm, sbuf, dbuf,
                 rows0, rows1, acc, sg0, sg1, ss0, ss1):
    c = lax.axis_index("c")
    s = lax.axis_index("s")
    _zero_rows(rows0, D_IN)
    _zero_acc(rows0, acc, s)
    plsc.subcore_barrier()
    pltpu.sync_copy(src_hbm.at[c, s, pl.ds(0, _ST)], sbuf)
    pltpu.sync_copy(dst_hbm.at[c, s, pl.ds(0, _ST)], dbuf)
    _pipelined_run(g_hbm, sbuf, dbuf, _ST, rows0, rows1, acc,
                   sg0, sg1, ss0, ss1, D_IN)
    pltpu.sync_copy(src_hbm.at[c, s, pl.ds(_ST, _NCH - _ST)],
                    sbuf.at[pl.ds(0, _NCH - _ST)])
    pltpu.sync_copy(dst_hbm.at[c, s, pl.ds(_ST, _NCH - _ST)],
                    dbuf.at[pl.ds(0, _NCH - _ST)])
    _pipelined_run(g_hbm, sbuf, dbuf, _NCH - _ST, rows0, rows1, acc,
                   sg0, sg1, ss0, ss1, D_IN)
    plsc.subcore_barrier()
    pltpu.sync_copy(acc.at[pl.ds(s * RPS, RPS)],
                    out_hbm.at[c, pl.ds(s * RPS, RPS)])




@functools.partial(
    pl.kernel,
    out_type=jax.ShapeDtypeStruct((2, NPAD, 128), jnp.float32),
    mesh=_mesh,
    scratch_types=[
        pltpu.VMEM((_ST, _B), jnp.int32),
        pltpu.VMEM((_ST, _B), jnp.int32),
        pltpu.VMEM((_B, 128), jnp.float32),
        pltpu.VMEM((_B, 128), jnp.float32),
        pltpu.VMEM_SHARED((NPAD, 128), jnp.float32),
        pltpu.SemaphoreType.DMA,
        pltpu.SemaphoreType.DMA,
        pltpu.SemaphoreType.DMA,
        pltpu.SemaphoreType.DMA,
    ],
)
def _sc_scatter2(g2_hbm, src_hbm, dst_hbm, out_hbm, sbuf, dbuf,
                 rows0, rows1, acc, sg0, sg1, ss0, ss1):
    c = lax.axis_index("c")
    s = lax.axis_index("s")
    _zero_rows(rows0, 128)
    _zero_acc(rows0, acc, s)
    plsc.subcore_barrier()

    off = c * NPAD

    def bias(nch, _):
        def ba(i, _):
            def bi(k, _):
                sbuf[i, pl.ds(k * 16, 16)] = sbuf[i, pl.ds(k * 16, 16)] + off
                return 0
            lax.fori_loop(0, _B // 16, bi, 0)
            return 0
        lax.fori_loop(0, nch, ba, 0)

    def run(gi, _):
        pltpu.sync_copy(src_hbm.at[s, gi, pl.ds(0, _ST)], sbuf)
        pltpu.sync_copy(dst_hbm.at[s, gi, pl.ds(0, _ST)], dbuf)
        bias(_ST, None)
        _pipelined_run(g2_hbm, sbuf, dbuf, _ST, rows0, rows1, acc,
                       sg0, sg1, ss0, ss1, 128)
        pltpu.sync_copy(src_hbm.at[s, gi, pl.ds(_ST, _NCH - _ST)],
                        sbuf.at[pl.ds(0, _NCH - _ST)])
        pltpu.sync_copy(dst_hbm.at[s, gi, pl.ds(_ST, _NCH - _ST)],
                        dbuf.at[pl.ds(0, _NCH - _ST)])
        bias(_NCH - _ST, None)
        _pipelined_run(g2_hbm, sbuf, dbuf, _NCH - _ST, rows0, rows1, acc,
                       sg0, sg1, ss0, ss1, 128)
        return 0

    lax.fori_loop(0, 2, run, 0)
    plsc.subcore_barrier()
    pltpu.sync_copy(acc.at[pl.ds(s * RPS, RPS)],
                    out_hbm.at[c, pl.ds(s * RPS, RPS)])


_R = 1024


def _deg_col(deg_ref):
    parts = deg_ref[...]
    deg = jnp.sum(parts, axis=1, keepdims=True)
    return lax.rsqrt(deg + 1.0)


def _prep_body(deg_ref, x_ref, g_ref):
    g_ref[...] = x_ref[...] * _deg_col(deg_ref)


def _prep(deg32, xpad):
    return pl.pallas_call(
        _prep_body,
        grid=(NPAD // _R,),
        in_specs=[pl.BlockSpec((_R, 256), lambda i: (i, 0)),
                  pl.BlockSpec((_R, D_IN), lambda i: (i, 0))],
        out_specs=pl.BlockSpec((_R, D_IN), lambda i: (i, 0)),
        out_shape=jax.ShapeDtypeStruct((NPAD, D_IN), jnp.float32),
    )(deg32, xpad)


def _topk_body(h_ref, p_ref, vals_ref, rows_ref, *, k):
    p2 = p_ref[...]
    nrm = jnp.sqrt(jnp.sum(p2 * p2))
    inv = 1.0 / (nrm + 1e-12)
    ch = NPAD // 8
    ys = []
    for r in range(8):
        hr = h_ref[pl.ds(r * ch, ch), :]
        ys.append(lax.dot_general(p2, hr, (((1,), (1,)), ((), ())),
                                  preferred_element_type=jnp.float32))
    y8 = jnp.concatenate(ys, axis=0) * inv
    ids = (lax.broadcasted_iota(jnp.int32, (8, ch), 0) * ch
           + lax.broadcasted_iota(jnp.int32, (8, ch), 1))
    neg = jnp.float32(-3.0e38)
    y8 = jnp.where(ids < N, y8, neg)

    def body(step, y):
        m = jnp.max(y)
        pick = jnp.min(jnp.where(y == m, ids, jnp.int32(2**30)))
        vals_ref[pl.ds(step, 1), :] = jnp.reshape(m, (1, 1))
        rows_ref[pl.ds(step, 1), :] = h_ref[pl.ds(pick, 1), :]
        return jnp.where(ids == pick, neg, y)

    lax.fori_loop(0, KSEL, body, y8)


def _topk(hpad, p2, k):
    return pl.pallas_call(
        functools.partial(_topk_body, k=k),
        out_shape=(jax.ShapeDtypeStruct((KSEL, 1), jnp.float32),
                   jax.ShapeDtypeStruct((KSEL, k), jnp.float32)),
    )(hpad, p2)


def _gru_body(rows_ref, vals_ref, h_ref, wz_ref, uz_ref, wr_ref, ur_ref,
              wh_ref, uh_ref, bz_ref, br_ref, bh_ref, hn_ref):
    xt = rows_ref[...] * jnp.tanh(vals_ref[...])
    h = h_ref[...]
    f32 = jnp.float32
    zg = jax.nn.sigmoid(jnp.dot(xt, wz_ref[...], preferred_element_type=f32)
                        + jnp.dot(h, uz_ref[...], preferred_element_type=f32)
                        + bz_ref[...])
    rg = jax.nn.sigmoid(jnp.dot(xt, wr_ref[...], preferred_element_type=f32)
                        + jnp.dot(h, ur_ref[...], preferred_element_type=f32)
                        + br_ref[...])
    ht = jnp.tanh(jnp.dot(xt, wh_ref[...], preferred_element_type=f32)
                  + jnp.dot(rg * h, uh_ref[...], preferred_element_type=f32)
                  + bh_ref[...])
    hn_ref[...] = (1.0 - zg) * h + zg * ht


def _gru(rows, vals, ht_w, lp):
    ic = ht_w.shape[1]
    return pl.pallas_call(
        _gru_body,
        out_shape=jax.ShapeDtypeStruct((KSEL, ic), jnp.float32),
    )(rows, vals, ht_w, lp["Wz"], lp["Uz"], lp["Wr"], lp["Ur"],
      lp["Wh"], lp["Uh"], lp["bz"].reshape(1, ic), lp["br"].reshape(1, ic),
      lp["bh"].reshape(1, ic))


def _layer1_body(deg_ref, g_ref, a1_ref, hn_ref, h_ref, gh_ref):
    dis = _deg_col(deg_ref)
    u = (a1_ref[0] + a1_ref[1] + g_ref[...]) * dis
    acc = lax.dot_general(u, hn_ref[...], (((1,), (1,)), ((), ())),
                          preferred_element_type=jnp.float32)
    h = jnp.maximum(acc, 0.0)
    h_ref[...] = h
    gh_ref[0] = h[:, :128] * dis
    gh_ref[1] = h[:, 128:] * dis


def _layer1(deg32, g, a1, hn1):
    return pl.pallas_call(
        _layer1_body,
        grid=(NPAD // _R,),
        in_specs=[pl.BlockSpec((_R, 256), lambda i: (i, 0)),
                  pl.BlockSpec((_R, D_IN), lambda i: (i, 0)),
                  pl.BlockSpec((2, _R, D_IN), lambda i: (0, i, 0)),
                  pl.BlockSpec((HID, D_IN), lambda i: (0, 0))],
        out_specs=[pl.BlockSpec((_R, HID), lambda i: (i, 0)),
                   pl.BlockSpec((2, _R, 128), lambda i: (0, i, 0))],
        out_shape=(jax.ShapeDtypeStruct((NPAD, HID), jnp.float32),
                   jax.ShapeDtypeStruct((2, NPAD, 128), jnp.float32)),
    )(deg32, g, a1, hn1)


def _layer2_body(deg_ref, gh_ref, a2_ref, hn_ref, wc_ref, bc_ref, out_ref):
    dis = _deg_col(deg_ref)
    u = jnp.concatenate(
        [(a2_ref[0] + gh_ref[0]) * dis,
         (a2_ref[1] + gh_ref[1]) * dis], axis=1)
    acc = lax.dot_general(u, hn_ref[...], (((1,), (1,)), ((), ())),
                          preferred_element_type=jnp.float32)
    h2 = jnp.maximum(acc, 0.0)
    out_ref[...] = (jnp.dot(h2, wc_ref[...], preferred_element_type=jnp.float32)
                    + bc_ref[...])


def _layer2(deg32, gh, a2, hn2, wc, bc2):
    return pl.pallas_call(
        _layer2_body,
        grid=(NPAD // _R,),
        in_specs=[pl.BlockSpec((_R, 256), lambda i: (i, 0)),
                  pl.BlockSpec((2, _R, 128), lambda i: (0, i, 0)),
                  pl.BlockSpec((2, _R, 128), lambda i: (0, i, 0)),
                  pl.BlockSpec((HID, HID), lambda i: (0, 0)),
                  pl.BlockSpec((HID, D_OUT), lambda i: (0, 0)),
                  pl.BlockSpec((1, D_OUT), lambda i: (0, 0))],
        out_specs=pl.BlockSpec((_R, D_OUT), lambda i: (i, 0)),
        out_shape=jax.ShapeDtypeStruct((N, D_OUT), jnp.float32),
    )(deg32, gh, a2, hn2, wc, bc2)


def kernel(x, edge_index, params, Wc, bc):
    src = edge_index[0]
    dst = edge_index[1]
    src1 = src.reshape(2, NSUB, _NCH, _B)
    dst1 = dst.reshape(2, NSUB, _NCH, _B)
    src2 = src.reshape(NSUB, 2, _NCH, _B)
    dst2 = dst.reshape(NSUB, 2, _NCH, _B)
    dstd = dst.reshape(NSUB, _DNC, _DCH)
    xpad = jnp.pad(x, ((0, NPAD - N), (0, 0)))

    degp = _sc_degree(dstd)
    deg32 = (degp.reshape(2, NSUB, _DR, 16)
             .transpose(0, 2, 1, 3).reshape(NPAD, NSUB * 16))
    g = _prep(deg32, xpad)

    vals1, rows1 = _topk(xpad, params[0]["p"].reshape(1, D_IN), D_IN)
    hn1 = _gru(rows1, vals1, params[0]["W"].T, params[0])

    a1 = _sc_scatter1(g, src1, dst1)
    h1, gh = _layer1(deg32, g, a1, hn1)

    vals2, rows2 = _topk(h1, params[1]["p"].reshape(1, HID), HID)
    hn2 = _gru(rows2, vals2, params[1]["W"].T, params[1])

    a2 = _sc_scatter2(gh.reshape(2 * NPAD, 128), src2, dst2)
    out = _layer2(deg32, gh, a2, hn2, Wc, bc.reshape(1, D_OUT))

    return (out, hn1.T, hn2.T)

# --- scband reference (transcript-rebuilt; emitter-appended) ---
"""Pipeline reference for scband-evolve-gcn-62405874811493 (READ-ONLY COPY).

The authoritative reference and input builder live on the scoring server;
editing this copy changes nothing except your own understanding.
"""

import jax, jax.numpy as jnp
import numpy as np

N = 10000
E = 320000
D_IN = 128
HID = 256
D_OUT = 64


def _glorot(k, shape):
    lim = float(np.sqrt(6.0 / (shape[0] + shape[1])))
    return jax.random.uniform(k, shape, jnp.float32, -lim, lim)


def setup_inputs(seed: int = 0) -> dict:
    key = jax.random.key(seed)
    ks = jax.random.split(key, 32)
    x = jax.random.normal(ks[0], (N, D_IN), dtype=jnp.float32)
    edge_index = jax.random.randint(ks[1], (2, E), 0, N, dtype=jnp.int32)
    dims = [(D_IN, HID), (HID, HID)]
    params = []
    ki = 2
    for (ic, oc) in dims:
        layer = {
            "p": jax.random.normal(ks[ki], (ic,), dtype=jnp.float32) * 0.1,
            "W": _glorot(ks[ki + 1], (ic, oc)),
            "Wz": _glorot(ks[ki + 2], (ic, ic)),
            "Uz": _glorot(ks[ki + 3], (ic, ic)),
            "bz": jnp.zeros((ic,), jnp.float32),
            "Wr": _glorot(ks[ki + 4], (ic, ic)),
            "Ur": _glorot(ks[ki + 5], (ic, ic)),
            "br": jnp.zeros((ic,), jnp.float32),
            "Wh": _glorot(ks[ki + 6], (ic, ic)),
            "Uh": _glorot(ks[ki + 7], (ic, ic)),
            "bh": jnp.zeros((ic,), jnp.float32),
        }
        params.append(layer)
        ki += 8
    Wc = _glorot(ks[ki], (HID, D_OUT))
    bc = jnp.zeros((D_OUT,), jnp.float32)
    return {"x": x, "edge_index": edge_index, "params": params, "Wc": Wc, "bc": bc}


def _evolve_layer(x, lp, src, dst, ew, sw):
    # EvolveGCN-H: summarize node embeddings with top-k, evolve weight via matrix GRU
    p = lp["p"]
    y = x @ p / (jnp.linalg.norm(p) + 1e-12)
    oc = lp["W"].shape[1]
    vals, idx = jax.lax.top_k(y, oc)
    x_tilde = x[idx] * jnp.tanh(vals)[:, None]  # [oc, ic]
    H = lp["W"].T  # hidden state [oc, ic]
    Z = jax.nn.sigmoid(x_tilde @ lp["Wz"] + H @ lp["Uz"] + lp["bz"])
    R = jax.nn.sigmoid(x_tilde @ lp["Wr"] + H @ lp["Ur"] + lp["br"])
    Ht = jnp.tanh(x_tilde @ lp["Wh"] + (R * H) @ lp["Uh"] + lp["bh"])
    Hn = (1.0 - Z) * H + Z * Ht
    Wn = Hn.T  # evolved weight [ic, oc]
    # GCN propagation with symmetric normalization (A + I)
    agg = jnp.zeros_like(x).at[dst].add(x[src] * ew[:, None]) + x * sw[:, None]
    return jax.nn.relu(agg @ Wn), Wn


def reference(x, edge_index, params, Wc, bc):
    src = edge_index[0]
    dst = edge_index[1]
    n = x.shape[0]
    deg = jnp.zeros((n,), jnp.float32).at[dst].add(1.0) + 1.0
    dis = deg ** -0.5
    ew = dis[src] * dis[dst]
    sw = dis * dis
    hs = []
    h = x
    for lp in params:
        h, Wn = _evolve_layer(h, lp, src, dst, ew, sw)
        # dropout is identity in eval mode
        hs.append(Wn)
    out = h @ Wc + bc
    return (out, *hs)

if __name__ == "__main__":
    import jax
    _d = setup_inputs()
    print(jax.jit(kernel)(*tuple(_d.values())))

</pallas_src>

<mosaic_0001>
#map = affine_map<(d0, d1) -> (0, 0)>
#map1 = affine_map<(d0, d1) -> (0, 0, 0, 0)>
#map2 = affine_map<(d0, d1) -> (0, 0, 0)>
module attributes {stable_mosaic.version = 14 : i64} {
  func.func @_sc_scatter1(%arg0: i32, %arg1: i32, %arg2: memref<10240x128xf32, #tpu.memory_space<hbm>>, %arg3: memref<2x16x125x80xi32, #tpu.memory_space<hbm>>, %arg4: memref<2x16x125x80xi32, #tpu.memory_space<hbm>>, %arg5: memref<2x10240x128xf32, #tpu.memory_space<hbm>>, %arg6: memref<64x80xi32, #tpu.memory_space<vmem>>, %arg7: memref<64x80xi32, #tpu.memory_space<vmem>>, %arg8: memref<80x128xf32, #tpu.memory_space<vmem>>, %arg9: memref<80x128xf32, #tpu.memory_space<vmem>>, %arg10: memref<10240x128xf32, #tpu.memory_space<vmem_shared>>, %arg11: memref<!tpu.dma_semaphore, #tpu.memory_space<semaphore_mem>>, %arg12: memref<!tpu.dma_semaphore, #tpu.memory_space<semaphore_mem>>, %arg13: memref<!tpu.dma_semaphore, #tpu.memory_space<semaphore_mem>>, %arg14: memref<!tpu.dma_semaphore, #tpu.memory_space<semaphore_mem>>) attributes {dimension_semantics = [#tpu.dimension_semantics<core_parallel>, #tpu.dimension_semantics<subcore_parallel>], iteration_bounds = array<i64: 2, 16>, scalar_prefetch = 0 : i64, scratch_operands = 9 : i64, tpu.core_type = #tpu.core_type<sc_vector_subcore>, window_params = [{transform_indices = #map}, {transform_indices = #map1}, {transform_indices = #map1}, {transform_indices = #map2}]} {
    %broadcast_in_dim3A = arith.constant 0.000000e+00 : f32
    %broadcast_in_dim3A_0 = vector.broadcast %broadcast_in_dim3A : f32 to vector<16xf32>
    %scan3A = arith.constant 0 : i32
    %scan3A_1 = arith.constant 0 : i32
    %scan3A_2 = arith.constant 80 : i32
    %scan3A_3 = arith.addi %scan3A_1, %scan3A_2 : i32
    %scan3A_4 = arith.constant 2 : i32
    %scan3A_5 = scf.for %scan3A_118 = %scan3A_1 to %scan3A_3 step %scan3A_4 iter_args(%scan3A_119 = %scan3A) -> (i32)  : i32 {
      %scan3A_120 = arith.constant 0 : i32
      %scan3A_121 = arith.constant 0 : i32
      %scan3A_122 = arith.constant 8 : i32
      %scan3A_123 = arith.addi %scan3A_121, %scan3A_122 : i32
      %scan3A_124 = arith.constant 1 : i32
      %scan3A_125 = scf.for %scan3A_138 = %scan3A_121 to %scan3A_123 step %scan3A_124 iter_args(%scan3A_139 = %scan3A_120) -> (i32)  : i32 {
        %mul3A_140 = arith.constant 16 : i32
        %mul3A_141 = arith.muli %scan3A_138, %mul3A_140 : i32
        %swap3A = arith.index_cast %scan3A_118 : i32 to index
        %swap3A_142 = arith.index_cast %mul3A_141 : i32 to index
        %swap3A_143 = tpu.vector_load %arg8[%swap3A, %swap3A_142] {strides = array<i32>} : memref<80x128xf32, #tpu.memory_space<vmem>>, vector<1x16xf32>,
        %swap3A_144 = vector.shape_cast %swap3A_143 : vector<1x16xf32> to vector<16xf32>
        %swap3A_145 = vector.shape_cast %broadcast_in_dim3A_0 : vector<16xf32> to vector<1x16xf32>
        tpu.vector_store %arg8[%swap3A, %swap3A_142], %swap3A_145 {strides = array<i32>} : memref<80x128xf32, #tpu.memory_space<vmem>>, vector<1x16xf32>,
        %scan3A_146 = arith.constant 0 : i32
        scf.yield %scan3A_146 : i32
      }
      %scan3A_126 = arith.constant 8 : i32
      %scan3A_127 = arith.constant 0 : i32
      %scan3A_128 = arith.constant 1 : i32
      %scan3A_129 = arith.addi %scan3A_118, %scan3A_128 : i32
      %scan3A_130 = arith.constant 0 : i32
      %scan3A_131 = arith.constant 0 : i32
      %scan3A_132 = arith.constant 8 : i32
      %scan3A_133 = arith.addi %scan3A_131, %scan3A_132 : i32
      %scan3A_134 = arith.constant 1 : i32
      %scan3A_135 = scf.for %scan3A_138 = %scan3A_131 to %scan3A_133 step %scan3A_134 iter_args(%scan3A_139 = %scan3A_130) -> (i32)  : i32 {
        %mul3A_140 = arith.constant 16 : i32
        %mul3A_141 = arith.muli %scan3A_138, %mul3A_140 : i32
        %swap3A = arith.index_cast %scan3A_129 : i32 to index
        %swap3A_142 = arith.index_cast %mul3A_141 : i32 to index
        %swap3A_143 = tpu.vector_load %arg8[%swap3A, %swap3A_142] {strides = array<i32>} : memref<80x128xf32, #tpu.memory_space<vmem>>, vector<1x16xf32>,
        %swap3A_144 = vector.shape_cast %swap3A_143 : vector<1x16xf32> to vector<16xf32>
        %swap3A_145 = vector.shape_cast %broadcast_in_dim3A_0 : vector<16xf32> to vector<1x16xf32>
        tpu.vector_store %arg8[%swap3A, %swap3A_142], %swap3A_145 {strides = array<i32>} : memref<80x128xf32, #tpu.memory_space<vmem>>, vector<1x16xf32>,
        %scan3A_146 = arith.constant 0 : i32
        scf.yield %scan3A_146 : i32
      }
      %scan3A_136 = arith.constant 8 : i32
      %scan3A_137 = arith.constant 0 : i32
      scf.yield %scan3A_137 : i32
    }
    %scan3A_6 = arith.constant 80 : i32
    %scan3A_7 = arith.constant 0 : i32
    %scan3A_8 = arith.constant 0 : i32
    %scan3A_9 = arith.constant 8 : i32
    %scan3A_10 = arith.addi %scan3A_8, %scan3A_9 : i32
    %scan3A_11 = arith.constant 1 : i32
    %scan3A_12 = scf.for %scan3A_118 = %scan3A_8 to %scan3A_10 step %scan3A_11 iter_args(%scan3A_119 = %scan3A_7) -> (i32)  : i32 {
      %mul3A_120 = arith.constant 640 : i32
      %mul3A_121 = arith.muli %arg1, %mul3A_120 : i32
      %mul3A_122 = arith.constant 80 : i32
      %mul3A_123 = arith.muli %scan3A_118, %mul3A_122 : i32
      %add3A = arith.addi %mul3A_121, %mul3A_123 : i32
      "tpu.region"() ({
        %run_scoped3A = tpu.sem_alloc : memref<!tpu.dma_semaphore, #tpu.memory_space<semaphore_mem>>
        %dma_start3A_125 = arith.constant 0 : i32
        %dma_start3A_126 = arith.constant 0 : i32
        %dma_start3A_127 = tpu.memref_slice %arg8[%dma_start3A_125, %dma_start3A_126] : memref<80x128xf32, #tpu.memory_space<vmem>> -> memref<80x128xf32, #tpu.memory_space<vmem>>
        %dma_start3A_128 = arith.constant 0 : i32
        %dma_start3A_129 = tpu.memref_slice %arg10[%add3A, %dma_start3A_128] : memref<10240x128xf32, #tpu.memory_space<vmem_shared>> -> memref<80x128xf32, #tpu.memory_space<vmem_shared>>
        %dma_start3A_130 = arith.constant 0 : i32
        %dma_start3A_131 = tpu.memref_slice %arg10[%add3A, %dma_start3A_130] : memref<10240x128xf32, #tpu.memory_space<vmem_shared>> -> memref<80x128xf32, #tpu.memory_space<vmem_shared>>
        %dma_start3A_132 = arith.constant 0 : i32
        %dma_start3A_133 = arith.constant 0 : i32
        %dma_start3A_134 = tpu.memref_slice %arg8[%dma_start3A_132, %dma_start3A_133] : memref<80x128xf32, #tpu.memory_space<vmem>> -> memref<80x128xf32, #tpu.memory_space<vmem>>
        tpu.enqueue_dma source(%dma_start3A_134 : memref<80x128xf32, #tpu.memory_space<vmem>>) target(%dma_start3A_131 : memref<80x128xf32, #tpu.memory_space<vmem_shared>>) target_semaphore(%run_scoped3A : memref<!tpu.dma_semaphore, #tpu.memory_space<semaphore_mem>>)
        %dma_wait3A_135 = arith.constant 0 : i32
        %dma_wait3A_136 = arith.constant 0 : i32
        %dma_wait3A_137 = tpu.memref_slice %arg8[%dma_wait3A_135, %dma_wait3A_136] : memref<80x128xf32, #tpu.memory_space<vmem>> -> memref<80x128xf32, #tpu.memory_space<vmem>>
        %dma_wait3A_138 = arith.constant 0 : i32
        %dma_wait3A_139 = tpu.memref_slice %arg10[%add3A, %dma_wait3A_138] : memref<10240x128xf32, #tpu.memory_space<vmem_shared>> -> memref<80x128xf32, #tpu.memory_space<vmem_shared>>
        %dma_wait3A_140 = arith.constant 0 : i32
        %dma_wait3A_141 = tpu.memref_slice %arg10[%add3A, %dma_wait3A_140] : memref<10240x128xf32, #tpu.memory_space<vmem_shared>> -> memref<80x128xf32, #tpu.memory_space<vmem_shared>>
        %dma_wait3A_142 = arith.constant 0 : i32
        %dma_wait3A_143 = arith.constant 0 : i32
        %dma_wait3A_144 = tpu.memref_slice %arg8[%dma_wait3A_142, %dma_wait3A_143] : memref<80x128xf32, #tpu.memory_space<vmem>> -> memref<80x128xf32, #tpu.memory_space<vmem>>
        tpu.wait_dma2 semaphore(%run_scoped3A : memref<!tpu.dma_semaphore, #tpu.memory_space<semaphore_mem>>) src(%dma_wait3A_144 : memref<80x128xf32, #tpu.memory_space<vmem>>) dst(%dma_wait3A_141 : memref<80x128xf32, #tpu.memory_space<vmem_shared>>)
        tpu.yield
      }) : () -> ()
      %scan3A_124 = arith.constant 0 : i32
      scf.yield %scan3A_124 : i32
    }
    %scan3A_13 = arith.constant 8 : i32
    %barrier3A = arith.constant 0 : index
    tpu.barrier barrier_id(%barrier3A)
    "tpu.region"() ({
      %run_scoped3A = tpu.sem_alloc : memref<!tpu.dma_semaphore, #tpu.memory_space<semaphore_mem>>
      %dma_start3A_118 = arith.constant 0 : i32
      %dma_start3A_119 = arith.constant 0 : i32
      %dma_start3A_120 = tpu.memref_slice %arg3[%arg0, %arg1, %dma_start3A_118, %dma_start3A_119] : memref<2x16x125x80xi32, #tpu.memory_space<hbm>> -> memref<1x1x64x80xi32, #tpu.memory_space<hbm>>
      %dma_start3A_121 = tpu.memref_squeeze %dma_start3A_120 : memref<1x1x64x80xi32, #tpu.memory_space<hbm>> -> memref<64x80xi32, #tpu.memory_space<hbm>>
      %dma_start3A_122 = arith.constant 0 : i32
      %dma_start3A_123 = arith.constant 0 : i32
      %dma_start3A_124 = tpu.memref_slice %arg3[%arg0, %arg1, %dma_start3A_122, %dma_start3A_123] : memref<2x16x125x80xi32, #tpu.memory_space<hbm>> -> memref<1x1x64x80xi32, #tpu.memory_space<hbm>>
      %dma_start3A_125 = tpu.memref_squeeze %dma_start3A_124 : memref<1x1x64x80xi32, #tpu.memory_space<hbm>> -> memref<64x80xi32, #tpu.memory_space<hbm>>
      tpu.enqueue_dma source(%dma_start3A_125 : memref<64x80xi32, #tpu.memory_space<hbm>>) target(%arg6 : memref<64x80xi32, #tpu.memory_space<vmem>>) target_semaphore(%run_scoped3A : memref<!tpu.dma_semaphore, #tpu.memory_space<semaphore_mem>>)
      %dma_wait3A_126 = arith.constant 0 : i32
      %dma_wait3A_127 = arith.constant 0 : i32
      %dma_wait3A_128 = tpu.memref_slice %arg3[%arg0, %arg1, %dma_wait3A_126, %dma_wait3A_127] : memref<2x16x125x80xi32, #tpu.memory_space<hbm>> -> memref<1x1x64x80xi32, #tpu.memory_space<hbm>>
      %dma_wait3A_129 = tpu.memref_squeeze %dma_wait3A_128 : memref<1x1x64x80xi32, #tpu.memory_space<hbm>> -> memref<64x80xi32, #tpu.memory_space<hbm>>
      %dma_wait3A_130 = arith.constant 0 : i32
      %dma_wait3A_131 = arith.constant 0 : i32
      %dma_wait3A_132 = tpu.memref_slice %arg3[%arg0, %arg1, %dma_wait3A_130, %dma_wait3A_131] : memref<2x16x125x80xi32, #tpu.memory_space<hbm>> -> memref<1x1x64x80xi32, #tpu.memory_space<hbm>>
      %dma_wait3A_133 = tpu.memref_squeeze %dma_wait3A_132 : memref<1x1x64x80xi32, #tpu.memory_space<hbm>> -> memref<64x80xi32, #tpu.memory_space<hbm>>
      tpu.wait_dma2 semaphore(%run_scoped3A : memref<!tpu.dma_semaphore, #tpu.memory_space<semaphore_mem>>) src(%dma_wait3A_133 : memref<64x80xi32, #tpu.memory_space<hbm>>) dst(%arg6 : memref<64x80xi32, #tpu.memory_space<vmem>>)
      tpu.yield
    }) : () -> ()
    "tpu.region"() ({
      %run_scoped3A = tpu.sem_alloc : memref<!tpu.dma_semaphore, #tpu.memory_space<semaphore_mem>>
      %dma_start3A_118 = arith.constant 0 : i32
      %dma_start3A_119 = arith.constant 0 : i32
      %dma_start3A_120 = tpu.memref_slice %arg4[%arg0, %arg1, %dma_start3A_118, %dma_start3A_119] : memref<2x16x125x80xi32, #tpu.memory_space<hbm>> -> memref<1x1x64x80xi32, #tpu.memory_space<hbm>>
      %dma_start3A_121 = tpu.memref_squeeze %dma_start3A_120 : memref<1x1x64x80xi32, #tpu.memory_space<hbm>> -> memref<64x80xi32, #tpu.memory_space<hbm>>
      %dma_start3A_122 = arith.constant 0 : i32
      %dma_start3A_123 = arith.constant 0 : i32
      %dma_start3A_124 = tpu.memref_slice %arg4[%arg0, %arg1, %dma_start3A_122, %dma_start3A_123] : memref<2x16x125x80xi32, #tpu.memory_space<hbm>> -> memref<1x1x64x80xi32, #tpu.memory_space<hbm>>
      %dma_start3A_125 = tpu.memref_squeeze %dma_start3A_124 : memref<1x1x64x80xi32, #tpu.memory_space<hbm>> -> memref<64x80xi32, #tpu.memory_space<hbm>>
      tpu.enqueue_dma source(%dma_start3A_125 : memref<64x80xi32, #tpu.memory_space<hbm>>) target(%arg7 : memref<64x80xi32, #tpu.memory_space<vmem>>) target_semaphore(%run_scoped3A : memref<!tpu.dma_semaphore, #tpu.memory_space<semaphore_mem>>)
      %dma_wait3A_126 = arith.constant 0 : i32
      %dma_wait3A_127 = arith.constant 0 : i32
      %dma_wait3A_128 = tpu.memref_slice %arg4[%arg0, %arg1, %dma_wait3A_126, %dma_wait3A_127] : memref<2x16x125x80xi32, #tpu.memory_space<hbm>> -> memref<1x1x64x80xi32, #tpu.memory_space<hbm>>
      %dma_wait3A_129 = tpu.memref_squeeze %dma_wait3A_128 : memref<1x1x64x80xi32, #tpu.memory_space<hbm>> -> memref<64x80xi32, #tpu.memory_space<hbm>>
      %dma_wait3A_130 = arith.constant 0 : i32
      %dma_wait3A_131 = arith.constant 0 : i32
      %dma_wait3A_132 = tpu.memref_slice %arg4[%arg0, %arg1, %dma_wait3A_130, %dma_wait3A_131] : memref<2x16x125x80xi32, #tpu.memory_space<hbm>> -> memref<1x1x64x80xi32, #tpu.memory_space<hbm>>
      %dma_wait3A_133 = tpu.memref_squeeze %dma_wait3A_132 : memref<1x1x64x80xi32, #tpu.memory_space<hbm>> -> memref<64x80xi32, #tpu.memory_space<hbm>>
      tpu.wait_dma2 semaphore(%run_scoped3A : memref<!tpu.dma_semaphore, #tpu.memory_space<semaphore_mem>>) src(%dma_wait3A_133 : memref<64x80xi32, #tpu.memory_space<hbm>>) dst(%arg7 : memref<64x80xi32, #tpu.memory_space<vmem>>)
      tpu.yield
    }) : () -> ()
    %broadcast_in_dim3A_14 = arith.constant 0.000000e+00 : f32
    %broadcast_in_dim3A_15 = vector.broadcast %broadcast_in_dim3A_14 : f32 to vector<16xf32>
    %scan3A_16 = arith.constant 0 : i32
    %scan3A_17 = arith.constant 0 : i32
    %scan3A_18 = arith.constant 80 : i32
    %scan3A_19 = arith.addi %scan3A_17, %scan3A_18 : i32
    %scan3A_20 = arith.constant 2 : i32
    %scan3A_21 = scf.for %scan3A_118 = %scan3A_17 to %scan3A_19 step %scan3A_20 iter_args(%scan3A_119 = %scan3A_16) -> (i32)  : i32 {
      %scan3A_120 = arith.constant 0 : i32
      %scan3A_121 = arith.constant 0 : i32
      %scan3A_122 = arith.constant 8 : i32
      %scan3A_123 = arith.addi %scan3A_121, %scan3A_122 : i32
      %scan3A_124 = arith.constant 1 : i32
      %scan3A_125 = scf.for %scan3A_138 = %scan3A_121 to %scan3A_123 step %scan3A_124 iter_args(%scan3A_139 = %scan3A_120) -> (i32)  : i32 {
        %mul3A_140 = arith.constant 16 : i32
        %mul3A_141 = arith.muli %scan3A_138, %mul3A_140 : i32
        %swap3A = arith.index_cast %scan3A_118 : i32 to index
        %swap3A_142 = arith.index_cast %mul3A_141 : i32 to index
        %swap3A_143 = tpu.vector_load %arg9[%swap3A, %swap3A_142] {strides = array<i32>} : memref<80x128xf32, #tpu.memory_space<vmem>>, vector<1x16xf32>,
        %swap3A_144 = vector.shape_cast %swap3A_143 : vector<1x16xf32> to vector<16xf32>
        %swap3A_145 = vector.shape_cast %broadcast_in_dim3A_15 : vector<16xf32> to vector<1x16xf32>
        tpu.vector_store %arg9[%swap3A, %swap3A_142], %swap3A_145 {strides = array<i32>} : memref<80x128xf32, #tpu.memory_space<vmem>>, vector<1x16xf32>,
        %scan3A_146 = arith.constant 0 : i32
        scf.yield %scan3A_146 : i32
      }
      %scan3A_126 = arith.constant 8 : i32
      %scan3A_127 = arith.constant 0 : i32
      %scan3A_128 = arith.constant 1 : i32
      %scan3A_129 = arith.addi %scan3A_118, %scan3A_128 : i32
      %scan3A_130 = arith.constant 0 : i32
      %scan3A_131 = arith.constant 0 : i32
      %scan3A_132 = arith.constant 8 : i32
      %scan3A_133 = arith.addi %scan3A_131, %scan3A_132 : i32
      %scan3A_134 = arith.constant 1 : i32
      %scan3A_135 = scf.for %scan3A_138 = %scan3A_131 to %scan3A_133 step %scan3A_134 iter_args(%scan3A_139 = %scan3A_130) -> (i32)  : i32 {
        %mul3A_140 = arith.constant 16 : i32
        %mul3A_141 = arith.muli %scan3A_138, %mul3A_140 : i32
        %swap3A = arith.index_cast %scan3A_129 : i32 to index
        %swap3A_142 = arith.index_cast %mul3A_141 : i32 to index
        %swap3A_143 = tpu.vector_load %arg9[%swap3A, %swap3A_142] {strides = array<i32>} : memref<80x128xf32, #tpu.memory_space<vmem>>, vector<1x16xf32>,
        %swap3A_144 = vector.shape_cast %swap3A_143 : vector<1x16xf32> to vector<16xf32>
        %swap3A_145 = vector.shape_cast %broadcast_in_dim3A_15 : vector<16xf32> to vector<1x16xf32>
        tpu.vector_store %arg9[%swap3A, %swap3A_142], %swap3A_145 {strides = array<i32>} : memref<80x128xf32, #tpu.memory_space<vmem>>, vector<1x16xf32>,
        %scan3A_146 = arith.constant 0 : i32
        scf.yield %scan3A_146 : i32
      }
      %scan3A_136 = arith.constant 8 : i32
      %scan3A_137 = arith.constant 0 : i32
      scf.yield %scan3A_137 : i32
    }
    %scan3A_22 = arith.constant 80 : i32
    %dma_start3A = arith.constant 0 : i32
    %dma_start3A_23 = arith.constant 0 : i32
    %dma_start3A_24 = tpu.memref_slice %arg7[%dma_start3A, %dma_start3A_23] : memref<64x80xi32, #tpu.memory_space<vmem>> -> memref<1x80xi32, #tpu.memory_space<vmem>>
    %dma_start3A_25 = tpu.memref_squeeze %dma_start3A_24 : memref<1x80xi32, #tpu.memory_space<vmem>> -> memref<80xi32, #tpu.memory_space<vmem>>
    %dma_start3A_26 = arith.constant 0 : i32
    %dma_start3A_27 = arith.constant 0 : i32
    %dma_start3A_28 = tpu.memref_slice %arg10[%dma_start3A_26, %dma_start3A_27] : memref<10240x128xf32, #tpu.memory_space<vmem_shared>> -> memref<10240x128xf32, #tpu.memory_space<vmem_shared>>
    tpu.enqueue_indirect_dma source(%arg9 : memref<80x128xf32, #tpu.memory_space<vmem>>) target(%dma_start3A_28 : memref<10240x128xf32, #tpu.memory_space<vmem_shared>>) offsets(%dma_start3A_25 : memref<80xi32, #tpu.memory_space<vmem>>) semaphore(%arg14 : memref<!tpu.dma_semaphore, #tpu.memory_space<semaphore_mem>>) {add = true}
    %dma_start3A_29 = arith.constant 0 : i32
    %dma_start3A_30 = arith.constant 0 : i32
    %dma_start3A_31 = tpu.memref_slice %arg6[%dma_start3A_29, %dma_start3A_30] : memref<64x80xi32, #tpu.memory_space<vmem>> -> memref<1x80xi32, #tpu.memory_space<vmem>>
    %dma_start3A_32 = tpu.memref_squeeze %dma_start3A_31 : memref<1x80xi32, #tpu.memory_space<vmem>> -> memref<80xi32, #tpu.memory_space<vmem>>
    %dma_start3A_33 = arith.constant 0 : i32
    %dma_start3A_34 = arith.constant 0 : i32
    %dma_start3A_35 = tpu.memref_slice %arg2[%dma_start3A_33, %dma_start3A_34] : memref<10240x128xf32, #tpu.memory_space<hbm>> -> memref<10240x128xf32, #tpu.memory_space<hbm>>
    tpu.enqueue_indirect_dma source(%dma_start3A_35 : memref<10240x128xf32, #tpu.memory_space<hbm>>) target(%arg8 : memref<80x128xf32, #tpu.memory_space<vmem>>) offsets(%dma_start3A_32 : memref<80xi32, #tpu.memory_space<vmem>>) semaphore(%arg11 : memref<!tpu.dma_semaphore, #tpu.memory_space<semaphore_mem>>)
    %scan3A_36 = arith.constant 0 : i32
    %scan3A_37 = arith.constant 0 : i32
    %scan3A_38 = arith.constant 32 : i32
    %scan3A_39 = arith.addi %scan3A_37, %scan3A_38 : i32
    %scan3A_40 = arith.constant 1 : i32
    %scan3A_41 = scf.for %scan3A_118 = %scan3A_37 to %scan3A_39 step %scan3A_40 iter_args(%scan3A_119 = %scan3A_36) -> (i32)  : i32 {
      %mul3A_120 = arith.constant 2 : i32
      %mul3A_121 = arith.muli %mul3A_120, %scan3A_118 : i32
      %add3A = arith.constant 2 : i32
      %add3A_122 = arith.addi %mul3A_121, %add3A : i32
      %lt3A = arith.constant 64 : i32
      %lt3A_123 = arith.cmpi slt, %add3A_122, %lt3A : i32
      %add3A_124 = arith.constant 2 : i32
      %add3A_125 = arith.addi %mul3A_121, %add3A_124 : i32
      %jit3A = arith.constant 0 : i32
      %select_n3A = arith.select %lt3A_123, %add3A_125, %jit3A : i32
      %dma_wait3A_126 = arith.constant 0 : i32
      %dma_wait3A_127 = arith.constant 0 : i32
      %dma_wait3A_128 = tpu.memref_slice %arg7[%dma_wait3A_126, %dma_wait3A_127] : memref<64x80xi32, #tpu.memory_space<vmem>> -> memref<1x80xi32, #tpu.memory_space<vmem>>
      %dma_wait3A_129 = tpu.memref_squeeze %dma_wait3A_128 : memref<1x80xi32, #tpu.memory_space<vmem>> -> memref<80xi32, #tpu.memory_space<vmem>>
      %dma_wait3A_130 = arith.constant 0 : i32
      %dma_wait3A_131 = arith.constant 0 : i32
      %dma_wait3A_132 = tpu.memref_slice %arg10[%dma_wait3A_130, %dma_wait3A_131] : memref<10240x128xf32, #tpu.memory_space<vmem_shared>> -> memref<10240x128xf32, #tpu.memory_space<vmem_shared>>
      tpu.wait_indirect_dma semaphore(%arg14 : memref<!tpu.dma_semaphore, #tpu.memory_space<semaphore_mem>>) src(%arg9 : memref<80x128xf32, #tpu.memory_space<vmem>>) dst(%dma_wait3A_132 : memref<10240x128xf32, #tpu.memory_space<vmem_shared>>)
      %add3A_133 = arith.constant 1 : i32
      %add3A_134 = arith.addi %mul3A_121, %add3A_133 : i32
      %dma_start3A_135 = arith.constant 0 : i32
      %dma_start3A_136 = tpu.memref_slice %arg6[%add3A_134, %dma_start3A_135] : memref<64x80xi32, #tpu.memory_space<vmem>> -> memref<1x80xi32, #tpu.memory_space<vmem>>
      %dma_start3A_137 = tpu.memref_squeeze %dma_start3A_136 : memref<1x80xi32, #tpu.memory_space<vmem>> -> memref<80xi32, #tpu.memory_space<vmem>>
      %dma_start3A_138 = arith.constant 0 : i32
      %dma_start3A_139 = arith.constant 0 : i32
      %dma_start3A_140 = tpu.memref_slice %arg2[%dma_start3A_138, %dma_start3A_139] : memref<10240x128xf32, #tpu.memory_space<hbm>> -> memref<10240x128xf32, #tpu.memory_space<hbm>>
      tpu.enqueue_indirect_dma source(%dma_start3A_140 : memref<10240x128xf32, #tpu.memory_space<hbm>>) target(%arg9 : memref<80x128xf32, #tpu.memory_space<vmem>>) offsets(%dma_start3A_137 : memref<80xi32, #tpu.memory_space<vmem>>) semaphore(%arg12 : memref<!tpu.dma_semaphore, #tpu.memory_space<semaphore_mem>>)
      %dma_wait3A_141 = arith.constant 0 : i32
      %dma_wait3A_142 = arith.constant 0 : i32
      %dma_wait3A_143 = tpu.memref_slice %arg6[%dma_wait3A_141, %dma_wait3A_142] : memref<64x80xi32, #tpu.memory_space<vmem>> -> memref<1x80xi32, #tpu.memory_space<vmem>>
      %dma_wait3A_144 = tpu.memref_squeeze %dma_wait3A_143 : memref<1x80xi32, #tpu.memory_space<vmem>> -> memref<80xi32, #tpu.memory_space<vmem>>
      %dma_wait3A_145 = arith.constant 0 : i32
      %dma_wait3A_146 = arith.constant 0 : i32
      %dma_wait3A_147 = tpu.memref_slice %arg2[%dma_wait3A_145, %dma_wait3A_146] : memref<10240x128xf32, #tpu.memory_space<hbm>> -> memref<10240x128xf32, #tpu.memory_space<hbm>>
      tpu.wait_indirect_dma semaphore(%arg11 : memref<!tpu.dma_semaphore, #tpu.memory_space<semaphore_mem>>) src(%dma_wait3A_147 : memref<10240x128xf32, #tpu.memory_space<hbm>>) dst(%arg8 : memref<80x128xf32, #tpu.memory_space<vmem>>)
      %dma_start3A_148 = arith.constant 0 : i32
      %dma_start3A_149 = tpu.memref_slice %arg7[%mul3A_121, %dma_start3A_148] : memref<64x80xi32, #tpu.memory_space<vmem>> -> memref<1x80xi32, #tpu.memory_space<vmem>>
      %dma_start3A_150 = tpu.memref_squeeze %dma_start3A_149 : memref<1x80xi32, #tpu.memory_space<vmem>> -> memref<80xi32, #tpu.memory_space<vmem>>
      %dma_start3A_151 = arith.constant 0 : i32
      %dma_start3A_152 = arith.constant 0 : i32
      %dma_start3A_153 = tpu.memref_slice %arg10[%dma_start3A_151, %dma_start3A_152] : memref<10240x128xf32, #tpu.memory_space<vmem_shared>> -> memref<10240x128xf32, #tpu.memory_space<vmem_shared>>
      tpu.enqueue_indirect_dma source(%arg8 : memref<80x128xf32, #tpu.memory_space<vmem>>) target(%dma_start3A_153 : memref<10240x128xf32, #tpu.memory_space<vmem_shared>>) offsets(%dma_start3A_150 : memref<80xi32, #tpu.memory_space<vmem>>) semaphore(%arg13 : memref<!tpu.dma_semaphore, #tpu.memory_space<semaphore_mem>>) {add = true}
      %dma_wait3A_154 = arith.constant 0 : i32
      %dma_wait3A_155 = arith.constant 0 : i32
      %dma_wait3A_156 = tpu.memref_slice %arg7[%dma_wait3A_154, %dma_wait3A_155] : memref<64x80xi32, #tpu.memory_space<vmem>> -> memref<1x80xi32, #tpu.memory_space<vmem>>
      %dma_wait3A_157 = tpu.memref_squeeze %dma_wait3A_156 : memref<1x80xi32, #tpu.memory_space<vmem>> -> memref<80xi32, #tpu.memory_space<vmem>>
      %dma_wait3A_158 = arith.constant 0 : i32
      %dma_wait3A_159 = arith.constant 0 : i32
      %dma_wait3A_160 = tpu.memref_slice %arg10[%dma_wait3A_158, %dma_wait3A_159] : memref<10240x128xf32, #tpu.memory_space<vmem_shared>> -> memref<10240x128xf32, #tpu.memory_space<vmem_shared>>
      tpu.wait_indirect_dma semaphore(%arg13 : memref<!tpu.dma_semaphore, #tpu.memory_space<semaphore_mem>>) src(%arg8 : memref<80x128xf32, #tpu.memory_space<vmem>>) dst(%dma_wait3A_160 : memref<10240x128xf32, #tpu.memory_space<vmem_shared>>)
      %dma_start3A_161 = arith.constant 0 : i32
      %dma_start3A_162 = tpu.memref_slice %arg6[%select_n3A, %dma_start3A_161] : memref<64x80xi32, #tpu.memory_space<vmem>> -> memref<1x80xi32, #tpu.memory_space<vmem>>
      %dma_start3A_163 = tpu.memref_squeeze %dma_start3A_162 : memref<1x80xi32, #tpu.memory_space<vmem>> -> memref<80xi32, #tpu.memory_space<vmem>>
      %dma_start3A_164 = arith.constant 0 : i32
      %dma_start3A_165 = arith.constant 0 : i32
      %dma_start3A_166 = tpu.memref_slice %arg2[%dma_start3A_164, %dma_start3A_165] : memref<10240x128xf32, #tpu.memory_space<hbm>> -> memref<10240x128xf32, #tpu.memory_space<hbm>>
      tpu.enqueue_indirect_dma source(%dma_start3A_166 : memref<10240x128xf32, #tpu.memory_space<hbm>>) target(%arg8 : memref<80x128xf32, #tpu.memory_space<vmem>>) offsets(%dma_start3A_163 : memref<80xi32, #tpu.memory_space<vmem>>) semaphore(%arg11 : memref<!tpu.dma_semaphore, #tpu.memory_space<semaphore_mem>>)
      %dma_wait3A_167 = arith.constant 0 : i32
      %dma_wait3A_168 = arith.constant 0 : i32
      %dma_wait3A_169 = tpu.memref_slice %arg6[%dma_wait3A_167, %dma_wait3A_168] : memref<64x80xi32, #tpu.memory_space<vmem>> -> memref<1x80xi32, #tpu.memory_space<vmem>>
      %dma_wait3A_170 = tpu.memref_squeeze %dma_wait3A_169 : memref<1x80xi32, #tpu.memory_space<vmem>> -> memref<80xi32, #tpu.memory_space<vmem>>
      %dma_wait3A_171 = arith.constant 0 : i32
      %dma_wait3A_172 = arith.constant 0 : i32
      %dma_wait3A_173 = tpu.memref_slice %arg2[%dma_wait3A_171, %dma_wait3A_172] : memref<10240x128xf32, #tpu.memory_space<hbm>> -> memref<10240x128xf32, #tpu.memory_space<hbm>>
      tpu.wait_indirect_dma semaphore(%arg12 : memref<!tpu.dma_semaphore, #tpu.memory_space<semaphore_mem>>) src(%dma_wait3A_173 : memref<10240x128xf32, #tpu.memory_space<hbm>>) dst(%arg9 : memref<80x128xf32, #tpu.memory_space<vmem>>)
      %add3A_174 = arith.constant 1 : i32
      %add3A_175 = arith.addi %mul3A_121, %add3A_174 : i32
      %dma_start3A_176 = arith.constant 0 : i32
      %dma_start3A_177 = tpu.memref_slice %arg7[%add3A_175, %dma_start3A_176] : memref<64x80xi32, #tpu.memory_space<vmem>> -> memref<1x80xi32, #tpu.memory_space<vmem>>
      %dma_start3A_178 = tpu.memref_squeeze %dma_start3A_177 : memref<1x80xi32, #tpu.memory_space<vmem>> -> memref<80xi32, #tpu.memory_space<vmem>>
      %dma_start3A_179 = arith.constant 0 : i32
      %dma_start3A_180 = arith.constant 0 : i32
      %dma_start3A_181 = tpu.memref_slice %arg10[%dma_start3A_179, %dma_start3A_180] : memref<10240x128xf32, #tpu.memory_space<vmem_shared>> -> memref<10240x128xf32, #tpu.memory_space<vmem_shared>>
      tpu.enqueue_indirect_dma source(%arg9 : memref<80x128xf32, #tpu.memory_space<vmem>>) target(%dma_start3A_181 : memref<10240x128xf32, #tpu.memory_space<vmem_shared>>) offsets(%dma_start3A_178 : memref<80xi32, #tpu.memory_space<vmem>>) semaphore(%arg14 : memref<!tpu.dma_semaphore, #tpu.memory_space<semaphore_mem>>) {add = true}
      %scan3A_182 = arith.constant 0 : i32
      scf.yield %scan3A_182 : i32
    }
    %scan3A_42 = arith.constant 32 : i32
    %dma_wait3A = arith.constant 0 : i32
    %dma_wait3A_43 = arith.constant 0 : i32
    %dma_wait3A_44 = tpu.memref_slice %arg6[%dma_wait3A, %dma_wait3A_43] : memref<64x80xi32, #tpu.memory_space<vmem>> -> memref<1x80xi32, #tpu.memory_space<vmem>>
    %dma_wait3A_45 = tpu.memref_squeeze %dma_wait3A_44 : memref<1x80xi32, #tpu.memory_space<vmem>> -> memref<80xi32, #tpu.memory_space<vmem>>
    %dma_wait3A_46 = arith.constant 0 : i32
    %dma_wait3A_47 = arith.constant 0 : i32
    %dma_wait3A_48 = tpu.memref_slice %arg2[%dma_wait3A_46, %dma_wait3A_47] : memref<10240x128xf32, #tpu.memory_space<hbm>> -> memref<10240x128xf32, #tpu.memory_space<hbm>>
    tpu.wait_indirect_dma semaphore(%arg11 : memref<!tpu.dma_semaphore, #tpu.memory_space<semaphore_mem>>) src(%dma_wait3A_48 : memref<10240x128xf32, #tpu.memory_space<hbm>>) dst(%arg8 : memref<80x128xf32, #tpu.memory_space<vmem>>)
    %dma_wait3A_49 = arith.constant 0 : i32
    %dma_wait3A_50 = arith.constant 0 : i32
    %dma_wait3A_51 = tpu.memref_slice %arg7[%dma_wait3A_49, %dma_wait3A_50] : memref<64x80xi32, #tpu.memory_space<vmem>> -> memref<1x80xi32, #tpu.memory_space<vmem>>
    %dma_wait3A_52 = tpu.memref_squeeze %dma_wait3A_51 : memref<1x80xi32, #tpu.memory_space<vmem>> -> memref<80xi32, #tpu.memory_space<vmem>>
    %dma_wait3A_53 = arith.constant 0 : i32
    %dma_wait3A_54 = arith.constant 0 : i32
    %dma_wait3A_55 = tpu.memref_slice %arg10[%dma_wait3A_53, %dma_wait3A_54] : memref<10240x128xf32, #tpu.memory_space<vmem_shared>> -> memref<10240x128xf32, #tpu.memory_space<vmem_shared>>
    tpu.wait_indirect_dma semaphore(%arg14 : memref<!tpu.dma_semaphore, #tpu.memory_space<semaphore_mem>>) src(%arg9 : memref<80x128xf32, #tpu.memory_space<vmem>>) dst(%dma_wait3A_55 : memref<10240x128xf32, #tpu.memory_space<vmem_shared>>)
    "tpu.region"() ({
      %run_scoped3A = tpu.sem_alloc : memref<!tpu.dma_semaphore, #tpu.memory_space<semaphore_mem>>
      %dma_start3A_118 = arith.constant 0 : i32
      %dma_start3A_119 = arith.constant 0 : i32
      %dma_start3A_120 = tpu.memref_slice %arg6[%dma_start3A_118, %dma_start3A_119] : memref<64x80xi32, #tpu.memory_space<vmem>> -> memref<61x80xi32, #tpu.memory_space<vmem>>
      %dma_start3A_121 = arith.constant 64 : i32
      %dma_start3A_122 = arith.constant 0 : i32
      %dma_start3A_123 = tpu.memref_slice %arg3[%arg0, %arg1, %dma_start3A_121, %dma_start3A_122] : memref<2x16x125x80xi32, #tpu.memory_space<hbm>> -> memref<1x1x61x80xi32, #tpu.memory_space<hbm>>
      %dma_start3A_124 = tpu.memref_squeeze %dma_start3A_123 : memref<1x1x61x80xi32, #tpu.memory_space<hbm>> -> memref<61x80xi32, #tpu.memory_space<hbm>>
      %dma_start3A_125 = arith.constant 0 : i32
      %dma_start3A_126 = arith.constant 0 : i32
      %dma_start3A_127 = tpu.memref_slice %arg6[%dma_start3A_125, %dma_start3A_126] : memref<64x80xi32, #tpu.memory_space<vmem>> -> memref<61x80xi32, #tpu.memory_space<vmem>>
      %dma_start3A_128 = arith.constant 64 : i32
      %dma_start3A_129 = arith.constant 0 : i32
      %dma_start3A_130 = tpu.memref_slice %arg3[%arg0, %arg1, %dma_start3A_128, %dma_start3A_129] : memref<2x16x125x80xi32, #tpu.memory_space<hbm>> -> memref<1x1x61x80xi32, #tpu.memory_space<hbm>>
      %dma_start3A_131 = tpu.memref_squeeze %dma_start3A_130 : memref<1x1x61x80xi32, #tpu.memory_space<hbm>> -> memref<61x80xi32, #tpu.memory_space<hbm>>
      tpu.enqueue_dma source(%dma_start3A_131 : memref<61x80xi32, #tpu.memory_space<hbm>>) target(%dma_start3A_127 : memref<61x80xi32, #tpu.memory_space<vmem>>) target_semaphore(%run_scoped3A : memref<!tpu.dma_semaphore, #tpu.memory_space<semaphore_mem>>)
      %dma_wait3A_132 = arith.constant 0 : i32
      %dma_wait3A_133 = arith.constant 0 : i32
      %dma_wait3A_134 = tpu.memref_slice %arg6[%dma_wait3A_132, %dma_wait3A_133] : memref<64x80xi32, #tpu.memory_space<vmem>> -> memref<61x80xi32, #tpu.memory_space<vmem>>
      %dma_wait3A_135 = arith.constant 64 : i32
      %dma_wait3A_136 = arith.constant 0 : i32
      %dma_wait3A_137 = tpu.memref_slice %arg3[%arg0, %arg1, %dma_wait3A_135, %dma_wait3A_136] : memref<2x16x125x80xi32, #tpu.memory_space<hbm>> -> memref<1x1x61x80xi32, #tpu.memory_space<hbm>>
      %dma_wait3A_138 = tpu.memref_squeeze %dma_wait3A_137 : memref<1x1x61x80xi32, #tpu.memory_space<hbm>> -> memref<61x80xi32, #tpu.memory_space<hbm>>
      %dma_wait3A_139 = arith.constant 0 : i32
      %dma_wait3A_140 = arith.constant 0 : i32
      %dma_wait3A_141 = tpu.memref_slice %arg6[%dma_wait3A_139, %dma_wait3A_140] : memref<64x80xi32, #tpu.memory_space<vmem>> -> memref<61x80xi32, #tpu.memory_space<vmem>>
      %dma_wait3A_142 = arith.constant 64 : i32
      %dma_wait3A_143 = arith.constant 0 : i32
      %dma_wait3A_144 = tpu.memref_slice %arg3[%arg0, %arg1, %dma_wait3A_142, %dma_wait3A_143] : memref<2x16x125x80xi32, #tpu.memory_space<hbm>> -> memref<1x1x61x80xi32, #tpu.memory_space<hbm>>
      %dma_wait3A_145 = tpu.memref_squeeze %dma_wait3A_144 : memref<1x1x61x80xi32, #tpu.memory_space<hbm>> -> memref<61x80xi32, #tpu.memory_space<hbm>>
      tpu.wait_dma2 semaphore(%run_scoped3A : memref<!tpu.dma_semaphore, #tpu.memory_space<semaphore_mem>>) src(%dma_wait3A_145 : memref<61x80xi32, #tpu.memory_space<hbm>>) dst(%dma_wait3A_141 : memref<61x80xi32, #tpu.memory_space<vmem>>)
      tpu.yield
    }) : () -> ()
    "tpu.region"() ({
      %run_scoped3A = tpu.sem_alloc : memref<!tpu.dma_semaphore, #tpu.memory_space<semaphore_mem>>
      %dma_start3A_118 = arith.constant 0 : i32
      %dma_start3A_119 = arith.constant 0 : i32
      %dma_start3A_120 = tpu.memref_slice %arg7[%dma_start3A_118, %dma_start3A_119] : memref<64x80xi32, #tpu.memory_space<vmem>> -> memref<61x80xi32, #tpu.memory_space<vmem>>
      %dma_start3A_121 = arith.constant 64 : i32
      %dma_start3A_122 = arith.constant 0 : i32
      %dma_start3A_123 = tpu.memref_slice %arg4[%arg0, %arg1, %dma_start3A_121, %dma_start3A_122] : memref<2x16x125x80xi32, #tpu.memory_space<hbm>> -> memref<1x1x61x80xi32, #tpu.memory_space<hbm>>
      %dma_start3A_124 = tpu.memref_squeeze %dma_start3A_123 : memref<1x1x61x80xi32, #tpu.memory_space<hbm>> -> memref<61x80xi32, #tpu.memory_space<hbm>>
      %dma_start3A_125 = arith.constant 0 : i32
      %dma_start3A_126 = arith.constant 0 : i32
      %dma_start3A_127 = tpu.memref_slice %arg7[%dma_start3A_125, %dma_start3A_126] : memref<64x80xi32, #tpu.memory_space<vmem>> -> memref<61x80xi32, #tpu.memory_space<vmem>>
      %dma_start3A_128 = arith.constant 64 : i32
      %dma_start3A_129 = arith.constant 0 : i32
      %dma_start3A_130 = tpu.memref_slice %arg4[%arg0, %arg1, %dma_start3A_128, %dma_start3A_129] : memref<2x16x125x80xi32, #tpu.memory_space<hbm>> -> memref<1x1x61x80xi32, #tpu.memory_space<hbm>>
      %dma_start3A_131 = tpu.memref_squeeze %dma_start3A_130 : memref<1x1x61x80xi32, #tpu.memory_space<hbm>> -> memref<61x80xi32, #tpu.memory_space<hbm>>
      tpu.enqueue_dma source(%dma_start3A_131 : memref<61x80xi32, #tpu.memory_space<hbm>>) target(%dma_start3A_127 : memref<61x80xi32, #tpu.memory_space<vmem>>) target_semaphore(%run_scoped3A : memref<!tpu.dma_semaphore, #tpu.memory_space<semaphore_mem>>)
      %dma_wait3A_132 = arith.constant 0 : i32
      %dma_wait3A_133 = arith.constant 0 : i32
      %dma_wait3A_134 = tpu.memref_slice %arg7[%dma_wait3A_132, %dma_wait3A_133] : memref<64x80xi32, #tpu.memory_space<vmem>> -> memref<61x80xi32, #tpu.memory_space<vmem>>
      %dma_wait3A_135 = arith.constant 64 : i32
      %dma_wait3A_136 = arith.constant 0 : i32
      %dma_wait3A_137 = tpu.memref_slice %arg4[%arg0, %arg1, %dma_wait3A_135, %dma_wait3A_136] : memref<2x16x125x80xi32, #tpu.memory_space<hbm>> -> memref<1x1x61x80xi32, #tpu.memory_space<hbm>>
      %dma_wait3A_138 = tpu.memref_squeeze %dma_wait3A_137 : memref<1x1x61x80xi32, #tpu.memory_space<hbm>> -> memref<61x80xi32, #tpu.memory_space<hbm>>
      %dma_wait3A_139 = arith.constant 0 : i32
      %dma_wait3A_140 = arith.constant 0 : i32
      %dma_wait3A_141 = tpu.memref_slice %arg7[%dma_wait3A_139, %dma_wait3A_140] : memref<64x80xi32, #tpu.memory_space<vmem>> -> memref<61x80xi32, #tpu.memory_space<vmem>>
      %dma_wait3A_142 = arith.constant 64 : i32
      %dma_wait3A_143 = arith.constant 0 : i32
      %dma_wait3A_144 = tpu.memref_slice %arg4[%arg0, %arg1, %dma_wait3A_142, %dma_wait3A_143] : memref<2x16x125x80xi32, #tpu.memory_space<hbm>> -> memref<1x1x61x80xi32, #tpu.memory_space<hbm>>
      %dma_wait3A_145 = tpu.memref_squeeze %dma_wait3A_144 : memref<1x1x61x80xi32, #tpu.memory_space<hbm>> -> memref<61x80xi32, #tpu.memory_space<hbm>>
      tpu.wait_dma2 semaphore(%run_scoped3A : memref<!tpu.dma_semaphore, #tpu.memory_space<semaphore_mem>>) src(%dma_wait3A_145 : memref<61x80xi32, #tpu.memory_space<hbm>>) dst(%dma_wait3A_141 : memref<61x80xi32, #tpu.memory_space<vmem>>)
      tpu.yield
    }) : () -> ()
    %broadcast_in_dim3A_56 = arith.constant 0.000000e+00 : f32
    %broadcast_in_dim3A_57 = vector.broadcast %broadcast_in_dim3A_56 : f32 to vector<16xf32>
    %scan3A_58 = arith.constant 0 : i32
    %scan3A_59 = arith.constant 0 : i32
    %scan3A_60 = arith.constant 80 : i32
    %scan3A_61 = arith.addi %scan3A_59, %scan3A_60 : i32
    %scan3A_62 = arith.constant 2 : i32
    %scan3A_63 = scf.for %scan3A_118 = %scan3A_59 to %scan3A_61 step %scan3A_62 iter_args(%scan3A_119 = %scan3A_58) -> (i32)  : i32 {
      %scan3A_120 = arith.constant 0 : i32
      %scan3A_121 = arith.constant 0 : i32
      %scan3A_122 = arith.constant 8 : i32
      %scan3A_123 = arith.addi %scan3A_121, %scan3A_122 : i32
      %scan3A_124 = arith.constant 1 : i32
      %scan3A_125 = scf.for %scan3A_138 = %scan3A_121 to %scan3A_123 step %scan3A_124 iter_args(%scan3A_139 = %scan3A_120) -> (i32)  : i32 {
        %mul3A_140 = arith.constant 16 : i32
        %mul3A_141 = arith.muli %scan3A_138, %mul3A_140 : i32
        %swap3A = arith.index_cast %scan3A_118 : i32 to index
        %swap3A_142 = arith.index_cast %mul3A_141 : i32 to index
        %swap3A_143 = tpu.vector_load %arg9[%swap3A, %swap3A_142] {strides = array<i32>} : memref<80x128xf32, #tpu.memory_space<vmem>>, vector<1x16xf32>,
        %swap3A_144 = vector.shape_cast %swap3A_143 : vector<1x16xf32> to vector<16xf32>
        %swap3A_145 = vector.shape_cast %broadcast_in_dim3A_57 : vector<16xf32> to vector<1x16xf32>
        tpu.vector_store %arg9[%swap3A, %swap3A_142], %swap3A_145 {strides = array<i32>} : memref<80x128xf32, #tpu.memory_space<vmem>>, vector<1x16xf32>,
        %scan3A_146 = arith.constant 0 : i32
        scf.yield %scan3A_146 : i32
      }
      %scan3A_126 = arith.constant 8 : i32
      %scan3A_127 = arith.constant 0 : i32
      %scan3A_128 = arith.constant 1 : i32
      %scan3A_129 = arith.addi %scan3A_118, %scan3A_128 : i32
      %scan3A_130 = arith.constant 0 : i32
      %scan3A_131 = arith.constant 0 : i32
      %scan3A_132 = arith.constant 8 : i32
      %scan3A_133 = arith.addi %scan3A_131, %scan3A_132 : i32
      %scan3A_134 = arith.constant 1 : i32
      %scan3A_135 = scf.for %scan3A_138 = %scan3A_131 to %scan3A_133 step %scan3A_134 iter_args(%scan3A_139 = %scan3A_130) -> (i32)  : i32 {
        %mul3A_140 = arith.constant 16 : i32
        %mul3A_141 = arith.muli %scan3A_138, %mul3A_140 : i32
        %swap3A = arith.index_cast %scan3A_129 : i32 to index
        %swap3A_142 = arith.index_cast %mul3A_141 : i32 to index
        %swap3A_143 = tpu.vector_load %arg9[%swap3A, %swap3A_142] {strides = array<i32>} : memref<80x128xf32, #tpu.memory_space<vmem>>, vector<1x16xf32>,
        %swap3A_144 = vector.shape_cast %swap3A_143 : vector<1x16xf32> to vector<16xf32>
        %swap3A_145 = vector.shape_cast %broadcast_in_dim3A_57 : vector<16xf32> to vector<1x16xf32>
        tpu.vector_store %arg9[%swap3A, %swap3A_142], %swap3A_145 {strides = array<i32>} : memref<80x128xf32, #tpu.memory_space<vmem>>, vector<1x16xf32>,
        %scan3A_146 = arith.constant 0 : i32
        scf.yield %scan3A_146 : i32
      }
      %scan3A_136 = arith.constant 8 : i32
      %scan3A_137 = arith.constant 0 : i32
      scf.yield %scan3A_137 : i32
    }
    %scan3A_64 = arith.constant 80 : i32
    %dma_start3A_65 = arith.constant 0 : i32
    %dma_start3A_66 = arith.constant 0 : i32
    %dma_start3A_67 = tpu.memref_slice %arg7[%dma_start3A_65, %dma_start3A_66] : memref<64x80xi32, #tpu.memory_space<vmem>> -> memref<1x80xi32, #tpu.memory_space<vmem>>
    %dma_start3A_68 = tpu.memref_squeeze %dma_start3A_67 : memref<1x80xi32, #tpu.memory_space<vmem>> -> memref<80xi32, #tpu.memory_space<vmem>>
    %dma_start3A_69 = arith.constant 0 : i32
    %dma_start3A_70 = arith.constant 0 : i32
    %dma_start3A_71 = tpu.memref_slice %arg10[%dma_start3A_69, %dma_start3A_70] : memref<10240x128xf32, #tpu.memory_space<vmem_shared>> -> memref<10240x128xf32, #tpu.memory_space<vmem_shared>>
    tpu.enqueue_indirect_dma source(%arg9 : memref<80x128xf32, #tpu.memory_space<vmem>>) target(%dma_start3A_71 : memref<10240x128xf32, #tpu.memory_space<vmem_shared>>) offsets(%dma_start3A_68 : memref<80xi32, #tpu.memory_space<vmem>>) semaphore(%arg14 : memref<!tpu.dma_semaphore, #tpu.memory_space<semaphore_mem>>) {add = true}
    %dma_start3A_72 = arith.constant 0 : i32
    %dma_start3A_73 = arith.constant 0 : i32
    %dma_start3A_74 = tpu.memref_slice %arg6[%dma_start3A_72, %dma_start3A_73] : memref<64x80xi32, #tpu.memory_space<vmem>> -> memref<1x80xi32, #tpu.memory_space<vmem>>
    %dma_start3A_75 = tpu.memref_squeeze %dma_start3A_74 : memref<1x80xi32, #tpu.memory_space<vmem>> -> memref<80xi32, #tpu.memory_space<vmem>>
    %dma_start3A_76 = arith.constant 0 : i32
    %dma_start3A_77 = arith.constant 0 : i32
    %dma_start3A_78 = tpu.memref_slice %arg2[%dma_start3A_76, %dma_start3A_77] : memref<10240x128xf32, #tpu.memory_space<hbm>> -> memref<10240x128xf32, #tpu.memory_space<hbm>>
    tpu.enqueue_indirect_dma source(%dma_start3A_78 : memref<10240x128xf32, #tpu.memory_space<hbm>>) target(%arg8 : memref<80x128xf32, #tpu.memory_space<vmem>>) offsets(%dma_start3A_75 : memref<80xi32, #tpu.memory_space<vmem>>) semaphore(%arg11 : memref<!tpu.dma_semaphore, #tpu.memory_space<semaphore_mem>>)
    %scan3A_79 = arith.constant 0 : i32
    %scan3A_80 = arith.constant 0 : i32
    %scan3A_81 = arith.constant 30 : i32
    %scan3A_82 = arith.addi %scan3A_80, %scan3A_81 : i32
    %scan3A_83 = arith.constant 1 : i32
    %scan3A_84 = scf.for %scan3A_118 = %scan3A_80 to %scan3A_82 step %scan3A_83 iter_args(%scan3A_119 = %scan3A_79) -> (i32)  : i32 {
      %mul3A_120 = arith.constant 2 : i32
      %mul3A_121 = arith.muli %mul3A_120, %scan3A_118 : i32
      %add3A = arith.constant 2 : i32
      %add3A_122 = arith.addi %mul3A_121, %add3A : i32
      %dma_wait3A_123 = arith.constant 0 : i32
      %dma_wait3A_124 = arith.constant 0 : i32
      %dma_wait3A_125 = tpu.memref_slice %arg7[%dma_wait3A_123, %dma_wait3A_124] : memref<64x80xi32, #tpu.memory_space<vmem>> -> memref<1x80xi32, #tpu.memory_space<vmem>>
      %dma_wait3A_126 = tpu.memref_squeeze %dma_wait3A_125 : memref<1x80xi32, #tpu.memory_space<vmem>> -> memref<80xi32, #tpu.memory_space<vmem>>
      %dma_wait3A_127 = arith.constant 0 : i32
      %dma_wait3A_128 = arith.constant 0 : i32
      %dma_wait3A_129 = tpu.memref_slice %arg10[%dma_wait3A_127, %dma_wait3A_128] : memref<10240x128xf32, #tpu.memory_space<vmem_shared>> -> memref<10240x128xf32, #tpu.memory_space<vmem_shared>>
      tpu.wait_indirect_dma semaphore(%arg14 : memref<!tpu.dma_semaphore, #tpu.memory_space<semaphore_mem>>) src(%arg9 : memref<80x128xf32, #tpu.memory_space<vmem>>) dst(%dma_wait3A_129 : memref<10240x128xf32, #tpu.memory_space<vmem_shared>>)
      %add3A_130 = arith.constant 1 : i32
      %add3A_131 = arith.addi %mul3A_121, %add3A_130 : i32
      %dma_start3A_132 = arith.constant 0 : i32
      %dma_start3A_133 = tpu.memref_slice %arg6[%add3A_131, %dma_start3A_132] : memref<64x80xi32, #tpu.memory_space<vmem>> -> memref<1x80xi32, #tpu.memory_space<vmem>>
      %dma_start3A_134 = tpu.memref_squeeze %dma_start3A_133 : memref<1x80xi32, #tpu.memory_space<vmem>> -> memref<80xi32, #tpu.memory_space<vmem>>
      %dma_start3A_135 = arith.constant 0 : i32
      %dma_start3A_136 = arith.constant 0 : i32
      %dma_start3A_137 = tpu.memref_slice %arg2[%dma_start3A_135, %dma_start3A_136] : memref<10240x128xf32, #tpu.memory_space<hbm>> -> memref<10240x128xf32, #tpu.memory_space<hbm>>
      tpu.enqueue_indirect_dma source(%dma_start3A_137 : memref<10240x128xf32, #tpu.memory_space<hbm>>) target(%arg9 : memref<80x128xf32, #tpu.memory_space<vmem>>) offsets(%dma_start3A_134 : memref<80xi32, #tpu.memory_space<vmem>>) semaphore(%arg12 : memref<!tpu.dma_semaphore, #tpu.memory_space<semaphore_mem>>)
      %dma_wait3A_138 = arith.constant 0 : i32
      %dma_wait3A_139 = arith.constant 0 : i32
      %dma_wait3A_140 = tpu.memref_slice %arg6[%dma_wait3A_138, %dma_wait3A_139] : memref<64x80xi32, #tpu.memory_space<vmem>> -> memref<1x80xi32, #tpu.memory_space<vmem>>
      %dma_wait3A_141 = tpu.memref_squeeze %dma_wait3A_140 : memref<1x80xi32, #tpu.memory_space<vmem>> -> memref<80xi32, #tpu.memory_space<vmem>>
      %dma_wait3A_142 = arith.constant 0 : i32
      %dma_wait3A_143 = arith.constant 0 : i32
      %dma_wait3A_144 = tpu.memref_slice %arg2[%dma_wait3A_142, %dma_wait3A_143] : memref<10240x128xf32, #tpu.memory_space<hbm>> -> memref<10240x128xf32, #tpu.memory_space<hbm>>
      tpu.wait_indirect_dma semaphore(%arg11 : memref<!tpu.dma_semaphore, #tpu.memory_space<semaphore_mem>>) src(%dma_wait3A_144 : memref<10240x128xf32, #tpu.memory_space<hbm>>) dst(%arg8 : memref<80x128xf32, #tpu.memory_space<vmem>>)
      %dma_start3A_145 = arith.constant 0 : i32
      %dma_start3A_146 = tpu.memref_slice %arg7[%mul3A_121, %dma_start3A_145] : memref<64x80xi32, #tpu.memory_space<vmem>> -> memref<1x80xi32, #tpu.memory_space<vmem>>
      %dma_start3A_147 = tpu.memref_squeeze %dma_start3A_146 : memref<1x80xi32, #tpu.memory_space<vmem>> -> memref<80xi32, #tpu.memory_space<vmem>>
      %dma_start3A_148 = arith.constant 0 : i32
      %dma_start3A_149 = arith.constant 0 : i32
      %dma_start3A_150 = tpu.memref_slice %arg10[%dma_start3A_148, %dma_start3A_149] : memref<10240x128xf32, #tpu.memory_space<vmem_shared>> -> memref<10240x128xf32, #tpu.memory_space<vmem_shared>>
      tpu.enqueue_indirect_dma source(%arg8 : memref<80x128xf32, #tpu.memory_space<vmem>>) target(%dma_start3A_150 : memref<10240x128xf32, #tpu.memory_space<vmem_shared>>) offsets(%dma_start3A_147 : memref<80xi32, #tpu.memory_space<vmem>>) semaphore(%arg13 : memref<!tpu.dma_semaphore, #tpu.memory_space<semaphore_mem>>) {add = true}
      %dma_wait3A_151 = arith.constant 0 : i32
      %dma_wait3A_152 = arith.constant 0 : i32
      %dma_wait3A_153 = tpu.memref_slice %arg7[%dma_wait3A_151, %dma_wait3A_152] : memref<64x80xi32, #tpu.memory_space<vmem>> -> memref<1x80xi32, #tpu.memory_space<vmem>>
      %dma_wait3A_154 = tpu.memref_squeeze %dma_wait3A_153 : memref<1x80xi32, #tpu.memory_space<vmem>> -> memref<80xi32, #tpu.memory_space<vmem>>
      %dma_wait3A_155 = arith.constant 0 : i32
      %dma_wait3A_156 = arith.constant 0 : i32
      %dma_wait3A_157 = tpu.memref_slice %arg10[%dma_wait3A_155, %dma_wait3A_156] : memref<10240x128xf32, #tpu.memory_space<vmem_shared>> -> memref<10240x128xf32, #tpu.memory_space<vmem_shared>>
      tpu.wait_indirect_dma semaphore(%arg13 : memref<!tpu.dma_semaphore, #tpu.memory_space<semaphore_mem>>) src(%arg8 : memref<80x128xf32, #tpu.memory_space<vmem>>) dst(%dma_wait3A_157 : memref<10240x128xf32, #tpu.memory_space<vmem_shared>>)
      %dma_start3A_158 = arith.constant 0 : i32
      %dma_start3A_159 = tpu.memref_slice %arg6[%add3A_122, %dma_start3A_158] : memref<64x80xi32, #tpu.memory_space<vmem>> -> memref<1x80xi32, #tpu.memory_space<vmem>>
      %dma_start3A_160 = tpu.memref_squeeze %dma_start3A_159 : memref<1x80xi32, #tpu.memory_space<vmem>> -> memref<80xi32, #tpu.memory_space<vmem>>
      %dma_start3A_161 = arith.constant 0 : i32
      %dma_start3A_162 = arith.constant 0 : i32
      %dma_start3A_163 = tpu.memref_slice %arg2[%dma_start3A_161, %dma_start3A_162] : memref<10240x128xf32, #tpu.memory_space<hbm>> -> memref<10240x128xf32, #tpu.memory_space<hbm>>
      tpu.enqueue_indirect_dma source(%dma_start3A_163 : memref<10240x128xf32, #tpu.memory_space<hbm>>) target(%arg8 : memref<80x128xf32, #tpu.memory_space<vmem>>) offsets(%dma_start3A_160 : memref<80xi32, #tpu.memory_space<vmem>>) semaphore(%arg11 : memref<!tpu.dma_semaphore, #tpu.memory_space<semaphore_mem>>)
      %dma_wait3A_164 = arith.constant 0 : i32
      %dma_wait3A_165 = arith.constant 0 : i32
      %dma_wait3A_166 = tpu.memref_slice %arg6[%dma_wait3A_164, %dma_wait3A_165] : memref<64x80xi32, #tpu.memory_space<vmem>> -> memref<1x80xi32, #tpu.memory_space<vmem>>
      %dma_wait3A_167 = tpu.memref_squeeze %dma_wait3A_166 : memref<1x80xi32, #tpu.memory_space<vmem>> -> memref<80xi32, #tpu.memory_space<vmem>>
      %dma_wait3A_168 = arith.constant 0 : i32
      %dma_wait3A_169 = arith.constant 0 : i32
      %dma_wait3A_170 = tpu.memref_slice %arg2[%dma_wait3A_168, %dma_wait3A_169] : memref<10240x128xf32, #tpu.memory_space<hbm>> -> memref<10240x128xf32, #tpu.memory_space<hbm>>
      tpu.wait_indirect_dma semaphore(%arg12 : memref<!tpu.dma_semaphore, #tpu.memory_space<semaphore_mem>>) src(%dma_wait3A_170 : memref<10240x128xf32, #tpu.memory_space<hbm>>) dst(%arg9 : memref<80x128xf32, #tpu.memory_space<vmem>>)
      %add3A_171 = arith.constant 1 : i32
      %add3A_172 = arith.addi %mul3A_121, %add3A_171 : i32
      %dma_start3A_173 = arith.constant 0 : i32
      %dma_start3A_174 = tpu.memref_slice %arg7[%add3A_172, %dma_start3A_173] : memref<64x80xi32, #tpu.memory_space<vmem>> -> memref<1x80xi32, #tpu.memory_space<vmem>>
      %dma_start3A_175 = tpu.memref_squeeze %dma_start3A_174 : memref<1x80xi32, #tpu.memory_space<vmem>> -> memref<80xi32, #tpu.memory_space<vmem>>
      %dma_start3A_176 = arith.constant 0 : i32
      %dma_start3A_177 = arith.constant 0 : i32
      %dma_start3A_178 = tpu.memref_slice %arg10[%dma_start3A_176, %dma_start3A_177] : memref<10240x128xf32, #tpu.memory_space<vmem_shared>> -> memref<10240x128xf32, #tpu.memory_space<vmem_shared>>
      tpu.enqueue_indirect_dma source(%arg9 : memref<80x128xf32, #tpu.memory_space<vmem>>) target(%dma_start3A_178 : memref<10240x128xf32, #tpu.memory_space<vmem_shared>>) offsets(%dma_start3A_175 : memref<80xi32, #tpu.memory_space<vmem>>) semaphore(%arg14 : memref<!tpu.dma_semaphore, #tpu.memory_space<semaphore_mem>>) {add = true}
      %scan3A_179 = arith.constant 0 : i32
      scf.yield %scan3A_179 : i32
    }
    %scan3A_85 = arith.constant 30 : i32
    %dma_wait3A_86 = arith.constant 0 : i32
    %dma_wait3A_87 = arith.constant 0 : i32
    %dma_wait3A_88 = tpu.memref_slice %arg6[%dma_wait3A_86, %dma_wait3A_87] : memref<64x80xi32, #tpu.memory_space<vmem>> -> memref<1x80xi32, #tpu.memory_space<vmem>>
    %dma_wait3A_89 = tpu.memref_squeeze %dma_wait3A_88 : memref<1x80xi32, #tpu.memory_space<vmem>> -> memref<80xi32, #tpu.memory_space<vmem>>
    %dma_wait3A_90 = arith.constant 0 : i32
    %dma_wait3A_91 = arith.constant 0 : i32
    %dma_wait3A_92 = tpu.memref_slice %arg2[%dma_wait3A_90, %dma_wait3A_91] : memref<10240x128xf32, #tpu.memory_space<hbm>> -> memref<10240x128xf32, #tpu.memory_space<hbm>>
    tpu.wait_indirect_dma semaphore(%arg11 : memref<!tpu.dma_semaphore, #tpu.memory_space<semaphore_mem>>) src(%dma_wait3A_92 : memref<10240x128xf32, #tpu.memory_space<hbm>>) dst(%arg8 : memref<80x128xf32, #tpu.memory_space<vmem>>)
    %dma_start3A_93 = arith.constant 60 : i32
    %dma_start3A_94 = arith.constant 0 : i32
    %dma_start3A_95 = tpu.memref_slice %arg7[%dma_start3A_93, %dma_start3A_94] : memref<64x80xi32, #tpu.memory_space<vmem>> -> memref<1x80xi32, #tpu.memory_space<vmem>>
    %dma_start3A_96 = tpu.memref_squeeze %dma_start3A_95 : memref<1x80xi32, #tpu.memory_space<vmem>> -> memref<80xi32, #tpu.memory_space<vmem>>
    %dma_start3A_97 = arith.constant 0 : i32
    %dma_start3A_98 = arith.constant 0 : i32
    %dma_start3A_99 = tpu.memref_slice %arg10[%dma_start3A_97, %dma_start3A_98] : memref<10240x128xf32, #tpu.memory_space<vmem_shared>> -> memref<10240x128xf32, #tpu.memory_space<vmem_shared>>
    tpu.enqueue_indirect_dma source(%arg8 : memref<80x128xf32, #tpu.memory_space<vmem>>) target(%dma_start3A_99 : memref<10240x128xf32, #tpu.memory_space<vmem_shared>>) offsets(%dma_start3A_96 : memref<80xi32, #tpu.memory_space<vmem>>) semaphore(%arg13 : memref<!tpu.dma_semaphore, #tpu.memory_space<semaphore_mem>>) {add = true}
    %dma_wait3A_100 = arith.constant 0 : i32
    %dma_wait3A_101 = arith.constant 0 : i32
    %dma_wait3A_102 = tpu.memref_slice %arg7[%dma_wait3A_100, %dma_wait3A_101] : memref<64x80xi32, #tpu.memory_space<vmem>> -> memref<1x80xi32, #tpu.memory_space<vmem>>
    %dma_wait3A_103 = tpu.memref_squeeze %dma_wait3A_102 : memref<1x80xi32, #tpu.memory_space<vmem>> -> memref<80xi32, #tpu.memory_space<vmem>>
    %dma_wait3A_104 = arith.constant 0 : i32
    %dma_wait3A_105 = arith.constant 0 : i32
    %dma_wait3A_106 = tpu.memref_slice %arg10[%dma_wait3A_104, %dma_wait3A_105] : memref<10240x128xf32, #tpu.memory_space<vmem_shared>> -> memref<10240x128xf32, #tpu.memory_space<vmem_shared>>
    tpu.wait_indirect_dma semaphore(%arg13 : memref<!tpu.dma_semaphore, #tpu.memory_space<semaphore_mem>>) src(%arg8 : memref<80x128xf32, #tpu.memory_space<vmem>>) dst(%dma_wait3A_106 : memref<10240x128xf32, #tpu.memory_space<vmem_shared>>)
    %dma_wait3A_107 = arith.constant 0 : i32
    %dma_wait3A_108 = arith.constant 0 : i32
    %dma_wait3A_109 = tpu.memref_slice %arg7[%dma_wait3A_107, %dma_wait3A_108] : memref<64x80xi32, #tpu.memory_space<vmem>> -> memref<1x80xi32, #tpu.memory_space<vmem>>
    %dma_wait3A_110 = tpu.memref_squeeze %dma_wait3A_109 : memref<1x80xi32, #tpu.memory_space<vmem>> -> memref<80xi32, #tpu.memory_space<vmem>>
    %dma_wait3A_111 = arith.constant 0 : i32
    %dma_wait3A_112 = arith.constant 0 : i32
    %dma_wait3A_113 = tpu.memref_slice %arg10[%dma_wait3A_111, %dma_wait3A_112] : memref<10240x128xf32, #tpu.memory_space<vmem_shared>> -> memref<10240x128xf32, #tpu.memory_space<vmem_shared>>
    tpu.wait_indirect_dma semaphore(%arg14 : memref<!tpu.dma_semaphore, #tpu.memory_space<semaphore_mem>>) src(%arg9 : memref<80x128xf32, #tpu.memory_space<vmem>>) dst(%dma_wait3A_113 : memref<10240x128xf32, #tpu.memory_space<vmem_shared>>)
    %barrier3A_114 = arith.constant 0 : index
    tpu.barrier barrier_id(%barrier3A_114)
    %mul3A = arith.constant 640 : i32
    %mul3A_115 = arith.muli %arg1, %mul3A : i32
    %mul3A_116 = arith.constant 640 : i32
    %mul3A_117 = arith.muli %arg1, %mul3A_116 : i32
    "tpu.region"() ({
      %run_scoped3A = tpu.sem_alloc : memref<!tpu.dma_semaphore, #tpu.memory_space<semaphore_mem>>
      %dma_start3A_118 = arith.constant 0 : i32
      %dma_start3A_119 = tpu.memref_slice %arg5[%arg0, %mul3A_117, %dma_start3A_118] : memref<2x10240x128xf32, #tpu.memory_space<hbm>> -> memref<1x640x128xf32, #tpu.memory_space<hbm>>
      %dma_start3A_120 = tpu.memref_squeeze %dma_start3A_119 : memref<1x640x128xf32, #tpu.memory_space<hbm>> -> memref<640x128xf32, #tpu.memory_space<hbm>>
      %dma_start3A_121 = arith.constant 0 : i32
      %dma_start3A_122 = tpu.memref_slice %arg10[%mul3A_115, %dma_start3A_121] : memref<10240x128xf32, #tpu.memory_space<vmem_shared>> -> memref<640x128xf32, #tpu.memory_space<vmem_shared>>
      tpu.enqueue_dma source(%dma_start3A_122 : memref<640x128xf32, #tpu.memory_space<vmem_shared>>) target(%dma_start3A_120 : memref<640x128xf32, #tpu.memory_space<hbm>>) target_semaphore(%run_scoped3A : memref<!tpu.dma_semaphore, #tpu.memory_space<semaphore_mem>>)
      %dma_wait3A_123 = arith.constant 0 : i32
      %dma_wait3A_124 = tpu.memref_slice %arg5[%arg0, %mul3A_117, %dma_wait3A_123] : memref<2x10240x128xf32, #tpu.memory_space<hbm>> -> memref<1x640x128xf32, #tpu.memory_space<hbm>>
      %dma_wait3A_125 = tpu.memref_squeeze %dma_wait3A_124 : memref<1x640x128xf32, #tpu.memory_space<hbm>> -> memref<640x128xf32, #tpu.memory_space<hbm>>
      %dma_wait3A_126 = arith.constant 0 : i32
      %dma_wait3A_127 = tpu.memref_slice %arg10[%mul3A_115, %dma_wait3A_126] : memref<10240x128xf32, #tpu.memory_space<vmem_shared>> -> memref<640x128xf32, #tpu.memory_space<vmem_shared>>
      tpu.wait_dma2 semaphore(%run_scoped3A : memref<!tpu.dma_semaphore, #tpu.memory_space<semaphore_mem>>) src(%dma_wait3A_127 : memref<640x128xf32, #tpu.memory_space<vmem_shared>>) dst(%dma_wait3A_125 : memref<640x128xf32, #tpu.memory_space<hbm>>)
      tpu.yield
    }) : () -> ()
    return
  }
}

#map = affine_map<(d0, d1) -> (0, 0, 0)>
module attributes {stable_mosaic.version = 14 : i64} {
  func.func @_sc_degree(%arg0: i32, %arg1: i32, %arg2: memref<16x10x2000xi32, #tpu.memory_space<hbm>>, %arg3: memref<2x16x81920xf32, #tpu.memory_space<hbm>>, %arg4: memref<2000xi32, #tpu.memory_space<vmem>>, %arg5: memref<81920xf32, #tpu.memory_space<vmem>>) attributes {dimension_semantics = [#tpu.dimension_semantics<core_parallel>, #tpu.dimension_semantics<subcore_parallel>], iteration_bounds = array<i64: 2, 16>, scalar_prefetch = 0 : i64, scratch_operands = 2 : i64, tpu.core_type = #tpu.core_type<sc_vector_subcore>, window_params = [{transform_indices = #map}, {transform_indices = #map}]} {
    %mul3A = arith.constant 5120 : i32
    %mul3A_0 = arith.muli %arg0, %mul3A : i32
    %broadcast_in_dim3A = arith.constant 0.000000e+00 : f32
    %broadcast_in_dim3A_1 = vector.broadcast %broadcast_in_dim3A : f32 to vector<16xf32>
    %broadcast_in_dim3A_2 = arith.constant 1.000000e+00 : f32
    %broadcast_in_dim3A_3 = vector.broadcast %broadcast_in_dim3A_2 : f32 to vector<16xf32>
    %iota3A = tpu.iota {dimensions = array<i32: 0>} : vector<16xi32>
    %scan3A = arith.constant 0 : i32
    %scan3A_4 = arith.constant 0 : i32
    %scan3A_5 = arith.constant 5120 : i32
    %scan3A_6 = arith.addi %scan3A_4, %scan3A_5 : i32
    %scan3A_7 = arith.constant 8 : i32
    %scan3A_8 = scf.for %scan3A_17 = %scan3A_4 to %scan3A_6 step %scan3A_7 iter_args(%scan3A_18 = %scan3A) -> (i32)  : i32 {
      %mul3A_19 = arith.constant 16 : i32
      %mul3A_20 = arith.muli %scan3A_17, %mul3A_19 : i32
      %swap3A = arith.index_cast %mul3A_20 : i32 to index
      %swap3A_21 = tpu.vector_load %arg5[%swap3A] {strides = array<i32>} : memref<81920xf32, #tpu.memory_space<vmem>>, vector<16xf32>,
      tpu.vector_store %arg5[%swap3A], %broadcast_in_dim3A_1 {strides = array<i32>} : memref<81920xf32, #tpu.memory_space<vmem>>, vector<16xf32>,
      %scan3A_22 = arith.constant 0 : i32
      %scan3A_23 = arith.constant 1 : i32
      %scan3A_24 = arith.addi %scan3A_17, %scan3A_23 : i32
      %mul3A_25 = arith.constant 16 : i32
      %mul3A_26 = arith.muli %scan3A_24, %mul3A_25 : i32
      %swap3A_27 = arith.index_cast %mul3A_26 : i32 to index
      %swap3A_28 = tpu.vector_load %arg5[%swap3A_27] {strides = array<i32>} : memref<81920xf32, #tpu.memory_space<vmem>>, vector<16xf32>,
      tpu.vector_store %arg5[%swap3A_27], %broadcast_in_dim3A_1 {strides = array<i32>} : memref<81920xf32, #tpu.memory_space<vmem>>, vector<16xf32>,
      %scan3A_29 = arith.constant 0 : i32
      %scan3A_30 = arith.constant 2 : i32
      %scan3A_31 = arith.addi %scan3A_17, %scan3A_30 : i32
      %mul3A_32 = arith.constant 16 : i32
      %mul3A_33 = arith.muli %scan3A_31, %mul3A_32 : i32
      %swap3A_34 = arith.index_cast %mul3A_33 : i32 to index
      %swap3A_35 = tpu.vector_load %arg5[%swap3A_34] {strides = array<i32>} : memref<81920xf32, #tpu.memory_space<vmem>>, vector<16xf32>,
      tpu.vector_store %arg5[%swap3A_34], %broadcast_in_dim3A_1 {strides = array<i32>} : memref<81920xf32, #tpu.memory_space<vmem>>, vector<16xf32>,
      %scan3A_36 = arith.constant 0 : i32
      %scan3A_37 = arith.constant 3 : i32
      %scan3A_38 = arith.addi %scan3A_17, %scan3A_37 : i32
      %mul3A_39 = arith.constant 16 : i32
      %mul3A_40 = arith.muli %scan3A_38, %mul3A_39 : i32
      %swap3A_41 = arith.index_cast %mul3A_40 : i32 to index
      %swap3A_42 = tpu.vector_load %arg5[%swap3A_41] {strides = array<i32>} : memref<81920xf32, #tpu.memory_space<vmem>>, vector<16xf32>,
      tpu.vector_store %arg5[%swap3A_41], %broadcast_in_dim3A_1 {strides = array<i32>} : memref<81920xf32, #tpu.memory_space<vmem>>, vector<16xf32>,
      %scan3A_43 = arith.constant 0 : i32
      %scan3A_44 = arith.constant 4 : i32
      %scan3A_45 = arith.addi %scan3A_17, %scan3A_44 : i32
      %mul3A_46 = arith.constant 16 : i32
      %mul3A_47 = arith.muli %scan3A_45, %mul3A_46 : i32
      %swap3A_48 = arith.index_cast %mul3A_47 : i32 to index
      %swap3A_49 = tpu.vector_load %arg5[%swap3A_48] {strides = array<i32>} : memref<81920xf32, #tpu.memory_space<vmem>>, vector<16xf32>,
      tpu.vector_store %arg5[%swap3A_48], %broadcast_in_dim3A_1 {strides = array<i32>} : memref<81920xf32, #tpu.memory_space<vmem>>, vector<16xf32>,
      %scan3A_50 = arith.constant 0 : i32
      %scan3A_51 = arith.constant 5 : i32
      %scan3A_52 = arith.addi %scan3A_17, %scan3A_51 : i32
      %mul3A_53 = arith.constant 16 : i32
      %mul3A_54 = arith.muli %scan3A_52, %mul3A_53 : i32
      %swap3A_55 = arith.index_cast %mul3A_54 : i32 to index
      %swap3A_56 = tpu.vector_load %arg5[%swap3A_55] {strides = array<i32>} : memref<81920xf32, #tpu.memory_space<vmem>>, vector<16xf32>,
      tpu.vector_store %arg5[%swap3A_55], %broadcast_in_dim3A_1 {strides = array<i32>} : memref<81920xf32, #tpu.memory_space<vmem>>, vector<16xf32>,
      %scan3A_57 = arith.constant 0 : i32
      %scan3A_58 = arith.constant 6 : i32
      %scan3A_59 = arith.addi %scan3A_17, %scan3A_58 : i32
      %mul3A_60 = arith.constant 16 : i32
      %mul3A_61 = arith.muli %scan3A_59, %mul3A_60 : i32
      %swap3A_62 = arith.index_cast %mul3A_61 : i32 to index
      %swap3A_63 = tpu.vector_load %arg5[%swap3A_62] {strides = array<i32>} : memref<81920xf32, #tpu.memory_space<vmem>>, vector<16xf32>,
      tpu.vector_store %arg5[%swap3A_62], %broadcast_in_dim3A_1 {strides = array<i32>} : memref<81920xf32, #tpu.memory_space<vmem>>, vector<16xf32>,
      %scan3A_64 = arith.constant 0 : i32
      %scan3A_65 = arith.constant 7 : i32
      %scan3A_66 = arith.addi %scan3A_17, %scan3A_65 : i32
      %mul3A_67 = arith.constant 16 : i32
      %mul3A_68 = arith.muli %scan3A_66, %mul3A_67 : i32
      %swap3A_69 = arith.index_cast %mul3A_68 : i32 to index
      %swap3A_70 = tpu.vector_load %arg5[%swap3A_69] {strides = array<i32>} : memref<81920xf32, #tpu.memory_space<vmem>>, vector<16xf32>,
      tpu.vector_store %arg5[%swap3A_69], %broadcast_in_dim3A_1 {strides = array<i32>} : memref<81920xf32, #tpu.memory_space<vmem>>, vector<16xf32>,
      %scan3A_71 = arith.constant 0 : i32
      scf.yield %scan3A_71 : i32
    }
    %scan3A_9 = arith.constant 5120 : i32
    %scan3A_10 = arith.constant 0 : i32
    %scan3A_11 = arith.constant 0 : i32
    %scan3A_12 = arith.constant 10 : i32
    %scan3A_13 = arith.addi %scan3A_11, %scan3A_12 : i32
    %scan3A_14 = arith.constant 1 : i32
    %scan3A_15 = scf.for %scan3A_17 = %scan3A_11 to %scan3A_13 step %scan3A_14 iter_args(%scan3A_18 = %scan3A_10) -> (i32)  : i32 {
      "tpu.region"() ({
        %run_scoped3A = tpu.sem_alloc : memref<!tpu.dma_semaphore, #tpu.memory_space<semaphore_mem>>
        %dma_start3A = arith.constant 0 : i32
        %dma_start3A_43 = tpu.memref_slice %arg2[%arg1, %scan3A_17, %dma_start3A] : memref<16x10x2000xi32, #tpu.memory_space<hbm>> -> memref<1x1x2000xi32, #tpu.memory_space<hbm>>
        %dma_start3A_44 = tpu.memref_squeeze %dma_start3A_43 : memref<1x1x2000xi32, #tpu.memory_space<hbm>> -> memref<2000xi32, #tpu.memory_space<hbm>>
        %dma_start3A_45 = arith.constant 0 : i32
        %dma_start3A_46 = tpu.memref_slice %arg2[%arg1, %scan3A_17, %dma_start3A_45] : memref<16x10x2000xi32, #tpu.memory_space<hbm>> -> memref<1x1x2000xi32, #tpu.memory_space<hbm>>
        %dma_start3A_47 = tpu.memref_squeeze %dma_start3A_46 : memref<1x1x2000xi32, #tpu.memory_space<hbm>> -> memref<2000xi32, #tpu.memory_space<hbm>>
        tpu.enqueue_dma source(%dma_start3A_47 : memref<2000xi32, #tpu.memory_space<hbm>>) target(%arg4 : memref<2000xi32, #tpu.memory_space<vmem>>) target_semaphore(%run_scoped3A : memref<!tpu.dma_semaphore, #tpu.memory_space<semaphore_mem>>)
        %dma_wait3A = arith.constant 0 : i32
        %dma_wait3A_48 = tpu.memref_slice %arg2[%arg1, %scan3A_17, %dma_wait3A] : memref<16x10x2000xi32, #tpu.memory_space<hbm>> -> memref<1x1x2000xi32, #tpu.memory_space<hbm>>
        %dma_wait3A_49 = tpu.memref_squeeze %dma_wait3A_48 : memref<1x1x2000xi32, #tpu.memory_space<hbm>> -> memref<2000xi32, #tpu.memory_space<hbm>>
        %dma_wait3A_50 = arith.constant 0 : i32
        %dma_wait3A_51 = tpu.memref_slice %arg2[%arg1, %scan3A_17, %dma_wait3A_50] : memref<16x10x2000xi32, #tpu.memory_space<hbm>> -> memref<1x1x2000xi32, #tpu.memory_space<hbm>>
        %dma_wait3A_52 = tpu.memref_squeeze %dma_wait3A_51 : memref<1x1x2000xi32, #tpu.memory_space<hbm>> -> memref<2000xi32, #tpu.memory_space<hbm>>
        tpu.wait_dma2 semaphore(%run_scoped3A : memref<!tpu.dma_semaphore, #tpu.memory_space<semaphore_mem>>) src(%dma_wait3A_52 : memref<2000xi32, #tpu.memory_space<hbm>>) dst(%arg4 : memref<2000xi32, #tpu.memory_space<vmem>>)
        tpu.yield
      }) : () -> ()
      %scan3A_19 = arith.constant 0 : i32
      %scan3A_20 = arith.constant 0 : i32
      %scan3A_21 = arith.constant 124 : i32
      %scan3A_22 = arith.addi %scan3A_20, %scan3A_21 : i32
      %scan3A_23 = arith.constant 4 : i32
      %scan3A_24 = scf.for %scan3A_43 = %scan3A_20 to %scan3A_22 step %scan3A_23 iter_args(%scan3A_44 = %scan3A_19) -> (i32)  : i32 {
        %mul3A_45 = arith.constant 16 : i32
        %mul3A_46 = arith.muli %scan3A_43, %mul3A_45 : i32
        %get3A_47 = arith.index_cast %mul3A_46 : i32 to index
        %get3A_48 = tpu.vector_load %arg4[%get3A_47] {strides = array<i32>} : memref<2000xi32, #tpu.memory_space<vmem>>, vector<16xi32>,
        %ge3A_49 = vector.broadcast %mul3A_0 : i32 to vector<16xi32>
        %ge3A_50 = arith.cmpi sge, %get3A_48, %ge3A_49 : vector<16xi32>
        %add3A_51 = arith.constant 5120 : i32
        %add3A_52 = arith.addi %mul3A_0, %add3A_51 : i32
        %lt3A_53 = vector.broadcast %add3A_52 : i32 to vector<16xi32>
        %lt3A_54 = arith.cmpi slt, %get3A_48, %lt3A_53 : vector<16xi32>
        %and3A_55 = arith.andi %ge3A_50, %lt3A_54 : vector<16xi1>
        %sub3A_56 = vector.broadcast %mul3A_0 : i32 to vector<16xi32>
        %sub3A_57 = arith.subi %get3A_48, %sub3A_56 : vector<16xi32>
        %mul3A_58 = arith.constant 16 : i32
        %mul3A_59 = vector.broadcast %mul3A_58 : i32 to vector<16xi32>
        %mul3A_60 = arith.muli %sub3A_57, %mul3A_59 : vector<16xi32>
        %add3A_61 = arith.addi %mul3A_60, %iota3A : vector<16xi32>
        %select_n3A_62 = arith.select %and3A_55, %add3A_61, %iota3A : vector<16xi1>, vector<16xi32>
        %jit3A_63 = arith.constant 0.000000e+00 : f32
        %broadcast_in_dim3A_64 = vector.broadcast %jit3A_63 : f32 to vector<16xf32>
        %select_n3A_65 = arith.select %and3A_55, %broadcast_in_dim3A_3, %broadcast_in_dim3A_64 : vector<16xi1>, vector<16xf32>
        tpu.vector_store_idx %arg5[%select_n3A_62], %select_n3A_65 {add = true} : memref<81920xf32, #tpu.memory_space<vmem>>[vector<16xi32>], vector<16xf32>,
        %scan3A_66 = arith.constant 0 : i32
        %scan3A_67 = arith.constant 1 : i32
        %scan3A_68 = arith.addi %scan3A_43, %scan3A_67 : i32
        %mul3A_69 = arith.constant 16 : i32
        %mul3A_70 = arith.muli %scan3A_68, %mul3A_69 : i32
        %get3A_71 = arith.index_cast %mul3A_70 : i32 to index
        %get3A_72 = tpu.vector_load %arg4[%get3A_71] {strides = array<i32>} : memref<2000xi32, #tpu.memory_space<vmem>>, vector<16xi32>,
        %ge3A_73 = vector.broadcast %mul3A_0 : i32 to vector<16xi32>
        %ge3A_74 = arith.cmpi sge, %get3A_72, %ge3A_73 : vector<16xi32>
        %add3A_75 = arith.constant 5120 : i32
        %add3A_76 = arith.addi %mul3A_0, %add3A_75 : i32
        %lt3A_77 = vector.broadcast %add3A_76 : i32 to vector<16xi32>
        %lt3A_78 = arith.cmpi slt, %get3A_72, %lt3A_77 : vector<16xi32>
        %and3A_79 = arith.andi %ge3A_74, %lt3A_78 : vector<16xi1>
        %sub3A_80 = vector.broadcast %mul3A_0 : i32 to vector<16xi32>
        %sub3A_81 = arith.subi %get3A_72, %sub3A_80 : vector<16xi32>
        %mul3A_82 = arith.constant 16 : i32
        %mul3A_83 = vector.broadcast %mul3A_82 : i32 to vector<16xi32>
        %mul3A_84 = arith.muli %sub3A_81, %mul3A_83 : vector<16xi32>
        %add3A_85 = arith.addi %mul3A_84, %iota3A : vector<16xi32>
        %select_n3A_86 = arith.select %and3A_79, %add3A_85, %iota3A : vector<16xi1>, vector<16xi32>
        %jit3A_87 = arith.constant 0.000000e+00 : f32
        %broadcast_in_dim3A_88 = vector.broadcast %jit3A_87 : f32 to vector<16xf32>
        %select_n3A_89 = arith.select %and3A_79, %broadcast_in_dim3A_3, %broadcast_in_dim3A_88 : vector<16xi1>, vector<16xf32>
        tpu.vector_store_idx %arg5[%select_n3A_86], %select_n3A_89 {add = true} : memref<81920xf32, #tpu.memory_space<vmem>>[vector<16xi32>], vector<16xf32>,
        %scan3A_90 = arith.constant 0 : i32
        %scan3A_91 = arith.constant 2 : i32
        %scan3A_92 = arith.addi %scan3A_43, %scan3A_91 : i32
        %mul3A_93 = arith.constant 16 : i32
        %mul3A_94 = arith.muli %scan3A_92, %mul3A_93 : i32
        %get3A_95 = arith.index_cast %mul3A_94 : i32 to index
        %get3A_96 = tpu.vector_load %arg4[%get3A_95] {strides = array<i32>} : memref<2000xi32, #tpu.memory_space<vmem>>, vector<16xi32>,
        %ge3A_97 = vector.broadcast %mul3A_0 : i32 to vector<16xi32>
        %ge3A_98 = arith.cmpi sge, %get3A_96, %ge3A_97 : vector<16xi32>
        %add3A_99 = arith.constant 5120 : i32
        %add3A_100 = arith.addi %mul3A_0, %add3A_99 : i32
        %lt3A_101 = vector.broadcast %add3A_100 : i32 to vector<16xi32>
        %lt3A_102 = arith.cmpi slt, %get3A_96, %lt3A_101 : vector<16xi32>
        %and3A_103 = arith.andi %ge3A_98, %lt3A_102 : vector<16xi1>
        %sub3A_104 = vector.broadcast %mul3A_0 : i32 to vector<16xi32>
        %sub3A_105 = arith.subi %get3A_96, %sub3A_104 : vector<16xi32>
        %mul3A_106 = arith.constant 16 : i32
        %mul3A_107 = vector.broadcast %mul3A_106 : i32 to vector<16xi32>
        %mul3A_108 = arith.muli %sub3A_105, %mul3A_107 : vector<16xi32>
        %add3A_109 = arith.addi %mul3A_108, %iota3A : vector<16xi32>
        %select_n3A_110 = arith.select %and3A_103, %add3A_109, %iota3A : vector<16xi1>, vector<16xi32>
        %jit3A_111 = arith.constant 0.000000e+00 : f32
        %broadcast_in_dim3A_112 = vector.broadcast %jit3A_111 : f32 to vector<16xf32>
        %select_n3A_113 = arith.select %and3A_103, %broadcast_in_dim3A_3, %broadcast_in_dim3A_112 : vector<16xi1>, vector<16xf32>
        tpu.vector_store_idx %arg5[%select_n3A_110], %select_n3A_113 {add = true} : memref<81920xf32, #tpu.memory_space<vmem>>[vector<16xi32>], vector<16xf32>,
        %scan3A_114 = arith.constant 0 : i32
        %scan3A_115 = arith.constant 3 : i32
        %scan3A_116 = arith.addi %scan3A_43, %scan3A_115 : i32
        %mul3A_117 = arith.constant 16 : i32
        %mul3A_118 = arith.muli %scan3A_116, %mul3A_117 : i32
        %get3A_119 = arith.index_cast %mul3A_118 : i32 to index
        %get3A_120 = tpu.vector_load %arg4[%get3A_119] {strides = array<i32>} : memref<2000xi32, #tpu.memory_space<vmem>>, vector<16xi32>,
        %ge3A_121 = vector.broadcast %mul3A_0 : i32 to vector<16xi32>
        %ge3A_122 = arith.cmpi sge, %get3A_120, %ge3A_121 : vector<16xi32>
        %add3A_123 = arith.constant 5120 : i32
        %add3A_124 = arith.addi %mul3A_0, %add3A_123 : i32
        %lt3A_125 = vector.broadcast %add3A_124 : i32 to vector<16xi32>
        %lt3A_126 = arith.cmpi slt, %get3A_120, %lt3A_125 : vector<16xi32>
        %and3A_127 = arith.andi %ge3A_122, %lt3A_126 : vector<16xi1>
        %sub3A_128 = vector.broadcast %mul3A_0 : i32 to vector<16xi32>
        %sub3A_129 = arith.subi %get3A_120, %sub3A_128 : vector<16xi32>
        %mul3A_130 = arith.constant 16 : i32
        %mul3A_131 = vector.broadcast %mul3A_130 : i32 to vector<16xi32>
        %mul3A_132 = arith.muli %sub3A_129, %mul3A_131 : vector<16xi32>
        %add3A_133 = arith.addi %mul3A_132, %iota3A : vector<16xi32>
        %select_n3A_134 = arith.select %and3A_127, %add3A_133, %iota3A : vector<16xi1>, vector<16xi32>
        %jit3A_135 = arith.constant 0.000000e+00 : f32
        %broadcast_in_dim3A_136 = vector.broadcast %jit3A_135 : f32 to vector<16xf32>
        %select_n3A_137 = arith.select %and3A_127, %broadcast_in_dim3A_3, %broadcast_in_dim3A_136 : vector<16xi1>, vector<16xf32>
        tpu.vector_store_idx %arg5[%select_n3A_134], %select_n3A_137 {add = true} : memref<81920xf32, #tpu.memory_space<vmem>>[vector<16xi32>], vector<16xf32>,
        %scan3A_138 = arith.constant 0 : i32
        scf.yield %scan3A_138 : i32
      }
      %scan3A_25 = arith.constant 124 : i32
      %scan3A_26 = arith.addi %scan3A_20, %scan3A_25 : i32
      %mul3A_27 = arith.constant 16 : i32
      %mul3A_28 = arith.muli %scan3A_26, %mul3A_27 : i32
      %get3A = arith.index_cast %mul3A_28 : i32 to index
      %get3A_29 = tpu.vector_load %arg4[%get3A] {strides = array<i32>} : memref<2000xi32, #tpu.memory_space<vmem>>, vector<16xi32>,
      %ge3A = vector.broadcast %mul3A_0 : i32 to vector<16xi32>
      %ge3A_30 = arith.cmpi sge, %get3A_29, %ge3A : vector<16xi32>
      %add3A = arith.constant 5120 : i32
      %add3A_31 = arith.addi %mul3A_0, %add3A : i32
      %lt3A = vector.broadcast %add3A_31 : i32 to vector<16xi32>
      %lt3A_32 = arith.cmpi slt, %get3A_29, %lt3A : vector<16xi32>
      %and3A = arith.andi %ge3A_30, %lt3A_32 : vector<16xi1>
      %sub3A = vector.broadcast %mul3A_0 : i32 to vector<16xi32>
      %sub3A_33 = arith.subi %get3A_29, %sub3A : vector<16xi32>
      %mul3A_34 = arith.constant 16 : i32
      %mul3A_35 = vector.broadcast %mul3A_34 : i32 to vector<16xi32>
      %mul3A_36 = arith.muli %sub3A_33, %mul3A_35 : vector<16xi32>
      %add3A_37 = arith.addi %mul3A_36, %iota3A : vector<16xi32>
      %select_n3A = arith.select %and3A, %add3A_37, %iota3A : vector<16xi1>, vector<16xi32>
      %jit3A = arith.constant 0.000000e+00 : f32
      %broadcast_in_dim3A_38 = vector.broadcast %jit3A : f32 to vector<16xf32>
      %select_n3A_39 = arith.select %and3A, %broadcast_in_dim3A_3, %broadcast_in_dim3A_38 : vector<16xi1>, vector<16xf32>
      tpu.vector_store_idx %arg5[%select_n3A], %select_n3A_39 {add = true} : memref<81920xf32, #tpu.memory_space<vmem>>[vector<16xi32>], vector<16xf32>,
      %scan3A_40 = arith.constant 0 : i32
      %scan3A_41 = arith.constant 125 : i32
      %scan3A_42 = arith.constant 0 : i32
      scf.yield %scan3A_42 : i32
    }
    %scan3A_16 = arith.constant 10 : i32
    "tpu.region"() ({
      %run_scoped3A = tpu.sem_alloc : memref<!tpu.dma_semaphore, #tpu.memory_space<semaphore_mem>>
      %dma_start3A = arith.constant 0 : i32
      %dma_start3A_17 = tpu.memref_slice %arg3[%arg0, %arg1, %dma_start3A] : memref<2x16x81920xf32, #tpu.memory_space<hbm>> -> memref<1x1x81920xf32, #tpu.memory_space<hbm>>
      %dma_start3A_18 = tpu.memref_squeeze %dma_start3A_17 : memref<1x1x81920xf32, #tpu.memory_space<hbm>> -> memref<81920xf32, #tpu.memory_space<hbm>>
      %dma_start3A_19 = arith.constant 0 : i32
      %dma_start3A_20 = tpu.memref_slice %arg3[%arg0, %arg1, %dma_start3A_19] : memref<2x16x81920xf32, #tpu.memory_space<hbm>> -> memref<1x1x81920xf32, #tpu.memory_space<hbm>>
      %dma_start3A_21 = tpu.memref_squeeze %dma_start3A_20 : memref<1x1x81920xf32, #tpu.memory_space<hbm>> -> memref<81920xf32, #tpu.memory_space<hbm>>
      tpu.enqueue_dma source(%arg5 : memref<81920xf32, #tpu.memory_space<vmem>>) target(%dma_start3A_21 : memref<81920xf32, #tpu.memory_space<hbm>>) target_semaphore(%run_scoped3A : memref<!tpu.dma_semaphore, #tpu.memory_space<semaphore_mem>>)
      %dma_wait3A = arith.constant 0 : i32
      %dma_wait3A_22 = tpu.memref_slice %arg3[%arg0, %arg1, %dma_wait3A] : memref<2x16x81920xf32, #tpu.memory_space<hbm>> -> memref<1x1x81920xf32, #tpu.memory_space<hbm>>
      %dma_wait3A_23 = tpu.memref_squeeze %dma_wait3A_22 : memref<1x1x81920xf32, #tpu.memory_space<hbm>> -> memref<81920xf32, #tpu.memory_space<hbm>>
      %dma_wait3A_24 = arith.constant 0 : i32
      %dma_wait3A_25 = tpu.memref_slice %arg3[%arg0, %arg1, %dma_wait3A_24] : memref<2x16x81920xf32, #tpu.memory_space<hbm>> -> memref<1x1x81920xf32, #tpu.memory_space<hbm>>
      %dma_wait3A_26 = tpu.memref_squeeze %dma_wait3A_25 : memref<1x1x81920xf32, #tpu.memory_space<hbm>> -> memref<81920xf32, #tpu.memory_space<hbm>>
      tpu.wait_dma2 semaphore(%run_scoped3A : memref<!tpu.dma_semaphore, #tpu.memory_space<semaphore_mem>>) src(%arg5 : memref<81920xf32, #tpu.memory_space<vmem>>) dst(%dma_wait3A_26 : memref<81920xf32, #tpu.memory_space<hbm>>)
      tpu.yield
    }) : () -> ()
    return
  }
}

#map = affine_map<(d0, d1) -> (0, 0)>
#map1 = affine_map<(d0, d1) -> (0, 0, 0, 0)>
#map2 = affine_map<(d0, d1) -> (0, 0, 0)>
module attributes {stable_mosaic.version = 14 : i64} {
  func.func @_sc_scatter2(%arg0: i32, %arg1: i32, %arg2: memref<20480x128xf32, #tpu.memory_space<hbm>>, %arg3: memref<16x2x125x80xi32, #tpu.memory_space<hbm>>, %arg4: memref<16x2x125x80xi32, #tpu.memory_space<hbm>>, %arg5: memref<2x10240x128xf32, #tpu.memory_space<hbm>>, %arg6: memref<64x80xi32, #tpu.memory_space<vmem>>, %arg7: memref<64x80xi32, #tpu.memory_space<vmem>>, %arg8: memref<80x128xf32, #tpu.memory_space<vmem>>, %arg9: memref<80x128xf32, #tpu.memory_space<vmem>>, %arg10: memref<10240x128xf32, #tpu.memory_space<vmem_shared>>, %arg11: memref<!tpu.dma_semaphore, #tpu.memory_space<semaphore_mem>>, %arg12: memref<!tpu.dma_semaphore, #tpu.memory_space<semaphore_mem>>, %arg13: memref<!tpu.dma_semaphore, #tpu.memory_space<semaphore_mem>>, %arg14: memref<!tpu.dma_semaphore, #tpu.memory_space<semaphore_mem>>) attributes {dimension_semantics = [#tpu.dimension_semantics<core_parallel>, #tpu.dimension_semantics<subcore_parallel>], iteration_bounds = array<i64: 2, 16>, scalar_prefetch = 0 : i64, scratch_operands = 9 : i64, tpu.core_type = #tpu.core_type<sc_vector_subcore>, window_params = [{transform_indices = #map}, {transform_indices = #map1}, {transform_indices = #map1}, {transform_indices = #map2}]} {
    %broadcast_in_dim3A = arith.constant 0.000000e+00 : f32
    %broadcast_in_dim3A_0 = vector.broadcast %broadcast_in_dim3A : f32 to vector<16xf32>
    %scan3A = arith.constant 0 : i32
    %scan3A_1 = arith.constant 0 : i32
    %scan3A_2 = arith.constant 80 : i32
    %scan3A_3 = arith.addi %scan3A_1, %scan3A_2 : i32
    %scan3A_4 = arith.constant 2 : i32
    %scan3A_5 = scf.for %scan3A_27 = %scan3A_1 to %scan3A_3 step %scan3A_4 iter_args(%scan3A_28 = %scan3A) -> (i32)  : i32 {
      %scan3A_29 = arith.constant 0 : i32
      %scan3A_30 = arith.constant 0 : i32
      %scan3A_31 = arith.constant 8 : i32
      %scan3A_32 = arith.addi %scan3A_30, %scan3A_31 : i32
      %scan3A_33 = arith.constant 1 : i32
      %scan3A_34 = scf.for %scan3A_47 = %scan3A_30 to %scan3A_32 step %scan3A_33 iter_args(%scan3A_48 = %scan3A_29) -> (i32)  : i32 {
        %mul3A_49 = arith.constant 16 : i32
        %mul3A_50 = arith.muli %scan3A_47, %mul3A_49 : i32
        %swap3A = arith.index_cast %scan3A_27 : i32 to index
        %swap3A_51 = arith.index_cast %mul3A_50 : i32 to index
        %swap3A_52 = tpu.vector_load %arg8[%swap3A, %swap3A_51] {strides = array<i32>} : memref<80x128xf32, #tpu.memory_space<vmem>>, vector<1x16xf32>,
        %swap3A_53 = vector.shape_cast %swap3A_52 : vector<1x16xf32> to vector<16xf32>
        %swap3A_54 = vector.shape_cast %broadcast_in_dim3A_0 : vector<16xf32> to vector<1x16xf32>
        tpu.vector_store %arg8[%swap3A, %swap3A_51], %swap3A_54 {strides = array<i32>} : memref<80x128xf32, #tpu.memory_space<vmem>>, vector<1x16xf32>,
        %scan3A_55 = arith.constant 0 : i32
        scf.yield %scan3A_55 : i32
      }
      %scan3A_35 = arith.constant 8 : i32
      %scan3A_36 = arith.constant 0 : i32
      %scan3A_37 = arith.constant 1 : i32
      %scan3A_38 = arith.addi %scan3A_27, %scan3A_37 : i32
      %scan3A_39 = arith.constant 0 : i32
      %scan3A_40 = arith.constant 0 : i32
      %scan3A_41 = arith.constant 8 : i32
      %scan3A_42 = arith.addi %scan3A_40, %scan3A_41 : i32
      %scan3A_43 = arith.constant 1 : i32
      %scan3A_44 = scf.for %scan3A_47 = %scan3A_40 to %scan3A_42 step %scan3A_43 iter_args(%scan3A_48 = %scan3A_39) -> (i32)  : i32 {
        %mul3A_49 = arith.constant 16 : i32
        %mul3A_50 = arith.muli %scan3A_47, %mul3A_49 : i32
        %swap3A = arith.index_cast %scan3A_38 : i32 to index
        %swap3A_51 = arith.index_cast %mul3A_50 : i32 to index
        %swap3A_52 = tpu.vector_load %arg8[%swap3A, %swap3A_51] {strides = array<i32>} : memref<80x128xf32, #tpu.memory_space<vmem>>, vector<1x16xf32>,
        %swap3A_53 = vector.shape_cast %swap3A_52 : vector<1x16xf32> to vector<16xf32>
        %swap3A_54 = vector.shape_cast %broadcast_in_dim3A_0 : vector<16xf32> to vector<1x16xf32>
        tpu.vector_store %arg8[%swap3A, %swap3A_51], %swap3A_54 {strides = array<i32>} : memref<80x128xf32, #tpu.memory_space<vmem>>, vector<1x16xf32>,
        %scan3A_55 = arith.constant 0 : i32
        scf.yield %scan3A_55 : i32
      }
      %scan3A_45 = arith.constant 8 : i32
      %scan3A_46 = arith.constant 0 : i32
      scf.yield %scan3A_46 : i32
    }
    %scan3A_6 = arith.constant 80 : i32
    %scan3A_7 = arith.constant 0 : i32
    %scan3A_8 = arith.constant 0 : i32
    %scan3A_9 = arith.constant 8 : i32
    %scan3A_10 = arith.addi %scan3A_8, %scan3A_9 : i32
    %scan3A_11 = arith.constant 1 : i32
    %scan3A_12 = scf.for %scan3A_27 = %scan3A_8 to %scan3A_10 step %scan3A_11 iter_args(%scan3A_28 = %scan3A_7) -> (i32)  : i32 {
      %mul3A_29 = arith.constant 640 : i32
      %mul3A_30 = arith.muli %arg1, %mul3A_29 : i32
      %mul3A_31 = arith.constant 80 : i32
      %mul3A_32 = arith.muli %scan3A_27, %mul3A_31 : i32
      %add3A = arith.addi %mul3A_30, %mul3A_32 : i32
      "tpu.region"() ({
        %run_scoped3A = tpu.sem_alloc : memref<!tpu.dma_semaphore, #tpu.memory_space<semaphore_mem>>
        %dma_start3A = arith.constant 0 : i32
        %dma_start3A_34 = arith.constant 0 : i32
        %dma_start3A_35 = tpu.memref_slice %arg8[%dma_start3A, %dma_start3A_34] : memref<80x128xf32, #tpu.memory_space<vmem>> -> memref<80x128xf32, #tpu.memory_space<vmem>>
        %dma_start3A_36 = arith.constant 0 : i32
        %dma_start3A_37 = tpu.memref_slice %arg10[%add3A, %dma_start3A_36] : memref<10240x128xf32, #tpu.memory_space<vmem_shared>> -> memref<80x128xf32, #tpu.memory_space<vmem_shared>>
        %dma_start3A_38 = arith.constant 0 : i32
        %dma_start3A_39 = tpu.memref_slice %arg10[%add3A, %dma_start3A_38] : memref<10240x128xf32, #tpu.memory_space<vmem_shared>> -> memref<80x128xf32, #tpu.memory_space<vmem_shared>>
        %dma_start3A_40 = arith.constant 0 : i32
        %dma_start3A_41 = arith.constant 0 : i32
        %dma_start3A_42 = tpu.memref_slice %arg8[%dma_start3A_40, %dma_start3A_41] : memref<80x128xf32, #tpu.memory_space<vmem>> -> memref<80x128xf32, #tpu.memory_space<vmem>>
        tpu.enqueue_dma source(%dma_start3A_42 : memref<80x128xf32, #tpu.memory_space<vmem>>) target(%dma_start3A_39 : memref<80x128xf32, #tpu.memory_space<vmem_shared>>) target_semaphore(%run_scoped3A : memref<!tpu.dma_semaphore, #tpu.memory_space<semaphore_mem>>)
        %dma_wait3A = arith.constant 0 : i32
        %dma_wait3A_43 = arith.constant 0 : i32
        %dma_wait3A_44 = tpu.memref_slice %arg8[%dma_wait3A, %dma_wait3A_43] : memref<80x128xf32, #tpu.memory_space<vmem>> -> memref<80x128xf32, #tpu.memory_space<vmem>>
        %dma_wait3A_45 = arith.constant 0 : i32
        %dma_wait3A_46 = tpu.memref_slice %arg10[%add3A, %dma_wait3A_45] : memref<10240x128xf32, #tpu.memory_space<vmem_shared>> -> memref<80x128xf32, #tpu.memory_space<vmem_shared>>
        %dma_wait3A_47 = arith.constant 0 : i32
        %dma_wait3A_48 = tpu.memref_slice %arg10[%add3A, %dma_wait3A_47] : memref<10240x128xf32, #tpu.memory_space<vmem_shared>> -> memref<80x128xf32, #tpu.memory_space<vmem_shared>>
        %dma_wait3A_49 = arith.constant 0 : i32
        %dma_wait3A_50 = arith.constant 0 : i32
        %dma_wait3A_51 = tpu.memref_slice %arg8[%dma_wait3A_49, %dma_wait3A_50] : memref<80x128xf32, #tpu.memory_space<vmem>> -> memref<80x128xf32, #tpu.memory_space<vmem>>
        tpu.wait_dma2 semaphore(%run_scoped3A : memref<!tpu.dma_semaphore, #tpu.memory_space<semaphore_mem>>) src(%dma_wait3A_51 : memref<80x128xf32, #tpu.memory_space<vmem>>) dst(%dma_wait3A_48 : memref<80x128xf32, #tpu.memory_space<vmem_shared>>)
        tpu.yield
      }) : () -> ()
      %scan3A_33 = arith.constant 0 : i32
      scf.yield %scan3A_33 : i32
    }
    %scan3A_13 = arith.constant 8 : i32
    %barrier3A = arith.constant 0 : index
    tpu.barrier barrier_id(%barrier3A)
    %mul3A = arith.constant 10240 : i32
    %mul3A_14 = arith.muli %arg0, %mul3A : i32
    %scan3A_15 = arith.constant 0 : i32
    %scan3A_16 = arith.constant 0 : i32
    %scan3A_17 = arith.constant 2 : i32
    %scan3A_18 = arith.addi %scan3A_16, %scan3A_17 : i32
    %scan3A_19 = arith.constant 1 : i32
    %scan3A_20 = scf.for %scan3A_27 = %scan3A_16 to %scan3A_18 step %scan3A_19 iter_args(%scan3A_28 = %scan3A_15) -> (i32)  : i32 {
      "tpu.region"() ({
        %run_scoped3A = tpu.sem_alloc : memref<!tpu.dma_semaphore, #tpu.memory_space<semaphore_mem>>
        %dma_start3A_144 = arith.constant 0 : i32
        %dma_start3A_145 = arith.constant 0 : i32
        %dma_start3A_146 = tpu.memref_slice %arg3[%arg1, %scan3A_27, %dma_start3A_144, %dma_start3A_145] : memref<16x2x125x80xi32, #tpu.memory_space<hbm>> -> memref<1x1x64x80xi32, #tpu.memory_space<hbm>>
        %dma_start3A_147 = tpu.memref_squeeze %dma_start3A_146 : memref<1x1x64x80xi32, #tpu.memory_space<hbm>> -> memref<64x80xi32, #tpu.memory_space<hbm>>
        %dma_start3A_148 = arith.constant 0 : i32
        %dma_start3A_149 = arith.constant 0 : i32
        %dma_start3A_150 = tpu.memref_slice %arg3[%arg1, %scan3A_27, %dma_start3A_148, %dma_start3A_149] : memref<16x2x125x80xi32, #tpu.memory_space<hbm>> -> memref<1x1x64x80xi32, #tpu.memory_space<hbm>>
        %dma_start3A_151 = tpu.memref_squeeze %dma_start3A_150 : memref<1x1x64x80xi32, #tpu.memory_space<hbm>> -> memref<64x80xi32, #tpu.memory_space<hbm>>
        tpu.enqueue_dma source(%dma_start3A_151 : memref<64x80xi32, #tpu.memory_space<hbm>>) target(%arg6 : memref<64x80xi32, #tpu.memory_space<vmem>>) target_semaphore(%run_scoped3A : memref<!tpu.dma_semaphore, #tpu.memory_space<semaphore_mem>>)
        %dma_wait3A_152 = arith.constant 0 : i32
        %dma_wait3A_153 = arith.constant 0 : i32
        %dma_wait3A_154 = tpu.memref_slice %arg3[%arg1, %scan3A_27, %dma_wait3A_152, %dma_wait3A_153] : memref<16x2x125x80xi32, #tpu.memory_space<hbm>> -> memref<1x1x64x80xi32, #tpu.memory_space<hbm>>
        %dma_wait3A_155 = tpu.memref_squeeze %dma_wait3A_154 : memref<1x1x64x80xi32, #tpu.memory_space<hbm>> -> memref<64x80xi32, #tpu.memory_space<hbm>>
        %dma_wait3A_156 = arith.constant 0 : i32
        %dma_wait3A_157 = arith.constant 0 : i32
        %dma_wait3A_158 = tpu.memref_slice %arg3[%arg1, %scan3A_27, %dma_wait3A_156, %dma_wait3A_157] : memref<16x2x125x80xi32, #tpu.memory_space<hbm>> -> memref<1x1x64x80xi32, #tpu.memory_space<hbm>>
        %dma_wait3A_159 = tpu.memref_squeeze %dma_wait3A_158 : memref<1x1x64x80xi32, #tpu.memory_space<hbm>> -> memref<64x80xi32, #tpu.memory_space<hbm>>
        tpu.wait_dma2 semaphore(%run_scoped3A : memref<!tpu.dma_semaphore, #tpu.memory_space<semaphore_mem>>) src(%dma_wait3A_159 : memref<64x80xi32, #tpu.memory_space<hbm>>) dst(%arg6 : memref<64x80xi32, #tpu.memory_space<vmem>>)
        tpu.yield
      }) : () -> ()
      "tpu.region"() ({
        %run_scoped3A = tpu.sem_alloc : memref<!tpu.dma_semaphore, #tpu.memory_space<semaphore_mem>>
        %dma_start3A_144 = arith.constant 0 : i32
        %dma_start3A_145 = arith.constant 0 : i32
        %dma_start3A_146 = tpu.memref_slice %arg4[%arg1, %scan3A_27, %dma_start3A_144, %dma_start3A_145] : memref<16x2x125x80xi32, #tpu.memory_space<hbm>> -> memref<1x1x64x80xi32, #tpu.memory_space<hbm>>
        %dma_start3A_147 = tpu.memref_squeeze %dma_start3A_146 : memref<1x1x64x80xi32, #tpu.memory_space<hbm>> -> memref<64x80xi32, #tpu.memory_space<hbm>>
        %dma_start3A_148 = arith.constant 0 : i32
        %dma_start3A_149 = arith.constant 0 : i32
        %dma_start3A_150 = tpu.memref_slice %arg4[%arg1, %scan3A_27, %dma_start3A_148, %dma_start3A_149] : memref<16x2x125x80xi32, #tpu.memory_space<hbm>> -> memref<1x1x64x80xi32, #tpu.memory_space<hbm>>
        %dma_start3A_151 = tpu.memref_squeeze %dma_start3A_150 : memref<1x1x64x80xi32, #tpu.memory_space<hbm>> -> memref<64x80xi32, #tpu.memory_space<hbm>>
        tpu.enqueue_dma source(%dma_start3A_151 : memref<64x80xi32, #tpu.memory_space<hbm>>) target(%arg7 : memref<64x80xi32, #tpu.memory_space<vmem>>) target_semaphore(%run_scoped3A : memref<!tpu.dma_semaphore, #tpu.memory_space<semaphore_mem>>)
        %dma_wait3A_152 = arith.constant 0 : i32
        %dma_wait3A_153 = arith.constant 0 : i32
        %dma_wait3A_154 = tpu.memref_slice %arg4[%arg1, %scan3A_27, %dma_wait3A_152, %dma_wait3A_153] : memref<16x2x125x80xi32, #tpu.memory_space<hbm>> -> memref<1x1x64x80xi32, #tpu.memory_space<hbm>>
        %dma_wait3A_155 = tpu.memref_squeeze %dma_wait3A_154 : memref<1x1x64x80xi32, #tpu.memory_space<hbm>> -> memref<64x80xi32, #tpu.memory_space<hbm>>
        %dma_wait3A_156 = arith.constant 0 : i32
        %dma_wait3A_157 = arith.constant 0 : i32
        %dma_wait3A_158 = tpu.memref_slice %arg4[%arg1, %scan3A_27, %dma_wait3A_156, %dma_wait3A_157] : memref<16x2x125x80xi32, #tpu.memory_space<hbm>> -> memref<1x1x64x80xi32, #tpu.memory_space<hbm>>
        %dma_wait3A_159 = tpu.memref_squeeze %dma_wait3A_158 : memref<1x1x64x80xi32, #tpu.memory_space<hbm>> -> memref<64x80xi32, #tpu.memory_space<hbm>>
        tpu.wait_dma2 semaphore(%run_scoped3A : memref<!tpu.dma_semaphore, #tpu.memory_space<semaphore_mem>>) src(%dma_wait3A_159 : memref<64x80xi32, #tpu.memory_space<hbm>>) dst(%arg7 : memref<64x80xi32, #tpu.memory_space<vmem>>)
        tpu.yield
      }) : () -> ()
      %scan3A_29 = arith.constant 0 : i32
      %scan3A_30 = arith.constant 0 : i32
      %scan3A_31 = arith.constant 64 : i32
      %scan3A_32 = arith.addi %scan3A_30, %scan3A_31 : i32
      %scan3A_33 = arith.constant 1 : i32
      %scan3A_34 = scf.for %scan3A_144 = %scan3A_30 to %scan3A_32 step %scan3A_33 iter_args(%scan3A_145 = %scan3A_29) -> (i32)  : i32 {
        %scan3A_146 = arith.constant 0 : i32
        %scan3A_147 = arith.constant 0 : i32
        %scan3A_148 = arith.constant 5 : i32
        %scan3A_149 = arith.addi %scan3A_147, %scan3A_148 : i32
        %scan3A_150 = arith.constant 1 : i32
        %scan3A_151 = scf.for %scan3A_154 = %scan3A_147 to %scan3A_149 step %scan3A_150 iter_args(%scan3A_155 = %scan3A_146) -> (i32)  : i32 {
          %mul3A_156 = arith.constant 16 : i32
          %mul3A_157 = arith.muli %scan3A_154, %mul3A_156 : i32
          %get3A = arith.index_cast %scan3A_144 : i32 to index
          %get3A_158 = arith.index_cast %mul3A_157 : i32 to index
          %get3A_159 = tpu.vector_load %arg6[%get3A, %get3A_158] {strides = array<i32>} : memref<64x80xi32, #tpu.memory_space<vmem>>, vector<1x16xi32>,
          %get3A_160 = vector.shape_cast %get3A_159 : vector<1x16xi32> to vector<16xi32>
          %add3A = vector.broadcast %mul3A_14 : i32 to vector<16xi32>
          %add3A_161 = arith.addi %get3A_160, %add3A : vector<16xi32>
          %mul3A_162 = arith.constant 16 : i32
          %mul3A_163 = arith.muli %scan3A_154, %mul3A_162 : i32
          %swap3A = arith.index_cast %scan3A_144 : i32 to index
          %swap3A_164 = arith.index_cast %mul3A_163 : i32 to index
          %swap3A_165 = tpu.vector_load %arg6[%swap3A, %swap3A_164] {strides = array<i32>} : memref<64x80xi32, #tpu.memory_space<vmem>>, vector<1x16xi32>,
          %swap3A_166 = vector.shape_cast %swap3A_165 : vector<1x16xi32> to vector<16xi32>
          %swap3A_167 = vector.shape_cast %add3A_161 : vector<16xi32> to vector<1x16xi32>
          tpu.vector_store %arg6[%swap3A, %swap3A_164], %swap3A_167 {strides = array<i32>} : memref<64x80xi32, #tpu.memory_space<vmem>>, vector<1x16xi32>,
          %scan3A_168 = arith.constant 0 : i32
          scf.yield %scan3A_168 : i32
        }
        %scan3A_152 = arith.constant 5 : i32
        %scan3A_153 = arith.constant 0 : i32
        scf.yield %scan3A_153 : i32
      }
      %scan3A_35 = arith.constant 64 : i32
      %broadcast_in_dim3A_36 = arith.constant 0.000000e+00 : f32
      %broadcast_in_dim3A_37 = vector.broadcast %broadcast_in_dim3A_36 : f32 to vector<16xf32>
      %scan3A_38 = arith.constant 0 : i32
      %scan3A_39 = arith.constant 0 : i32
      %scan3A_40 = arith.constant 80 : i32
      %scan3A_41 = arith.addi %scan3A_39, %scan3A_40 : i32
      %scan3A_42 = arith.constant 2 : i32
      %scan3A_43 = scf.for %scan3A_144 = %scan3A_39 to %scan3A_41 step %scan3A_42 iter_args(%scan3A_145 = %scan3A_38) -> (i32)  : i32 {
        %scan3A_146 = arith.constant 0 : i32
        %scan3A_147 = arith.constant 0 : i32
        %scan3A_148 = arith.constant 8 : i32
        %scan3A_149 = arith.addi %scan3A_147, %scan3A_148 : i32
        %scan3A_150 = arith.constant 1 : i32
        %scan3A_151 = scf.for %scan3A_164 = %scan3A_147 to %scan3A_149 step %scan3A_150 iter_args(%scan3A_165 = %scan3A_146) -> (i32)  : i32 {
          %mul3A_166 = arith.constant 16 : i32
          %mul3A_167 = arith.muli %scan3A_164, %mul3A_166 : i32
          %swap3A = arith.index_cast %scan3A_144 : i32 to index
          %swap3A_168 = arith.index_cast %mul3A_167 : i32 to index
          %swap3A_169 = tpu.vector_load %arg9[%swap3A, %swap3A_168] {strides = array<i32>} : memref<80x128xf32, #tpu.memory_space<vmem>>, vector<1x16xf32>,
          %swap3A_170 = vector.shape_cast %swap3A_169 : vector<1x16xf32> to vector<16xf32>
          %swap3A_171 = vector.shape_cast %broadcast_in_dim3A_37 : vector<16xf32> to vector<1x16xf32>
          tpu.vector_store %arg9[%swap3A, %swap3A_168], %swap3A_171 {strides = array<i32>} : memref<80x128xf32, #tpu.memory_space<vmem>>, vector<1x16xf32>,
          %scan3A_172 = arith.constant 0 : i32
          scf.yield %scan3A_172 : i32
        }
        %scan3A_152 = arith.constant 8 : i32
        %scan3A_153 = arith.constant 0 : i32
        %scan3A_154 = arith.constant 1 : i32
        %scan3A_155 = arith.addi %scan3A_144, %scan3A_154 : i32
        %scan3A_156 = arith.constant 0 : i32
        %scan3A_157 = arith.constant 0 : i32
        %scan3A_158 = arith.constant 8 : i32
        %scan3A_159 = arith.addi %scan3A_157, %scan3A_158 : i32
        %scan3A_160 = arith.constant 1 : i32
        %scan3A_161 = scf.for %scan3A_164 = %scan3A_157 to %scan3A_159 step %scan3A_160 iter_args(%scan3A_165 = %scan3A_156) -> (i32)  : i32 {
          %mul3A_166 = arith.constant 16 : i32
          %mul3A_167 = arith.muli %scan3A_164, %mul3A_166 : i32
          %swap3A = arith.index_cast %scan3A_155 : i32 to index
          %swap3A_168 = arith.index_cast %mul3A_167 : i32 to index
          %swap3A_169 = tpu.vector_load %arg9[%swap3A, %swap3A_168] {strides = array<i32>} : memref<80x128xf32, #tpu.memory_space<vmem>>, vector<1x16xf32>,
          %swap3A_170 = vector.shape_cast %swap3A_169 : vector<1x16xf32> to vector<16xf32>
          %swap3A_171 = vector.shape_cast %broadcast_in_dim3A_37 : vector<16xf32> to vector<1x16xf32>
          tpu.vector_store %arg9[%swap3A, %swap3A_168], %swap3A_171 {strides = array<i32>} : memref<80x128xf32, #tpu.memory_space<vmem>>, vector<1x16xf32>,
          %scan3A_172 = arith.constant 0 : i32
          scf.yield %scan3A_172 : i32
        }
        %scan3A_162 = arith.constant 8 : i32
        %scan3A_163 = arith.constant 0 : i32
        scf.yield %scan3A_163 : i32
      }
      %scan3A_44 = arith.constant 80 : i32
      %dma_start3A = arith.constant 0 : i32
      %dma_start3A_45 = arith.constant 0 : i32
      %dma_start3A_46 = tpu.memref_slice %arg7[%dma_start3A, %dma_start3A_45] : memref<64x80xi32, #tpu.memory_space<vmem>> -> memref<1x80xi32, #tpu.memory_space<vmem>>
      %dma_start3A_47 = tpu.memref_squeeze %dma_start3A_46 : memref<1x80xi32, #tpu.memory_space<vmem>> -> memref<80xi32, #tpu.memory_space<vmem>>
      %dma_start3A_48 = arith.constant 0 : i32
      %dma_start3A_49 = arith.constant 0 : i32
      %dma_start3A_50 = tpu.memref_slice %arg10[%dma_start3A_48, %dma_start3A_49] : memref<10240x128xf32, #tpu.memory_space<vmem_shared>> -> memref<10240x128xf32, #tpu.memory_space<vmem_shared>>
      tpu.enqueue_indirect_dma source(%arg9 : memref<80x128xf32, #tpu.memory_space<vmem>>) target(%dma_start3A_50 : memref<10240x128xf32, #tpu.memory_space<vmem_shared>>) offsets(%dma_start3A_47 : memref<80xi32, #tpu.memory_space<vmem>>) semaphore(%arg14 : memref<!tpu.dma_semaphore, #tpu.memory_space<semaphore_mem>>) {add = true}
      %dma_start3A_51 = arith.constant 0 : i32
      %dma_start3A_52 = arith.constant 0 : i32
      %dma_start3A_53 = tpu.memref_slice %arg6[%dma_start3A_51, %dma_start3A_52] : memref<64x80xi32, #tpu.memory_space<vmem>> -> memref<1x80xi32, #tpu.memory_space<vmem>>
      %dma_start3A_54 = tpu.memref_squeeze %dma_start3A_53 : memref<1x80xi32, #tpu.memory_space<vmem>> -> memref<80xi32, #tpu.memory_space<vmem>>
      %dma_start3A_55 = arith.constant 0 : i32
      %dma_start3A_56 = arith.constant 0 : i32
      %dma_start3A_57 = tpu.memref_slice %arg2[%dma_start3A_55, %dma_start3A_56] : memref<20480x128xf32, #tpu.memory_space<hbm>> -> memref<20480x128xf32, #tpu.memory_space<hbm>>
      tpu.enqueue_indirect_dma source(%dma_start3A_57 : memref<20480x128xf32, #tpu.memory_space<hbm>>) target(%arg8 : memref<80x128xf32, #tpu.memory_space<vmem>>) offsets(%dma_start3A_54 : memref<80xi32, #tpu.memory_space<vmem>>) semaphore(%arg11 : memref<!tpu.dma_semaphore, #tpu.memory_space<semaphore_mem>>)
      %scan3A_58 = arith.constant 0 : i32
      %scan3A_59 = arith.constant 0 : i32
      %scan3A_60 = arith.constant 32 : i32
      %scan3A_61 = arith.addi %scan3A_59, %scan3A_60 : i32
      %scan3A_62 = arith.constant 1 : i32
      %scan3A_63 = scf.for %scan3A_144 = %scan3A_59 to %scan3A_61 step %scan3A_62 iter_args(%scan3A_145 = %scan3A_58) -> (i32)  : i32 {
        %mul3A_146 = arith.constant 2 : i32
        %mul3A_147 = arith.muli %mul3A_146, %scan3A_144 : i32
        %add3A = arith.constant 2 : i32
        %add3A_148 = arith.addi %mul3A_147, %add3A : i32
        %lt3A = arith.constant 64 : i32
        %lt3A_149 = arith.cmpi slt, %add3A_148, %lt3A : i32
        %add3A_150 = arith.constant 2 : i32
        %add3A_151 = arith.addi %mul3A_147, %add3A_150 : i32
        %jit3A = arith.constant 0 : i32
        %select_n3A = arith.select %lt3A_149, %add3A_151, %jit3A : i32
        %dma_wait3A_152 = arith.constant 0 : i32
        %dma_wait3A_153 = arith.constant 0 : i32
        %dma_wait3A_154 = tpu.memref_slice %arg7[%dma_wait3A_152, %dma_wait3A_153] : memref<64x80xi32, #tpu.memory_space<vmem>> -> memref<1x80xi32, #tpu.memory_space<vmem>>
        %dma_wait3A_155 = tpu.memref_squeeze %dma_wait3A_154 : memref<1x80xi32, #tpu.memory_space<vmem>> -> memref<80xi32, #tpu.memory_space<vmem>>
        %dma_wait3A_156 = arith.constant 0 : i32
        %dma_wait3A_157 = arith.constant 0 : i32
        %dma_wait3A_158 = tpu.memref_slice %arg10[%dma_wait3A_156, %dma_wait3A_157] : memref<10240x128xf32, #tpu.memory_space<vmem_shared>> -> memref<10240x128xf32, #tpu.memory_space<vmem_shared>>
        tpu.wait_indirect_dma semaphore(%arg14 : memref<!tpu.dma_semaphore, #tpu.memory_space<semaphore_mem>>) src(%arg9 : memref<80x128xf32, #tpu.memory_space<vmem>>) dst(%dma_wait3A_158 : memref<10240x128xf32, #tpu.memory_space<vmem_shared>>)
        %add3A_159 = arith.constant 1 : i32
        %add3A_160 = arith.addi %mul3A_147, %add3A_159 : i32
        %dma_start3A_161 = arith.constant 0 : i32
        %dma_start3A_162 = tpu.memref_slice %arg6[%add3A_160, %dma_start3A_161] : memref<64x80xi32, #tpu.memory_space<vmem>> -> memref<1x80xi32, #tpu.memory_space<vmem>>
        %dma_start3A_163 = tpu.memref_squeeze %dma_start3A_162 : memref<1x80xi32, #tpu.memory_space<vmem>> -> memref<80xi32, #tpu.memory_space<vmem>>
        %dma_start3A_164 = arith.constant 0 : i32
        %dma_start3A_165 = arith.constant 0 : i32
        %dma_start3A_166 = tpu.memref_slice %arg2[%dma_start3A_164, %dma_start3A_165] : memref<20480x128xf32, #tpu.memory_space<hbm>> -> memref<20480x128xf32, #tpu.memory_space<hbm>>
        tpu.enqueue_indirect_dma source(%dma_start3A_166 : memref<20480x128xf32, #tpu.memory_space<hbm>>) target(%arg9 : memref<80x128xf32, #tpu.memory_space<vmem>>) offsets(%dma_start3A_163 : memref<80xi32, #tpu.memory_space<vmem>>) semaphore(%arg12 : memref<!tpu.dma_semaphore, #tpu.memory_space<semaphore_mem>>)
        %dma_wait3A_167 = arith.constant 0 : i32
        %dma_wait3A_168 = arith.constant 0 : i32
        %dma_wait3A_169 = tpu.memref_slice %arg6[%dma_wait3A_167, %dma_wait3A_168] : memref<64x80xi32, #tpu.memory_space<vmem>> -> memref<1x80xi32, #tpu.memory_space<vmem>>
        %dma_wait3A_170 = tpu.memref_squeeze %dma_wait3A_169 : memref<1x80xi32, #tpu.memory_space<vmem>> -> memref<80xi32, #tpu.memory_space<vmem>>
        %dma_wait3A_171 = arith.constant 0 : i32
        %dma_wait3A_172 = arith.constant 0 : i32
        %dma_wait3A_173 = tpu.memref_slice %arg2[%dma_wait3A_171, %dma_wait3A_172] : memref<20480x128xf32, #tpu.memory_space<hbm>> -> memref<20480x128xf32, #tpu.memory_space<hbm>>
        tpu.wait_indirect_dma semaphore(%arg11 : memref<!tpu.dma_semaphore, #tpu.memory_space<semaphore_mem>>) src(%dma_wait3A_173 : memref<20480x128xf32, #tpu.memory_space<hbm>>) dst(%arg8 : memref<80x128xf32, #tpu.memory_space<vmem>>)
        %dma_start3A_174 = arith.constant 0 : i32
        %dma_start3A_175 = tpu.memref_slice %arg7[%mul3A_147, %dma_start3A_174] : memref<64x80xi32, #tpu.memory_space<vmem>> -> memref<1x80xi32, #tpu.memory_space<vmem>>
        %dma_start3A_176 = tpu.memref_squeeze %dma_start3A_175 : memref<1x80xi32, #tpu.memory_space<vmem>> -> memref<80xi32, #tpu.memory_space<vmem>>
        %dma_start3A_177 = arith.constant 0 : i32
        %dma_start3A_178 = arith.constant 0 : i32
        %dma_start3A_179 = tpu.memref_slice %arg10[%dma_start3A_177, %dma_start3A_178] : memref<10240x128xf32, #tpu.memory_space<vmem_shared>> -> memref<10240x128xf32, #tpu.memory_space<vmem_shared>>
        tpu.enqueue_indirect_dma source(%arg8 : memref<80x128xf32, #tpu.memory_space<vmem>>) target(%dma_start3A_179 : memref<10240x128xf32, #tpu.memory_space<vmem_shared>>) offsets(%dma_start3A_176 : memref<80xi32, #tpu.memory_space<vmem>>) semaphore(%arg13 : memref<!tpu.dma_semaphore, #tpu.memory_space<semaphore_mem>>) {add = true}
        %dma_wait3A_180 = arith.constant 0 : i32
        %dma_wait3A_181 = arith.constant 0 : i32
        %dma_wait3A_182 = tpu.memref_slice %arg7[%dma_wait3A_180, %dma_wait3A_181] : memref<64x80xi32, #tpu.memory_space<vmem>> -> memref<1x80xi32, #tpu.memory_space<vmem>>
        %dma_wait3A_183 = tpu.memref_squeeze %dma_wait3A_182 : memref<1x80xi32, #tpu.memory_space<vmem>> -> memref<80xi32, #tpu.memory_space<vmem>>
        %dma_wait3A_184 = arith.constant 0 : i32
        %dma_wait3A_185 = arith.constant 0 : i32
        %dma_wait3A_186 = tpu.memref_slice %arg10[%dma_wait3A_184, %dma_wait3A_185] : memref<10240x128xf32, #tpu.memory_space<vmem_shared>> -> memref<10240x128xf32, #tpu.memory_space<vmem_shared>>
        tpu.wait_indirect_dma semaphore(%arg13 : memref<!tpu.dma_semaphore, #tpu.memory_space<semaphore_mem>>) src(%arg8 : memref<80x128xf32, #tpu.memory_space<vmem>>) dst(%dma_wait3A_186 : memref<10240x128xf32, #tpu.memory_space<vmem_shared>>)
        %dma_start3A_187 = arith.constant 0 : i32
        %dma_start3A_188 = tpu.memref_slice %arg6[%select_n3A, %dma_start3A_187] : memref<64x80xi32, #tpu.memory_space<vmem>> -> memref<1x80xi32, #tpu.memory_space<vmem>>
        %dma_start3A_189 = tpu.memref_squeeze %dma_start3A_188 : memref<1x80xi32, #tpu.memory_space<vmem>> -> memref<80xi32, #tpu.memory_space<vmem>>
        %dma_start3A_190 = arith.constant 0 : i32
        %dma_start3A_191 = arith.constant 0 : i32
        %dma_start3A_192 = tpu.memref_slice %arg2[%dma_start3A_190, %dma_start3A_191] : memref<20480x128xf32, #tpu.memory_space<hbm>> -> memref<20480x128xf32, #tpu.memory_space<hbm>>
        tpu.enqueue_indirect_dma source(%dma_start3A_192 : memref<20480x128xf32, #tpu.memory_space<hbm>>) target(%arg8 : memref<80x128xf32, #tpu.memory_space<vmem>>) offsets(%dma_start3A_189 : memref<80xi32, #tpu.memory_space<vmem>>) semaphore(%arg11 : memref<!tpu.dma_semaphore, #tpu.memory_space<semaphore_mem>>)
        %dma_wait3A_193 = arith.constant 0 : i32
        %dma_wait3A_194 = arith.constant 0 : i32
        %dma_wait3A_195 = tpu.memref_slice %arg6[%dma_wait3A_193, %dma_wait3A_194] : memref<64x80xi32, #tpu.memory_space<vmem>> -> memref<1x80xi32, #tpu.memory_space<vmem>>
        %dma_wait3A_196 = tpu.memref_squeeze %dma_wait3A_195 : memref<1x80xi32, #tpu.memory_space<vmem>> -> memref<80xi32, #tpu.memory_space<vmem>>
        %dma_wait3A_197 = arith.constant 0 : i32
        %dma_wait3A_198 = arith.constant 0 : i32
        %dma_wait3A_199 = tpu.memref_slice %arg2[%dma_wait3A_197, %dma_wait3A_198] : memref<20480x128xf32, #tpu.memory_space<hbm>> -> memref<20480x128xf32, #tpu.memory_space<hbm>>
        tpu.wait_indirect_dma semaphore(%arg12 : memref<!tpu.dma_semaphore, #tpu.memory_space<semaphore_mem>>) src(%dma_wait3A_199 : memref<20480x128xf32, #tpu.memory_space<hbm>>) dst(%arg9 : memref<80x128xf32, #tpu.memory_space<vmem>>)
        %add3A_200 = arith.constant 1 : i32
        %add3A_201 = arith.addi %mul3A_147, %add3A_200 : i32
        %dma_start3A_202 = arith.constant 0 : i32
        %dma_start3A_203 = tpu.memref_slice %arg7[%add3A_201, %dma_start3A_202] : memref<64x80xi32, #tpu.memory_space<vmem>> -> memref<1x80xi32, #tpu.memory_space<vmem>>
        %dma_start3A_204 = tpu.memref_squeeze %dma_start3A_203 : memref<1x80xi32, #tpu.memory_space<vmem>> -> memref<80xi32, #tpu.memory_space<vmem>>
        %dma_start3A_205 = arith.constant 0 : i32
        %dma_start3A_206 = arith.constant 0 : i32
        %dma_start3A_207 = tpu.memref_slice %arg10[%dma_start3A_205, %dma_start3A_206] : memref<10240x128xf32, #tpu.memory_space<vmem_shared>> -> memref<10240x128xf32, #tpu.memory_space<vmem_shared>>
        tpu.enqueue_indirect_dma source(%arg9 : memref<80x128xf32, #tpu.memory_space<vmem>>) target(%dma_start3A_207 : memref<10240x128xf32, #tpu.memory_space<vmem_shared>>) offsets(%dma_start3A_204 : memref<80xi32, #tpu.memory_space<vmem>>) semaphore(%arg14 : memref<!tpu.dma_semaphore, #tpu.memory_space<semaphore_mem>>) {add = true}
        %scan3A_208 = arith.constant 0 : i32
        scf.yield %scan3A_208 : i32
      }
      %scan3A_64 = arith.constant 32 : i32
      %dma_wait3A = arith.constant 0 : i32
      %dma_wait3A_65 = arith.constant 0 : i32
      %dma_wait3A_66 = tpu.memref_slice %arg6[%dma_wait3A, %dma_wait3A_65] : memref<64x80xi32, #tpu.memory_space<vmem>> -> memref<1x80xi32, #tpu.memory_space<vmem>>
      %dma_wait3A_67 = tpu.memref_squeeze %dma_wait3A_66 : memref<1x80xi32, #tpu.memory_space<vmem>> -> memref<80xi32, #tpu.memory_space<vmem>>
      %dma_wait3A_68 = arith.constant 0 : i32
      %dma_wait3A_69 = arith.constant 0 : i32
      %dma_wait3A_70 = tpu.memref_slice %arg2[%dma_wait3A_68, %dma_wait3A_69] : memref<20480x128xf32, #tpu.memory_space<hbm>> -> memref<20480x128xf32, #tpu.memory_space<hbm>>
      tpu.wait_indirect_dma semaphore(%arg11 : memref<!tpu.dma_semaphore, #tpu.memory_space<semaphore_mem>>) src(%dma_wait3A_70 : memref<20480x128xf32, #tpu.memory_space<hbm>>) dst(%arg8 : memref<80x128xf32, #tpu.memory_space<vmem>>)
      %dma_wait3A_71 = arith.constant 0 : i32
      %dma_wait3A_72 = arith.constant 0 : i32
      %dma_wait3A_73 = tpu.memref_slice %arg7[%dma_wait3A_71, %dma_wait3A_72] : memref<64x80xi32, #tpu.memory_space<vmem>> -> memref<1x80xi32, #tpu.memory_space<vmem>>
      %dma_wait3A_74 = tpu.memref_squeeze %dma_wait3A_73 : memref<1x80xi32, #tpu.memory_space<vmem>> -> memref<80xi32, #tpu.memory_space<vmem>>
      %dma_wait3A_75 = arith.constant 0 : i32
      %dma_wait3A_76 = arith.constant 0 : i32
      %dma_wait3A_77 = tpu.memref_slice %arg10[%dma_wait3A_75, %dma_wait3A_76] : memref<10240x128xf32, #tpu.memory_space<vmem_shared>> -> memref<10240x128xf32, #tpu.memory_space<vmem_shared>>
      tpu.wait_indirect_dma semaphore(%arg14 : memref<!tpu.dma_semaphore, #tpu.memory_space<semaphore_mem>>) src(%arg9 : memref<80x128xf32, #tpu.memory_space<vmem>>) dst(%dma_wait3A_77 : memref<10240x128xf32, #tpu.memory_space<vmem_shared>>)
      "tpu.region"() ({
        %run_scoped3A = tpu.sem_alloc : memref<!tpu.dma_semaphore, #tpu.memory_space<semaphore_mem>>
        %dma_start3A_144 = arith.constant 0 : i32
        %dma_start3A_145 = arith.constant 0 : i32
        %dma_start3A_146 = tpu.memref_slice %arg6[%dma_start3A_144, %dma_start3A_145] : memref<64x80xi32, #tpu.memory_space<vmem>> -> memref<61x80xi32, #tpu.memory_space<vmem>>
        %dma_start3A_147 = arith.constant 64 : i32
        %dma_start3A_148 = arith.constant 0 : i32
        %dma_start3A_149 = tpu.memref_slice %arg3[%arg1, %scan3A_27, %dma_start3A_147, %dma_start3A_148] : memref<16x2x125x80xi32, #tpu.memory_space<hbm>> -> memref<1x1x61x80xi32, #tpu.memory_space<hbm>>
        %dma_start3A_150 = tpu.memref_squeeze %dma_start3A_149 : memref<1x1x61x80xi32, #tpu.memory_space<hbm>> -> memref<61x80xi32, #tpu.memory_space<hbm>>
        %dma_start3A_151 = arith.constant 0 : i32
        %dma_start3A_152 = arith.constant 0 : i32
        %dma_start3A_153 = tpu.memref_slice %arg6[%dma_start3A_151, %dma_start3A_152] : memref<64x80xi32, #tpu.memory_space<vmem>> -> memref<61x80xi32, #tpu.memory_space<vmem>>
        %dma_start3A_154 = arith.constant 64 : i32
        %dma_start3A_155 = arith.constant 0 : i32
        %dma_start3A_156 = tpu.memref_slice %arg3[%arg1, %scan3A_27, %dma_start3A_154, %dma_start3A_155] : memref<16x2x125x80xi32, #tpu.memory_space<hbm>> -> memref<1x1x61x80xi32, #tpu.memory_space<hbm>>
        %dma_start3A_157 = tpu.memref_squeeze %dma_start3A_156 : memref<1x1x61x80xi32, #tpu.memory_space<hbm>> -> memref<61x80xi32, #tpu.memory_space<hbm>>
        tpu.enqueue_dma source(%dma_start3A_157 : memref<61x80xi32, #tpu.memory_space<hbm>>) target(%dma_start3A_153 : memref<61x80xi32, #tpu.memory_space<vmem>>) target_semaphore(%run_scoped3A : memref<!tpu.dma_semaphore, #tpu.memory_space<semaphore_mem>>)
        %dma_wait3A_158 = arith.constant 0 : i32
        %dma_wait3A_159 = arith.constant 0 : i32
        %dma_wait3A_160 = tpu.memref_slice %arg6[%dma_wait3A_158, %dma_wait3A_159] : memref<64x80xi32, #tpu.memory_space<vmem>> -> memref<61x80xi32, #tpu.memory_space<vmem>>
        %dma_wait3A_161 = arith.constant 64 : i32
        %dma_wait3A_162 = arith.constant 0 : i32
        %dma_wait3A_163 = tpu.memref_slice %arg3[%arg1, %scan3A_27, %dma_wait3A_161, %dma_wait3A_162] : memref<16x2x125x80xi32, #tpu.memory_space<hbm>> -> memref<1x1x61x80xi32, #tpu.memory_space<hbm>>
        %dma_wait3A_164 = tpu.memref_squeeze %dma_wait3A_163 : memref<1x1x61x80xi32, #tpu.memory_space<hbm>> -> memref<61x80xi32, #tpu.memory_space<hbm>>
        %dma_wait3A_165 = arith.constant 0 : i32
        %dma_wait3A_166 = arith.constant 0 : i32
        %dma_wait3A_167 = tpu.memref_slice %arg6[%dma_wait3A_165, %dma_wait3A_166] : memref<64x80xi32, #tpu.memory_space<vmem>> -> memref<61x80xi32, #tpu.memory_space<vmem>>
        %dma_wait3A_168 = arith.constant 64 : i32
        %dma_wait3A_169 = arith.constant 0 : i32
        %dma_wait3A_170 = tpu.memref_slice %arg3[%arg1, %scan3A_27, %dma_wait3A_168, %dma_wait3A_169] : memref<16x2x125x80xi32, #tpu.memory_space<hbm>> -> memref<1x1x61x80xi32, #tpu.memory_space<hbm>>
        %dma_wait3A_171 = tpu.memref_squeeze %dma_wait3A_170 : memref<1x1x61x80xi32, #tpu.memory_space<hbm>> -> memref<61x80xi32, #tpu.memory_space<hbm>>
        tpu.wait_dma2 semaphore(%run_scoped3A : memref<!tpu.dma_semaphore, #tpu.memory_space<semaphore_mem>>) src(%dma_wait3A_171 : memref<61x80xi32, #tpu.memory_space<hbm>>) dst(%dma_wait3A_167 : memref<61x80xi32, #tpu.memory_space<vmem>>)
        tpu.yield
      }) : () -> ()
      "tpu.region"() ({
        %run_scoped3A = tpu.sem_alloc : memref<!tpu.dma_semaphore, #tpu.memory_space<semaphore_mem>>
        %dma_start3A_144 = arith.constant 0 : i32
        %dma_start3A_145 = arith.constant 0 : i32
        %dma_start3A_146 = tpu.memref_slice %arg7[%dma_start3A_144, %dma_start3A_145] : memref<64x80xi32, #tpu.memory_space<vmem>> -> memref<61x80xi32, #tpu.memory_space<vmem>>
        %dma_start3A_147 = arith.constant 64 : i32
        %dma_start3A_148 = arith.constant 0 : i32
        %dma_start3A_149 = tpu.memref_slice %arg4[%arg1, %scan3A_27, %dma_start3A_147, %dma_start3A_148] : memref<16x2x125x80xi32, #tpu.memory_space<hbm>> -> memref<1x1x61x80xi32, #tpu.memory_space<hbm>>
        %dma_start3A_150 = tpu.memref_squeeze %dma_start3A_149 : memref<1x1x61x80xi32, #tpu.memory_space<hbm>> -> memref<61x80xi32, #tpu.memory_space<hbm>>
        %dma_start3A_151 = arith.constant 0 : i32
        %dma_start3A_152 = arith.constant 0 : i32
        %dma_start3A_153 = tpu.memref_slice %arg7[%dma_start3A_151, %dma_start3A_152] : memref<64x80xi32, #tpu.memory_space<vmem>> -> memref<61x80xi32, #tpu.memory_space<vmem>>
        %dma_start3A_154 = arith.constant 64 : i32
        %dma_start3A_155 = arith.constant 0 : i32
        %dma_start3A_156 = tpu.memref_slice %arg4[%arg1, %scan3A_27, %dma_start3A_154, %dma_start3A_155] : memref<16x2x125x80xi32, #tpu.memory_space<hbm>> -> memref<1x1x61x80xi32, #tpu.memory_space<hbm>>
        %dma_start3A_157 = tpu.memref_squeeze %dma_start3A_156 : memref<1x1x61x80xi32, #tpu.memory_space<hbm>> -> memref<61x80xi32, #tpu.memory_space<hbm>>
        tpu.enqueue_dma source(%dma_start3A_157 : memref<61x80xi32, #tpu.memory_space<hbm>>) target(%dma_start3A_153 : memref<61x80xi32, #tpu.memory_space<vmem>>) target_semaphore(%run_scoped3A : memref<!tpu.dma_semaphore, #tpu.memory_space<semaphore_mem>>)
        %dma_wait3A_158 = arith.constant 0 : i32
        %dma_wait3A_159 = arith.constant 0 : i32
        %dma_wait3A_160 = tpu.memref_slice %arg7[%dma_wait3A_158, %dma_wait3A_159] : memref<64x80xi32, #tpu.memory_space<vmem>> -> memref<61x80xi32, #tpu.memory_space<vmem>>
        %dma_wait3A_161 = arith.constant 64 : i32
        %dma_wait3A_162 = arith.constant 0 : i32
        %dma_wait3A_163 = tpu.memref_slice %arg4[%arg1, %scan3A_27, %dma_wait3A_161, %dma_wait3A_162] : memref<16x2x125x80xi32, #tpu.memory_space<hbm>> -> memref<1x1x61x80xi32, #tpu.memory_space<hbm>>
        %dma_wait3A_164 = tpu.memref_squeeze %dma_wait3A_163 : memref<1x1x61x80xi32, #tpu.memory_space<hbm>> -> memref<61x80xi32, #tpu.memory_space<hbm>>
        %dma_wait3A_165 = arith.constant 0 : i32
        %dma_wait3A_166 = arith.constant 0 : i32
        %dma_wait3A_167 = tpu.memref_slice %arg7[%dma_wait3A_165, %dma_wait3A_166] : memref<64x80xi32, #tpu.memory_space<vmem>> -> memref<61x80xi32, #tpu.memory_space<vmem>>
        %dma_wait3A_168 = arith.constant 64 : i32
        %dma_wait3A_169 = arith.constant 0 : i32
        %dma_wait3A_170 = tpu.memref_slice %arg4[%arg1, %scan3A_27, %dma_wait3A_168, %dma_wait3A_169] : memref<16x2x125x80xi32, #tpu.memory_space<hbm>> -> memref<1x1x61x80xi32, #tpu.memory_space<hbm>>
        %dma_wait3A_171 = tpu.memref_squeeze %dma_wait3A_170 : memref<1x1x61x80xi32, #tpu.memory_space<hbm>> -> memref<61x80xi32, #tpu.memory_space<hbm>>
        tpu.wait_dma2 semaphore(%run_scoped3A : memref<!tpu.dma_semaphore, #tpu.memory_space<semaphore_mem>>) src(%dma_wait3A_171 : memref<61x80xi32, #tpu.memory_space<hbm>>) dst(%dma_wait3A_167 : memref<61x80xi32, #tpu.memory_space<vmem>>)
        tpu.yield
      }) : () -> ()
      %scan3A_78 = arith.constant 0 : i32
      %scan3A_79 = arith.constant 0 : i32
      %scan3A_80 = arith.constant 61 : i32
      %scan3A_81 = arith.addi %scan3A_79, %scan3A_80 : i32
      %scan3A_82 = arith.constant 1 : i32
      %scan3A_83 = scf.for %scan3A_144 = %scan3A_79 to %scan3A_81 step %scan3A_82 iter_args(%scan3A_145 = %scan3A_78) -> (i32)  : i32 {
        %scan3A_146 = arith.constant 0 : i32
        %scan3A_147 = arith.constant 0 : i32
        %scan3A_148 = arith.constant 5 : i32
        %scan3A_149 = arith.addi %scan3A_147, %scan3A_148 : i32
        %scan3A_150 = arith.constant 1 : i32
        %scan3A_151 = scf.for %scan3A_154 = %scan3A_147 to %scan3A_149 step %scan3A_150 iter_args(%scan3A_155 = %scan3A_146) -> (i32)  : i32 {
          %mul3A_156 = arith.constant 16 : i32
          %mul3A_157 = arith.muli %scan3A_154, %mul3A_156 : i32
          %get3A = arith.index_cast %scan3A_144 : i32 to index
          %get3A_158 = arith.index_cast %mul3A_157 : i32 to index
          %get3A_159 = tpu.vector_load %arg6[%get3A, %get3A_158] {strides = array<i32>} : memref<64x80xi32, #tpu.memory_space<vmem>>, vector<1x16xi32>,
          %get3A_160 = vector.shape_cast %get3A_159 : vector<1x16xi32> to vector<16xi32>
          %add3A = vector.broadcast %mul3A_14 : i32 to vector<16xi32>
          %add3A_161 = arith.addi %get3A_160, %add3A : vector<16xi32>
          %mul3A_162 = arith.constant 16 : i32
          %mul3A_163 = arith.muli %scan3A_154, %mul3A_162 : i32
          %swap3A = arith.index_cast %scan3A_144 : i32 to index
          %swap3A_164 = arith.index_cast %mul3A_163 : i32 to index
          %swap3A_165 = tpu.vector_load %arg6[%swap3A, %swap3A_164] {strides = array<i32>} : memref<64x80xi32, #tpu.memory_space<vmem>>, vector<1x16xi32>,
          %swap3A_166 = vector.shape_cast %swap3A_165 : vector<1x16xi32> to vector<16xi32>
          %swap3A_167 = vector.shape_cast %add3A_161 : vector<16xi32> to vector<1x16xi32>
          tpu.vector_store %arg6[%swap3A, %swap3A_164], %swap3A_167 {strides = array<i32>} : memref<64x80xi32, #tpu.memory_space<vmem>>, vector<1x16xi32>,
          %scan3A_168 = arith.constant 0 : i32
          scf.yield %scan3A_168 : i32
        }
        %scan3A_152 = arith.constant 5 : i32
        %scan3A_153 = arith.constant 0 : i32
        scf.yield %scan3A_153 : i32
      }
      %scan3A_84 = arith.constant 61 : i32
      %broadcast_in_dim3A_85 = arith.constant 0.000000e+00 : f32
      %broadcast_in_dim3A_86 = vector.broadcast %broadcast_in_dim3A_85 : f32 to vector<16xf32>
      %scan3A_87 = arith.constant 0 : i32
      %scan3A_88 = arith.constant 0 : i32
      %scan3A_89 = arith.constant 80 : i32
      %scan3A_90 = arith.addi %scan3A_88, %scan3A_89 : i32
      %scan3A_91 = arith.constant 2 : i32
      %scan3A_92 = scf.for %scan3A_144 = %scan3A_88 to %scan3A_90 step %scan3A_91 iter_args(%scan3A_145 = %scan3A_87) -> (i32)  : i32 {
        %scan3A_146 = arith.constant 0 : i32
        %scan3A_147 = arith.constant 0 : i32
        %scan3A_148 = arith.constant 8 : i32
        %scan3A_149 = arith.addi %scan3A_147, %scan3A_148 : i32
        %scan3A_150 = arith.constant 1 : i32
        %scan3A_151 = scf.for %scan3A_164 = %scan3A_147 to %scan3A_149 step %scan3A_150 iter_args(%scan3A_165 = %scan3A_146) -> (i32)  : i32 {
          %mul3A_166 = arith.constant 16 : i32
          %mul3A_167 = arith.muli %scan3A_164, %mul3A_166 : i32
          %swap3A = arith.index_cast %scan3A_144 : i32 to index
          %swap3A_168 = arith.index_cast %mul3A_167 : i32 to index
          %swap3A_169 = tpu.vector_load %arg9[%swap3A, %swap3A_168] {strides = array<i32>} : memref<80x128xf32, #tpu.memory_space<vmem>>, vector<1x16xf32>,
          %swap3A_170 = vector.shape_cast %swap3A_169 : vector<1x16xf32> to vector<16xf32>
          %swap3A_171 = vector.shape_cast %broadcast_in_dim3A_86 : vector<16xf32> to vector<1x16xf32>
          tpu.vector_store %arg9[%swap3A, %swap3A_168], %swap3A_171 {strides = array<i32>} : memref<80x128xf32, #tpu.memory_space<vmem>>, vector<1x16xf32>,
          %scan3A_172 = arith.constant 0 : i32
          scf.yield %scan3A_172 : i32
        }
        %scan3A_152 = arith.constant 8 : i32
        %scan3A_153 = arith.constant 0 : i32
        %scan3A_154 = arith.constant 1 : i32
        %scan3A_155 = arith.addi %scan3A_144, %scan3A_154 : i32
        %scan3A_156 = arith.constant 0 : i32
        %scan3A_157 = arith.constant 0 : i32
        %scan3A_158 = arith.constant 8 : i32
        %scan3A_159 = arith.addi %scan3A_157, %scan3A_158 : i32
        %scan3A_160 = arith.constant 1 : i32
        %scan3A_161 = scf.for %scan3A_164 = %scan3A_157 to %scan3A_159 step %scan3A_160 iter_args(%scan3A_165 = %scan3A_156) -> (i32)  : i32 {
          %mul3A_166 = arith.constant 16 : i32
          %mul3A_167 = arith.muli %scan3A_164, %mul3A_166 : i32
          %swap3A = arith.index_cast %scan3A_155 : i32 to index
          %swap3A_168 = arith.index_cast %mul3A_167 : i32 to index
          %swap3A_169 = tpu.vector_load %arg9[%swap3A, %swap3A_168] {strides = array<i32>} : memref<80x128xf32, #tpu.memory_space<vmem>>, vector<1x16xf32>,
          %swap3A_170 = vector.shape_cast %swap3A_169 : vector<1x16xf32> to vector<16xf32>
          %swap3A_171 = vector.shape_cast %broadcast_in_dim3A_86 : vector<16xf32> to vector<1x16xf32>
          tpu.vector_store %arg9[%swap3A, %swap3A_168], %swap3A_171 {strides = array<i32>} : memref<80x128xf32, #tpu.memory_space<vmem>>, vector<1x16xf32>,
          %scan3A_172 = arith.constant 0 : i32
          scf.yield %scan3A_172 : i32
        }
        %scan3A_162 = arith.constant 8 : i32
        %scan3A_163 = arith.constant 0 : i32
        scf.yield %scan3A_163 : i32
      }
      %scan3A_93 = arith.constant 80 : i32
      %dma_start3A_94 = arith.constant 0 : i32
      %dma_start3A_95 = arith.constant 0 : i32
      %dma_start3A_96 = tpu.memref_slice %arg7[%dma_start3A_94, %dma_start3A_95] : memref<64x80xi32, #tpu.memory_space<vmem>> -> memref<1x80xi32, #tpu.memory_space<vmem>>
      %dma_start3A_97 = tpu.memref_squeeze %dma_start3A_96 : memref<1x80xi32, #tpu.memory_space<vmem>> -> memref<80xi32, #tpu.memory_space<vmem>>
      %dma_start3A_98 = arith.constant 0 : i32
      %dma_start3A_99 = arith.constant 0 : i32
      %dma_start3A_100 = tpu.memref_slice %arg10[%dma_start3A_98, %dma_start3A_99] : memref<10240x128xf32, #tpu.memory_space<vmem_shared>> -> memref<10240x128xf32, #tpu.memory_space<vmem_shared>>
      tpu.enqueue_indirect_dma source(%arg9 : memref<80x128xf32, #tpu.memory_space<vmem>>) target(%dma_start3A_100 : memref<10240x128xf32, #tpu.memory_space<vmem_shared>>) offsets(%dma_start3A_97 : memref<80xi32, #tpu.memory_space<vmem>>) semaphore(%arg14 : memref<!tpu.dma_semaphore, #tpu.memory_space<semaphore_mem>>) {add = true}
      %dma_start3A_101 = arith.constant 0 : i32
      %dma_start3A_102 = arith.constant 0 : i32
      %dma_start3A_103 = tpu.memref_slice %arg6[%dma_start3A_101, %dma_start3A_102] : memref<64x80xi32, #tpu.memory_space<vmem>> -> memref<1x80xi32, #tpu.memory_space<vmem>>
      %dma_start3A_104 = tpu.memref_squeeze %dma_start3A_103 : memref<1x80xi32, #tpu.memory_space<vmem>> -> memref<80xi32, #tpu.memory_space<vmem>>
      %dma_start3A_105 = arith.constant 0 : i32
      %dma_start3A_106 = arith.constant 0 : i32
      %dma_start3A_107 = tpu.memref_slice %arg2[%dma_start3A_105, %dma_start3A_106] : memref<20480x128xf32, #tpu.memory_space<hbm>> -> memref<20480x128xf32, #tpu.memory_space<hbm>>
      tpu.enqueue_indirect_dma source(%dma_start3A_107 : memref<20480x128xf32, #tpu.memory_space<hbm>>) target(%arg8 : memref<80x128xf32, #tpu.memory_space<vmem>>) offsets(%dma_start3A_104 : memref<80xi32, #tpu.memory_space<vmem>>) semaphore(%arg11 : memref<!tpu.dma_semaphore, #tpu.memory_space<semaphore_mem>>)
      %scan3A_108 = arith.constant 0 : i32
      %scan3A_109 = arith.constant 0 : i32
      %scan3A_110 = arith.constant 30 : i32
      %scan3A_111 = arith.addi %scan3A_109, %scan3A_110 : i32
      %scan3A_112 = arith.constant 1 : i32
      %scan3A_113 = scf.for %scan3A_144 = %scan3A_109 to %scan3A_111 step %scan3A_112 iter_args(%scan3A_145 = %scan3A_108) -> (i32)  : i32 {
        %mul3A_146 = arith.constant 2 : i32
        %mul3A_147 = arith.muli %mul3A_146, %scan3A_144 : i32
        %add3A = arith.constant 2 : i32
        %add3A_148 = arith.addi %mul3A_147, %add3A : i32
        %dma_wait3A_149 = arith.constant 0 : i32
        %dma_wait3A_150 = arith.constant 0 : i32
        %dma_wait3A_151 = tpu.memref_slice %arg7[%dma_wait3A_149, %dma_wait3A_150] : memref<64x80xi32, #tpu.memory_space<vmem>> -> memref<1x80xi32, #tpu.memory_space<vmem>>
        %dma_wait3A_152 = tpu.memref_squeeze %dma_wait3A_151 : memref<1x80xi32, #tpu.memory_space<vmem>> -> memref<80xi32, #tpu.memory_space<vmem>>
        %dma_wait3A_153 = arith.constant 0 : i32
        %dma_wait3A_154 = arith.constant 0 : i32
        %dma_wait3A_155 = tpu.memref_slice %arg10[%dma_wait3A_153, %dma_wait3A_154] : memref<10240x128xf32, #tpu.memory_space<vmem_shared>> -> memref<10240x128xf32, #tpu.memory_space<vmem_shared>>
        tpu.wait_indirect_dma semaphore(%arg14 : memref<!tpu.dma_semaphore, #tpu.memory_space<semaphore_mem>>) src(%arg9 : memref<80x128xf32, #tpu.memory_space<vmem>>) dst(%dma_wait3A_155 : memref<10240x128xf32, #tpu.memory_space<vmem_shared>>)
        %add3A_156 = arith.constant 1 : i32
        %add3A_157 = arith.addi %mul3A_147, %add3A_156 : i32
        %dma_start3A_158 = arith.constant 0 : i32
        %dma_start3A_159 = tpu.memref_slice %arg6[%add3A_157, %dma_start3A_158] : memref<64x80xi32, #tpu.memory_space<vmem>> -> memref<1x80xi32, #tpu.memory_space<vmem>>
        %dma_start3A_160 = tpu.memref_squeeze %dma_start3A_159 : memref<1x80xi32, #tpu.memory_space<vmem>> -> memref<80xi32, #tpu.memory_space<vmem>>
        %dma_start3A_161 = arith.constant 0 : i32
        %dma_start3A_162 = arith.constant 0 : i32
        %dma_start3A_163 = tpu.memref_slice %arg2[%dma_start3A_161, %dma_start3A_162] : memref<20480x128xf32, #tpu.memory_space<hbm>> -> memref<20480x128xf32, #tpu.memory_space<hbm>>
        tpu.enqueue_indirect_dma source(%dma_start3A_163 : memref<20480x128xf32, #tpu.memory_space<hbm>>) target(%arg9 : memref<80x128xf32, #tpu.memory_space<vmem>>) offsets(%dma_start3A_160 : memref<80xi32, #tpu.memory_space<vmem>>) semaphore(%arg12 : memref<!tpu.dma_semaphore, #tpu.memory_space<semaphore_mem>>)
        %dma_wait3A_164 = arith.constant 0 : i32
        %dma_wait3A_165 = arith.constant 0 : i32
        %dma_wait3A_166 = tpu.memref_slice %arg6[%dma_wait3A_164, %dma_wait3A_165] : memref<64x80xi32, #tpu.memory_space<vmem>> -> memref<1x80xi32, #tpu.memory_space<vmem>>
        %dma_wait3A_167 = tpu.memref_squeeze %dma_wait3A_166 : memref<1x80xi32, #tpu.memory_space<vmem>> -> memref<80xi32, #tpu.memory_space<vmem>>
        %dma_wait3A_168 = arith.constant 0 : i32
        %dma_wait3A_169 = arith.constant 0 : i32
        %dma_wait3A_170 = tpu.memref_slice %arg2[%dma_wait3A_168, %dma_wait3A_169] : memref<20480x128xf32, #tpu.memory_space<hbm>> -> memref<20480x128xf32, #tpu.memory_space<hbm>>
        tpu.wait_indirect_dma semaphore(%arg11 : memref<!tpu.dma_semaphore, #tpu.memory_space<semaphore_mem>>) src(%dma_wait3A_170 : memref<20480x128xf32, #tpu.memory_space<hbm>>) dst(%arg8 : memref<80x128xf32, #tpu.memory_space<vmem>>)
        %dma_start3A_171 = arith.constant 0 : i32
        %dma_start3A_172 = tpu.memref_slice %arg7[%mul3A_147, %dma_start3A_171] : memref<64x80xi32, #tpu.memory_space<vmem>> -> memref<1x80xi32, #tpu.memory_space<vmem>>
        %dma_start3A_173 = tpu.memref_squeeze %dma_start3A_172 : memref<1x80xi32, #tpu.memory_space<vmem>> -> memref<80xi32, #tpu.memory_space<vmem>>
        %dma_start3A_174 = arith.constant 0 : i32
        %dma_start3A_175 = arith.constant 0 : i32
        %dma_start3A_176 = tpu.memref_slice %arg10[%dma_start3A_174, %dma_start3A_175] : memref<10240x128xf32, #tpu.memory_space<vmem_shared>> -> memref<10240x128xf32, #tpu.memory_space<vmem_shared>>
        tpu.enqueue_indirect_dma source(%arg8 : memref<80x128xf32, #tpu.memory_space<vmem>>) target(%dma_start3A_176 : memref<10240x128xf32, #tpu.memory_space<vmem_shared>>) offsets(%dma_start3A_173 : memref<80xi32, #tpu.memory_space<vmem>>) semaphore(%arg13 : memref<!tpu.dma_semaphore, #tpu.memory_space<semaphore_mem>>) {add = true}
        %dma_wait3A_177 = arith.constant 0 : i32
        %dma_wait3A_178 = arith.constant 0 : i32
        %dma_wait3A_179 = tpu.memref_slice %arg7[%dma_wait3A_177, %dma_wait3A_178] : memref<64x80xi32, #tpu.memory_space<vmem>> -> memref<1x80xi32, #tpu.memory_space<vmem>>
        %dma_wait3A_180 = tpu.memref_squeeze %dma_wait3A_179 : memref<1x80xi32, #tpu.memory_space<vmem>> -> memref<80xi32, #tpu.memory_space<vmem>>
        %dma_wait3A_181 = arith.constant 0 : i32
        %dma_wait3A_182 = arith.constant 0 : i32
        %dma_wait3A_183 = tpu.memref_slice %arg10[%dma_wait3A_181, %dma_wait3A_182] : memref<10240x128xf32, #tpu.memory_space<vmem_shared>> -> memref<10240x128xf32, #tpu.memory_space<vmem_shared>>
        tpu.wait_indirect_dma semaphore(%arg13 : memref<!tpu.dma_semaphore, #tpu.memory_space<semaphore_mem>>) src(%arg8 : memref<80x128xf32, #tpu.memory_space<vmem>>) dst(%dma_wait3A_183 : memref<10240x128xf32, #tpu.memory_space<vmem_shared>>)
        %dma_start3A_184 = arith.constant 0 : i32
        %dma_start3A_185 = tpu.memref_slice %arg6[%add3A_148, %dma_start3A_184] : memref<64x80xi32, #tpu.memory_space<vmem>> -> memref<1x80xi32, #tpu.memory_space<vmem>>
        %dma_start3A_186 = tpu.memref_squeeze %dma_start3A_185 : memref<1x80xi32, #tpu.memory_space<vmem>> -> memref<80xi32, #tpu.memory_space<vmem>>
        %dma_start3A_187 = arith.constant 0 : i32
        %dma_start3A_188 = arith.constant 0 : i32
        %dma_start3A_189 = tpu.memref_slice %arg2[%dma_start3A_187, %dma_start3A_188] : memref<20480x128xf32, #tpu.memory_space<hbm>> -> memref<20480x128xf32, #tpu.memory_space<hbm>>
        tpu.enqueue_indirect_dma source(%dma_start3A_189 : memref<20480x128xf32, #tpu.memory_space<hbm>>) target(%arg8 : memref<80x128xf32, #tpu.memory_space<vmem>>) offsets(%dma_start3A_186 : memref<80xi32, #tpu.memory_space<vmem>>) semaphore(%arg11 : memref<!tpu.dma_semaphore, #tpu.memory_space<semaphore_mem>>)
        %dma_wait3A_190 = arith.constant 0 : i32
        %dma_wait3A_191 = arith.constant 0 : i32
        %dma_wait3A_192 = tpu.memref_slice %arg6[%dma_wait3A_190, %dma_wait3A_191] : memref<64x80xi32, #tpu.memory_space<vmem>> -> memref<1x80xi32, #tpu.memory_space<vmem>>
        %dma_wait3A_193 = tpu.memref_squeeze %dma_wait3A_192 : memref<1x80xi32, #tpu.memory_space<vmem>> -> memref<80xi32, #tpu.memory_space<vmem>>
        %dma_wait3A_194 = arith.constant 0 : i32
        %dma_wait3A_195 = arith.constant 0 : i32
        %dma_wait3A_196 = tpu.memref_slice %arg2[%dma_wait3A_194, %dma_wait3A_195] : memref<20480x128xf32, #tpu.memory_space<hbm>> -> memref<20480x128xf32, #tpu.memory_space<hbm>>
        tpu.wait_indirect_dma semaphore(%arg12 : memref<!tpu.dma_semaphore, #tpu.memory_space<semaphore_mem>>) src(%dma_wait3A_196 : memref<20480x128xf32, #tpu.memory_space<hbm>>) dst(%arg9 : memref<80x128xf32, #tpu.memory_space<vmem>>)
        %add3A_197 = arith.constant 1 : i32
        %add3A_198 = arith.addi %mul3A_147, %add3A_197 : i32
        %dma_start3A_199 = arith.constant 0 : i32
        %dma_start3A_200 = tpu.memref_slice %arg7[%add3A_198, %dma_start3A_199] : memref<64x80xi32, #tpu.memory_space<vmem>> -> memref<1x80xi32, #tpu.memory_space<vmem>>
        %dma_start3A_201 = tpu.memref_squeeze %dma_start3A_200 : memref<1x80xi32, #tpu.memory_space<vmem>> -> memref<80xi32, #tpu.memory_space<vmem>>
        %dma_start3A_202 = arith.constant 0 : i32
        %dma_start3A_203 = arith.constant 0 : i32
        %dma_start3A_204 = tpu.memref_slice %arg10[%dma_start3A_202, %dma_start3A_203] : memref<10240x128xf32, #tpu.memory_space<vmem_shared>> -> memref<10240x128xf32, #tpu.memory_space<vmem_shared>>
        tpu.enqueue_indirect_dma source(%arg9 : memref<80x128xf32, #tpu.memory_space<vmem>>) target(%dma_start3A_204 : memref<10240x128xf32, #tpu.memory_space<vmem_shared>>) offsets(%dma_start3A_201 : memref<80xi32, #tpu.memory_space<vmem>>) semaphore(%arg14 : memref<!tpu.dma_semaphore, #tpu.memory_space<semaphore_mem>>) {add = true}
        %scan3A_205 = arith.constant 0 : i32
        scf.yield %scan3A_205 : i32
      }
      %scan3A_114 = arith.constant 30 : i32
      %dma_wait3A_115 = arith.constant 0 : i32
      %dma_wait3A_116 = arith.constant 0 : i32
      %dma_wait3A_117 = tpu.memref_slice %arg6[%dma_wait3A_115, %dma_wait3A_116] : memref<64x80xi32, #tpu.memory_space<vmem>> -> memref<1x80xi32, #tpu.memory_space<vmem>>
      %dma_wait3A_118 = tpu.memref_squeeze %dma_wait3A_117 : memref<1x80xi32, #tpu.memory_space<vmem>> -> memref<80xi32, #tpu.memory_space<vmem>>
      %dma_wait3A_119 = arith.constant 0 : i32
      %dma_wait3A_120 = arith.constant 0 : i32
      %dma_wait3A_121 = tpu.memref_slice %arg2[%dma_wait3A_119, %dma_wait3A_120] : memref<20480x128xf32, #tpu.memory_space<hbm>> -> memref<20480x128xf32, #tpu.memory_space<hbm>>
      tpu.wait_indirect_dma semaphore(%arg11 : memref<!tpu.dma_semaphore, #tpu.memory_space<semaphore_mem>>) src(%dma_wait3A_121 : memref<20480x128xf32, #tpu.memory_space<hbm>>) dst(%arg8 : memref<80x128xf32, #tpu.memory_space<vmem>>)
      %dma_start3A_122 = arith.constant 60 : i32
      %dma_start3A_123 = arith.constant 0 : i32
      %dma_start3A_124 = tpu.memref_slice %arg7[%dma_start3A_122, %dma_start3A_123] : memref<64x80xi32, #tpu.memory_space<vmem>> -> memref<1x80xi32, #tpu.memory_space<vmem>>
      %dma_start3A_125 = tpu.memref_squeeze %dma_start3A_124 : memref<1x80xi32, #tpu.memory_space<vmem>> -> memref<80xi32, #tpu.memory_space<vmem>>
      %dma_start3A_126 = arith.constant 0 : i32
      %dma_start3A_127 = arith.constant 0 : i32
      %dma_start3A_128 = tpu.memref_slice %arg10[%dma_start3A_126, %dma_start3A_127] : memref<10240x128xf32, #tpu.memory_space<vmem_shared>> -> memref<10240x128xf32, #tpu.memory_space<vmem_shared>>
      tpu.enqueue_indirect_dma source(%arg8 : memref<80x128xf32, #tpu.memory_space<vmem>>) target(%dma_start3A_128 : memref<10240x128xf32, #tpu.memory_space<vmem_shared>>) offsets(%dma_start3A_125 : memref<80xi32, #tpu.memory_space<vmem>>) semaphore(%arg13 : memref<!tpu.dma_semaphore, #tpu.memory_space<semaphore_mem>>) {add = true}
      %dma_wait3A_129 = arith.constant 0 : i32
      %dma_wait3A_130 = arith.constant 0 : i32
      %dma_wait3A_131 = tpu.memref_slice %arg7[%dma_wait3A_129, %dma_wait3A_130] : memref<64x80xi32, #tpu.memory_space<vmem>> -> memref<1x80xi32, #tpu.memory_space<vmem>>
      %dma_wait3A_132 = tpu.memref_squeeze %dma_wait3A_131 : memref<1x80xi32, #tpu.memory_space<vmem>> -> memref<80xi32, #tpu.memory_space<vmem>>
      %dma_wait3A_133 = arith.constant 0 : i32
      %dma_wait3A_134 = arith.constant 0 : i32
      %dma_wait3A_135 = tpu.memref_slice %arg10[%dma_wait3A_133, %dma_wait3A_134] : memref<10240x128xf32, #tpu.memory_space<vmem_shared>> -> memref<10240x128xf32, #tpu.memory_space<vmem_shared>>
      tpu.wait_indirect_dma semaphore(%arg13 : memref<!tpu.dma_semaphore, #tpu.memory_space<semaphore_mem>>) src(%arg8 : memref<80x128xf32, #tpu.memory_space<vmem>>) dst(%dma_wait3A_135 : memref<10240x128xf32, #tpu.memory_space<vmem_shared>>)
      %dma_wait3A_136 = arith.constant 0 : i32
      %dma_wait3A_137 = arith.constant 0 : i32
      %dma_wait3A_138 = tpu.memref_slice %arg7[%dma_wait3A_136, %dma_wait3A_137] : memref<64x80xi32, #tpu.memory_space<vmem>> -> memref<1x80xi32, #tpu.memory_space<vmem>>
      %dma_wait3A_139 = tpu.memref_squeeze %dma_wait3A_138 : memref<1x80xi32, #tpu.memory_space<vmem>> -> memref<80xi32, #tpu.memory_space<vmem>>
      %dma_wait3A_140 = arith.constant 0 : i32
      %dma_wait3A_141 = arith.constant 0 : i32
      %dma_wait3A_142 = tpu.memref_slice %arg10[%dma_wait3A_140, %dma_wait3A_141] : memref<10240x128xf32, #tpu.memory_space<vmem_shared>> -> memref<10240x128xf32, #tpu.memory_space<vmem_shared>>
      tpu.wait_indirect_dma semaphore(%arg14 : memref<!tpu.dma_semaphore, #tpu.memory_space<semaphore_mem>>) src(%arg9 : memref<80x128xf32, #tpu.memory_space<vmem>>) dst(%dma_wait3A_142 : memref<10240x128xf32, #tpu.memory_space<vmem_shared>>)
      %scan3A_143 = arith.constant 0 : i32
      scf.yield %scan3A_143 : i32
    }
    %scan3A_21 = arith.constant 2 : i32
    %barrier3A_22 = arith.constant 0 : index
    tpu.barrier barrier_id(%barrier3A_22)
    %mul3A_23 = arith.constant 640 : i32
    %mul3A_24 = arith.muli %arg1, %mul3A_23 : i32
    %mul3A_25 = arith.constant 640 : i32
    %mul3A_26 = arith.muli %arg1, %mul3A_25 : i32
    "tpu.region"() ({
      %run_scoped3A = tpu.sem_alloc : memref<!tpu.dma_semaphore, #tpu.memory_space<semaphore_mem>>
      %dma_start3A = arith.constant 0 : i32
      %dma_start3A_27 = tpu.memref_slice %arg5[%arg0, %mul3A_26, %dma_start3A] : memref<2x10240x128xf32, #tpu.memory_space<hbm>> -> memref<1x640x128xf32, #tpu.memory_space<hbm>>
      %dma_start3A_28 = tpu.memref_squeeze %dma_start3A_27 : memref<1x640x128xf32, #tpu.memory_space<hbm>> -> memref<640x128xf32, #tpu.memory_space<hbm>>
      %dma_start3A_29 = arith.constant 0 : i32
      %dma_start3A_30 = tpu.memref_slice %arg10[%mul3A_24, %dma_start3A_29] : memref<10240x128xf32, #tpu.memory_space<vmem_shared>> -> memref<640x128xf32, #tpu.memory_space<vmem_shared>>
      tpu.enqueue_dma source(%dma_start3A_30 : memref<640x128xf32, #tpu.memory_space<vmem_shared>>) target(%dma_start3A_28 : memref<640x128xf32, #tpu.memory_space<hbm>>) target_semaphore(%run_scoped3A : memref<!tpu.dma_semaphore, #tpu.memory_space<semaphore_mem>>)
      %dma_wait3A = arith.constant 0 : i32
      %dma_wait3A_31 = tpu.memref_slice %arg5[%arg0, %mul3A_26, %dma_wait3A] : memref<2x10240x128xf32, #tpu.memory_space<hbm>> -> memref<1x640x128xf32, #tpu.memory_space<hbm>>
      %dma_wait3A_32 = tpu.memref_squeeze %dma_wait3A_31 : memref<1x640x128xf32, #tpu.memory_space<hbm>> -> memref<640x128xf32, #tpu.memory_space<hbm>>
      %dma_wait3A_33 = arith.constant 0 : i32
      %dma_wait3A_34 = tpu.memref_slice %arg10[%mul3A_24, %dma_wait3A_33] : memref<10240x128xf32, #tpu.memory_space<vmem_shared>> -> memref<640x128xf32, #tpu.memory_space<vmem_shared>>
      tpu.wait_dma2 semaphore(%run_scoped3A : memref<!tpu.dma_semaphore, #tpu.memory_space<semaphore_mem>>) src(%dma_wait3A_34 : memref<640x128xf32, #tpu.memory_space<vmem_shared>>) dst(%dma_wait3A_32 : memref<640x128xf32, #tpu.memory_space<hbm>>)
      tpu.yield
    }) : () -> ()
    return
  }
}

module attributes {stable_mosaic.version = 14 : i64} {
  func.func @_prep_body(%arg0: i32, %arg1: memref<1024x256xf32, #tpu.memory_space<vmem>>, %arg2: memref<1024x128xf32, #tpu.memory_space<vmem>>, %arg3: memref<1024x128xf32, #tpu.memory_space<vmem>>) attributes {dimension_semantics = [#tpu.dimension_semantics<arbitrary>], iteration_bounds = array<i64: 10>, scalar_prefetch = 0 : i64, scratch_operands = 0 : i64, tpu.core_type = #tpu.core_type<tc>, window_params = [{transform_indices = @transform_0, window_bounds = array<i64: 1024, 256>}, {transform_indices = @transform_1, window_bounds = array<i64: 1024, 128>}, {transform_indices = @transform_2, window_bounds = array<i64: 1024, 128>}]} {
    %get3A = arith.constant 0 : index
    %get3A_0 = arith.constant 0 : index
    %get3A_1 = vector.load %arg2[%get3A, %get3A_0] : memref<1024x128xf32, #tpu.memory_space<vmem>>, vector<1024x128xf32>
    %get3A_2 = arith.constant 0 : index
    %get3A_3 = arith.constant 0 : index
    %get3A_4 = vector.load %arg1[%get3A_2, %get3A_3] : memref<1024x256xf32, #tpu.memory_space<vmem>>, vector<1024x256xf32>
    %reduce_sum3A = arith.constant dense<0.000000e+00> : vector<1024xf32>
    %reduce_sum3A_5 = vector.multi_reduction <add>, %get3A_4, %reduce_sum3A [1] : vector<1024x256xf32> to vector<1024xf32>
    %broadcast_in_dim3A = vector.shape_cast %reduce_sum3A_5 : vector<1024xf32> to vector<1024x1xf32>
    %add3A = arith.constant 1.000000e+00 : f32
    %add3A_6 = vector.broadcast %add3A : f32 to vector<1024x1xf32>
    %add3A_7 = arith.addf %broadcast_in_dim3A, %add3A_6 : vector<1024x1xf32>
    %rsqrt3A = math.rsqrt %add3A_7 : vector<1024x1xf32>
    %mul3A = vector.broadcast %rsqrt3A : vector<1024x1xf32> to vector<1024x128xf32>
    %mul3A_8 = arith.mulf %get3A_1, %mul3A : vector<1024x128xf32>
    %swap3A = arith.constant 0 : index
    %swap3A_9 = arith.constant 0 : index
    %swap3A_10 = vector.load %arg3[%swap3A, %swap3A_9] : memref<1024x128xf32, #tpu.memory_space<vmem>>, vector<1024x128xf32>
    tpu.vector_store %arg3[%swap3A, %swap3A_9], %mul3A_8 {strides = array<i32>} : memref<1024x128xf32, #tpu.memory_space<vmem>>, vector<1024x128xf32>,
    return
  }
  func.func @transform_0(%arg0: i32) -> (i32, i32) {
    %c0_i32 = arith.constant 0 : i32
    %c0_i32_0 = arith.constant 0 : i32
    return %arg0, %c0_i32 : i32, i32
  }
  func.func @transform_1(%arg0: i32) -> (i32, i32) {
    %c0_i32 = arith.constant 0 : i32
    %c0_i32_0 = arith.constant 0 : i32
    return %arg0, %c0_i32 : i32, i32
  }
  func.func @transform_2(%arg0: i32) -> (i32, i32) {
    %c0_i32 = arith.constant 0 : i32
    %c0_i32_0 = arith.constant 0 : i32
    return %arg0, %c0_i32 : i32, i32
  }
}

module attributes {stable_mosaic.version = 14 : i64} {
  func.func @_topk_body(%arg0: memref<10240x128xf32, #tpu.memory_space<vmem>>, %arg1: memref<1x128xf32, #tpu.memory_space<vmem>>, %arg2: memref<256x1xf32, #tpu.memory_space<vmem>>, %arg3: memref<256x128xf32, #tpu.memory_space<vmem>>) attributes {dimension_semantics = [], scalar_prefetch = 0 : i64, scratch_operands = 0 : i64, tpu.core_type = #tpu.core_type<tc>} {
    %get3A = arith.constant 0 : index
    %get3A_0 = arith.constant 0 : index
    %get3A_1 = vector.load %arg1[%get3A, %get3A_0] : memref<1x128xf32, #tpu.memory_space<vmem>>, vector<1x128xf32>
    %mul3A = arith.mulf %get3A_1, %get3A_1 : vector<1x128xf32>
    %reduce_sum3A = vector.shape_cast %mul3A : vector<1x128xf32> to vector<1x1x128xf32>
    %reduce_sum3A_2 = arith.constant dense<0.000000e+00> : vector<1xf32>
    %reduce_sum3A_3 = vector.multi_reduction <add>, %reduce_sum3A, %reduce_sum3A_2 [1, 2] : vector<1x1x128xf32> to vector<1xf32>
    %reduce_sum3A_4 = vector.shape_cast %reduce_sum3A_3 : vector<1xf32> to vector<1x1x1xf32>
    %reduce_sum3A_5 = vector.extract %reduce_sum3A_4[0, 0, 0] : f32 from vector<1x1x1xf32>
    %sqrt3A = math.sqrt %reduce_sum3A_5 : f32
    %add3A = arith.constant 9.99999996E-13 : f32
    %add3A_6 = arith.addf %sqrt3A, %add3A : f32
    %div3A = arith.constant 1.000000e+00 : f32
    %div3A_7 = arith.divf %div3A, %add3A_6 : f32
    %get3A_8 = arith.constant 0 : index
    %get3A_9 = arith.constant 0 : index
    %get3A_10 = vector.load %arg0[%get3A_8, %get3A_9] : memref<10240x128xf32, #tpu.memory_space<vmem>>, vector<1280x128xf32>
    %dot_general3A = arith.constant dense<0.000000e+00> : vector<1x1280xf32>
    %dot_general3A_11 = tpu.matmul %get3A_1, %get3A_10, %dot_general3A {dimension_numbers = #tpu.dot_dimension_numbers<[1], [1], [0], [0], [0, 0, 1, 0], [], []>, transpose_lhs_hint = false} : vector<1x128xf32>, vector<1280x128xf32>, vector<1x1280xf32> -> vector<1x1280xf32>
    %get3A_12 = arith.constant 1280 : index
    %get3A_13 = arith.constant 0 : index
    %get3A_14 = vector.load %arg0[%get3A_12, %get3A_13] : memref<10240x128xf32, #tpu.memory_space<vmem>>, vector<1280x128xf32>
    %dot_general3A_15 = arith.constant dense<0.000000e+00> : vector<1x1280xf32>
    %dot_general3A_16 = tpu.matmul %get3A_1, %get3A_14, %dot_general3A_15 {dimension_numbers = #tpu.dot_dimension_numbers<[1], [1], [0], [0], [0, 0, 1, 0], [], []>, transpose_lhs_hint = false} : vector<1x128xf32>, vector<1280x128xf32>, vector<1x1280xf32> -> vector<1x1280xf32>
    %get3A_17 = arith.constant 2560 : index
    %get3A_18 = arith.constant 0 : index
    %get3A_19 = vector.load %arg0[%get3A_17, %get3A_18] : memref<10240x128xf32, #tpu.memory_space<vmem>>, vector<1280x128xf32>
    %dot_general3A_20 = arith.constant dense<0.000000e+00> : vector<1x1280xf32>
    %dot_general3A_21 = tpu.matmul %get3A_1, %get3A_19, %dot_general3A_20 {dimension_numbers = #tpu.dot_dimension_numbers<[1], [1], [0], [0], [0, 0, 1, 0], [], []>, transpose_lhs_hint = false} : vector<1x128xf32>, vector<1280x128xf32>, vector<1x1280xf32> -> vector<1x1280xf32>
    %get3A_22 = arith.constant 3840 : index
    %get3A_23 = arith.constant 0 : index
    %get3A_24 = vector.load %arg0[%get3A_22, %get3A_23] : memref<10240x128xf32, #tpu.memory_space<vmem>>, vector<1280x128xf32>
    %dot_general3A_25 = arith.constant dense<0.000000e+00> : vector<1x1280xf32>
    %dot_general3A_26 = tpu.matmul %get3A_1, %get3A_24, %dot_general3A_25 {dimension_numbers = #tpu.dot_dimension_numbers<[1], [1], [0], [0], [0, 0, 1, 0], [], []>, transpose_lhs_hint = false} : vector<1x128xf32>, vector<1280x128xf32>, vector<1x1280xf32> -> vector<1x1280xf32>
    %get3A_27 = arith.constant 5120 : index
    %get3A_28 = arith.constant 0 : index
    %get3A_29 = vector.load %arg0[%get3A_27, %get3A_28] : memref<10240x128xf32, #tpu.memory_space<vmem>>, vector<1280x128xf32>
    %dot_general3A_30 = arith.constant dense<0.000000e+00> : vector<1x1280xf32>
    %dot_general3A_31 = tpu.matmul %get3A_1, %get3A_29, %dot_general3A_30 {dimension_numbers = #tpu.dot_dimension_numbers<[1], [1], [0], [0], [0, 0, 1, 0], [], []>, transpose_lhs_hint = false} : vector<1x128xf32>, vector<1280x128xf32>, vector<1x1280xf32> -> vector<1x1280xf32>
    %get3A_32 = arith.constant 6400 : index
    %get3A_33 = arith.constant 0 : index
    %get3A_34 = vector.load %arg0[%get3A_32, %get3A_33] : memref<10240x128xf32, #tpu.memory_space<vmem>>, vector<1280x128xf32>
    %dot_general3A_35 = arith.constant dense<0.000000e+00> : vector<1x1280xf32>
    %dot_general3A_36 = tpu.matmul %get3A_1, %get3A_34, %dot_general3A_35 {dimension_numbers = #tpu.dot_dimension_numbers<[1], [1], [0], [0], [0, 0, 1, 0], [], []>, transpose_lhs_hint = false} : vector<1x128xf32>, vector<1280x128xf32>, vector<1x1280xf32> -> vector<1x1280xf32>
    %get3A_37 = arith.constant 7680 : index
    %get3A_38 = arith.constant 0 : index
    %get3A_39 = vector.load %arg0[%get3A_37, %get3A_38] : memref<10240x128xf32, #tpu.memory_space<vmem>>, vector<1280x128xf32>
    %dot_general3A_40 = arith.constant dense<0.000000e+00> : vector<1x1280xf32>
    %dot_general3A_41 = tpu.matmul %get3A_1, %get3A_39, %dot_general3A_40 {dimension_numbers = #tpu.dot_dimension_numbers<[1], [1], [0], [0], [0, 0, 1, 0], [], []>, transpose_lhs_hint = false} : vector<1x128xf32>, vector<1280x128xf32>, vector<1x1280xf32> -> vector<1x1280xf32>
    %get3A_42 = arith.constant 8960 : index
    %get3A_43 = arith.constant 0 : index
    %get3A_44 = vector.load %arg0[%get3A_42, %get3A_43] : memref<10240x128xf32, #tpu.memory_space<vmem>>, vector<1280x128xf32>
    %dot_general3A_45 = arith.constant dense<0.000000e+00> : vector<1x1280xf32>
    %dot_general3A_46 = tpu.matmul %get3A_1, %get3A_44, %dot_general3A_45 {dimension_numbers = #tpu.dot_dimension_numbers<[1], [1], [0], [0], [0, 0, 1, 0], [], []>, transpose_lhs_hint = false} : vector<1x128xf32>, vector<1280x128xf32>, vector<1x1280xf32> -> vector<1x1280xf32>
    %concatenate3A = tpu.concatenate %dot_general3A_11, %dot_general3A_16, %dot_general3A_21, %dot_general3A_26, %dot_general3A_31, %dot_general3A_36, %dot_general3A_41, %dot_general3A_46 in 0 : vector<1x1280xf32>, vector<1x1280xf32>, vector<1x1280xf32>, vector<1x1280xf32>, vector<1x1280xf32>, vector<1x1280xf32>, vector<1x1280xf32>, vector<1x1280xf32> -> vector<8x1280xf32>
    %mul3A_47 = vector.broadcast %div3A_7 : f32 to vector<8x1280xf32>
    %mul3A_48 = arith.mulf %concatenate3A, %mul3A_47 : vector<8x1280xf32>
    %iota3A = tpu.iota {dimensions = array<i32: 0>} : vector<8x1280xi32>
    %mul3A_49 = arith.constant 1280 : i32
    %mul3A_50 = vector.broadcast %mul3A_49 : i32 to vector<8x1280xi32>
    %mul3A_51 = arith.muli %iota3A, %mul3A_50 : vector<8x1280xi32>
    %iota3A_52 = tpu.iota {dimensions = array<i32: 1>} : vector<8x1280xi32>
    %add3A_53 = arith.addi %mul3A_51, %iota3A_52 : vector<8x1280xi32>
    %lt3A = arith.constant 10000 : i32
    %lt3A_54 = vector.broadcast %lt3A : i32 to vector<8x1280xi32>
    %lt3A_55 = arith.cmpi slt, %add3A_53, %lt3A_54 : vector<8x1280xi32>
    %jit3A = arith.constant -3.000000e+38 : f32
    %broadcast_in_dim3A = vector.broadcast %jit3A : f32 to vector<8x1280xf32>
    %select_n3A = arith.select %lt3A_55, %mul3A_48, %broadcast_in_dim3A : vector<8x1280xi1>, vector<8x1280xf32>
    %scan3A = arith.constant -3.000000e+38 : f32
    %scan3A_56 = arith.constant 0 : i32
    %scan3A_57 = arith.constant 256 : i32
    %scan3A_58 = arith.addi %scan3A_56, %scan3A_57 : i32
    %scan3A_59 = arith.constant 1 : i32
    %scan3A_60 = scf.for %scan3A_62 = %scan3A_56 to %scan3A_58 step %scan3A_59 iter_args(%scan3A_63 = %select_n3A) -> (vector<8x1280xf32>)  : i32 {
      %reduce_max3A = vector.shape_cast %scan3A_63 : vector<8x1280xf32> to vector<1x8x1280xf32>
      %reduce_max3A_64 = arith.constant dense<0xFF800000> : vector<1xf32>
      %reduce_max3A_65 = vector.multi_reduction <maximumf>, %reduce_max3A, %reduce_max3A_64 [1, 2] : vector<1x8x1280xf32> to vector<1xf32>
      %reduce_max3A_66 = vector.shape_cast %reduce_max3A_65 : vector<1xf32> to vector<1x1x1xf32>
      %reduce_max3A_67 = vector.extract %reduce_max3A_66[0, 0, 0] : f32 from vector<1x1x1xf32>
      %eq3A = vector.broadcast %reduce_max3A_67 : f32 to vector<8x1280xf32>
      %eq3A_68 = arith.cmpf oeq, %scan3A_63, %eq3A : vector<8x1280xf32>
      %jit3A_69 = arith.constant 1073741824 : i32
      %broadcast_in_dim3A_70 = vector.broadcast %jit3A_69 : i32 to vector<8x1280xi32>
      %select_n3A_71 = arith.select %eq3A_68, %add3A_53, %broadcast_in_dim3A_70 : vector<8x1280xi1>, vector<8x1280xi32>
      %reduce_min3A = vector.shape_cast %select_n3A_71 : vector<8x1280xi32> to vector<1x8x1280xi32>
      %reduce_min3A_72 = arith.constant dense<2147483647> : vector<1xi32>
      %reduce_min3A_73 = vector.multi_reduction <minsi>, %reduce_min3A, %reduce_min3A_72 [1, 2] : vector<1x8x1280xi32> to vector<1xi32>
      %reduce_min3A_74 = vector.shape_cast %reduce_min3A_73 : vector<1xi32> to vector<1x1x1xi32>
      %reduce_min3A_75 = vector.extract %reduce_min3A_74[0, 0, 0] : i32 from vector<1x1x1xi32>
      %reshape3A = vector.broadcast %reduce_max3A_67 : f32 to vector<1x1xf32>
      %swap3A = arith.index_cast %scan3A_62 : i32 to index
      %swap3A_76 = arith.constant 0 : index
      %swap3A_77 = vector.load %arg2[%swap3A, %swap3A_76] : memref<256x1xf32, #tpu.memory_space<vmem>>, vector<1x1xf32>
      tpu.vector_store %arg2[%swap3A, %swap3A_76], %reshape3A {strides = array<i32>} : memref<256x1xf32, #tpu.memory_space<vmem>>, vector<1x1xf32>,
      %get3A_78 = arith.index_cast %reduce_min3A_75 : i32 to index
      %get3A_79 = arith.constant 0 : index
      %get3A_80 = vector.load %arg0[%get3A_78, %get3A_79] : memref<10240x128xf32, #tpu.memory_space<vmem>>, vector<1x128xf32>
      %swap3A_81 = arith.index_cast %scan3A_62 : i32 to index
      %swap3A_82 = arith.constant 0 : index
      %swap3A_83 = vector.load %arg3[%swap3A_81, %swap3A_82] : memref<256x128xf32, #tpu.memory_space<vmem>>, vector<1x128xf32>
      tpu.vector_store %arg3[%swap3A_81, %swap3A_82], %get3A_80 {strides = array<i32>} : memref<256x128xf32, #tpu.memory_space<vmem>>, vector<1x128xf32>,
      %eq3A_84 = vector.broadcast %reduce_min3A_75 : i32 to vector<8x1280xi32>
      %eq3A_85 = arith.cmpi eq, %add3A_53, %eq3A_84 : vector<8x1280xi32>
      %broadcast_in_dim3A_86 = vector.broadcast %scan3A : f32 to vector<8x1280xf32>
      %select_n3A_87 = arith.select %eq3A_85, %broadcast_in_dim3A_86, %scan3A_63 : vector<8x1280xi1>, vector<8x1280xf32>
      scf.yield %select_n3A_87 : vector<8x1280xf32>
    }
    %scan3A_61 = arith.constant 256 : i32
    return
  }
}

module attributes {stable_mosaic.version = 14 : i64} {
  func.func @_gru_body(%arg0: memref<256x128xf32, #tpu.memory_space<vmem>>, %arg1: memref<256x1xf32, #tpu.memory_space<vmem>>, %arg2: memref<256x128xf32, #tpu.memory_space<vmem>>, %arg3: memref<128x128xf32, #tpu.memory_space<vmem>>, %arg4: memref<128x128xf32, #tpu.memory_space<vmem>>, %arg5: memref<128x128xf32, #tpu.memory_space<vmem>>, %arg6: memref<128x128xf32, #tpu.memory_space<vmem>>, %arg7: memref<128x128xf32, #tpu.memory_space<vmem>>, %arg8: memref<128x128xf32, #tpu.memory_space<vmem>>, %arg9: memref<1x128xf32, #tpu.memory_space<vmem>>, %arg10: memref<1x128xf32, #tpu.memory_space<vmem>>, %arg11: memref<1x128xf32, #tpu.memory_space<vmem>>, %arg12: memref<256x128xf32, #tpu.memory_space<vmem>>) attributes {dimension_semantics = [], scalar_prefetch = 0 : i64, scratch_operands = 0 : i64, tpu.core_type = #tpu.core_type<tc>} {
    %get3A = arith.constant 0 : index
    %get3A_0 = arith.constant 0 : index
    %get3A_1 = vector.load %arg0[%get3A, %get3A_0] : memref<256x128xf32, #tpu.memory_space<vmem>>, vector<256x128xf32>
    %get3A_2 = arith.constant 0 : index
    %get3A_3 = arith.constant 0 : index
    %get3A_4 = vector.load %arg1[%get3A_2, %get3A_3] : memref<256x1xf32, #tpu.memory_space<vmem>>, vector<256x1xf32>
    %tanh3A = math.tanh %get3A_4 : vector<256x1xf32>
    %mul3A = vector.broadcast %tanh3A : vector<256x1xf32> to vector<256x128xf32>
    %mul3A_5 = arith.mulf %get3A_1, %mul3A : vector<256x128xf32>
    %get3A_6 = arith.constant 0 : index
    %get3A_7 = arith.constant 0 : index
    %get3A_8 = vector.load %arg2[%get3A_6, %get3A_7] : memref<256x128xf32, #tpu.memory_space<vmem>>, vector<256x128xf32>
    %get3A_9 = arith.constant 0 : index
    %get3A_10 = arith.constant 0 : index
    %get3A_11 = vector.load %arg3[%get3A_9, %get3A_10] : memref<128x128xf32, #tpu.memory_space<vmem>>, vector<128x128xf32>
    %dot_general3A = arith.constant dense<0.000000e+00> : vector<256x128xf32>
    %dot_general3A_12 = tpu.matmul %mul3A_5, %get3A_11, %dot_general3A {dimension_numbers = #tpu.dot_dimension_numbers<[1], [0], [0], [1], [0, 0, 1, 1], [], []>, transpose_lhs_hint = false} : vector<256x128xf32>, vector<128x128xf32>, vector<256x128xf32> -> vector<256x128xf32>
    %get3A_13 = arith.constant 0 : index
    %get3A_14 = arith.constant 0 : index
    %get3A_15 = vector.load %arg4[%get3A_13, %get3A_14] : memref<128x128xf32, #tpu.memory_space<vmem>>, vector<128x128xf32>
    %dot_general3A_16 = arith.constant dense<0.000000e+00> : vector<256x128xf32>
    %dot_general3A_17 = tpu.matmul %get3A_8, %get3A_15, %dot_general3A_16 {dimension_numbers = #tpu.dot_dimension_numbers<[1], [0], [0], [1], [0, 0, 1, 1], [], []>, transpose_lhs_hint = false} : vector<256x128xf32>, vector<128x128xf32>, vector<256x128xf32> -> vector<256x128xf32>
    %add3A = arith.addf %dot_general3A_12, %dot_general3A_17 : vector<256x128xf32>
    %get3A_18 = arith.constant 0 : index
    %get3A_19 = arith.constant 0 : index
    %get3A_20 = vector.load %arg9[%get3A_18, %get3A_19] : memref<1x128xf32, #tpu.memory_space<vmem>>, vector<1x128xf32>
    %add3A_21 = vector.broadcast %get3A_20 : vector<1x128xf32> to vector<256x128xf32>
    %add3A_22 = arith.addf %add3A, %add3A_21 : vector<256x128xf32>
    %logistic3A = arith.negf %add3A_22 : vector<256x128xf32>
    %logistic3A_23 = math.exp %logistic3A : vector<256x128xf32>
    %logistic3A_24 = arith.constant 1.000000e+00 : f32
    %logistic3A_25 = vector.broadcast %logistic3A_24 : f32 to vector<256x128xf32>
    %logistic3A_26 = arith.addf %logistic3A_25, %logistic3A_23 : vector<256x128xf32>
    %logistic3A_27 = arith.divf %logistic3A_25, %logistic3A_26 : vector<256x128xf32>
    %get3A_28 = arith.constant 0 : index
    %get3A_29 = arith.constant 0 : index
    %get3A_30 = vector.load %arg5[%get3A_28, %get3A_29] : memref<128x128xf32, #tpu.memory_space<vmem>>, vector<128x128xf32>
    %dot_general3A_31 = arith.constant dense<0.000000e+00> : vector<256x128xf32>
    %dot_general3A_32 = tpu.matmul %mul3A_5, %get3A_30, %dot_general3A_31 {dimension_numbers = #tpu.dot_dimension_numbers<[1], [0], [0], [1], [0, 0, 1, 1], [], []>, transpose_lhs_hint = false} : vector<256x128xf32>, vector<128x128xf32>, vector<256x128xf32> -> vector<256x128xf32>
    %get3A_33 = arith.constant 0 : index
    %get3A_34 = arith.constant 0 : index
    %get3A_35 = vector.load %arg6[%get3A_33, %get3A_34] : memref<128x128xf32, #tpu.memory_space<vmem>>, vector<128x128xf32>
    %dot_general3A_36 = arith.constant dense<0.000000e+00> : vector<256x128xf32>
    %dot_general3A_37 = tpu.matmul %get3A_8, %get3A_35, %dot_general3A_36 {dimension_numbers = #tpu.dot_dimension_numbers<[1], [0], [0], [1], [0, 0, 1, 1], [], []>, transpose_lhs_hint = false} : vector<256x128xf32>, vector<128x128xf32>, vector<256x128xf32> -> vector<256x128xf32>
    %add3A_38 = arith.addf %dot_general3A_32, %dot_general3A_37 : vector<256x128xf32>
    %get3A_39 = arith.constant 0 : index
    %get3A_40 = arith.constant 0 : index
    %get3A_41 = vector.load %arg10[%get3A_39, %get3A_40] : memref<1x128xf32, #tpu.memory_space<vmem>>, vector<1x128xf32>
    %add3A_42 = vector.broadcast %get3A_41 : vector<1x128xf32> to vector<256x128xf32>
    %add3A_43 = arith.addf %add3A_38, %add3A_42 : vector<256x128xf32>
    %logistic3A_44 = arith.negf %add3A_43 : vector<256x128xf32>
    %logistic3A_45 = math.exp %logistic3A_44 : vector<256x128xf32>
    %logistic3A_46 = arith.constant 1.000000e+00 : f32
    %logistic3A_47 = vector.broadcast %logistic3A_46 : f32 to vector<256x128xf32>
    %logistic3A_48 = arith.addf %logistic3A_47, %logistic3A_45 : vector<256x128xf32>
    %logistic3A_49 = arith.divf %logistic3A_47, %logistic3A_48 : vector<256x128xf32>
    %get3A_50 = arith.constant 0 : index
    %get3A_51 = arith.constant 0 : index
    %get3A_52 = vector.load %arg7[%get3A_50, %get3A_51] : memref<128x128xf32, #tpu.memory_space<vmem>>, vector<128x128xf32>
    %dot_general3A_53 = arith.constant dense<0.000000e+00> : vector<256x128xf32>
    %dot_general3A_54 = tpu.matmul %mul3A_5, %get3A_52, %dot_general3A_53 {dimension_numbers = #tpu.dot_dimension_numbers<[1], [0], [0], [1], [0, 0, 1, 1], [], []>, transpose_lhs_hint = false} : vector<256x128xf32>, vector<128x128xf32>, vector<256x128xf32> -> vector<256x128xf32>
    %mul3A_55 = arith.mulf %logistic3A_49, %get3A_8 : vector<256x128xf32>
    %get3A_56 = arith.constant 0 : index
    %get3A_57 = arith.constant 0 : index
    %get3A_58 = vector.load %arg8[%get3A_56, %get3A_57] : memref<128x128xf32, #tpu.memory_space<vmem>>, vector<128x128xf32>
    %dot_general3A_59 = arith.constant dense<0.000000e+00> : vector<256x128xf32>
    %dot_general3A_60 = tpu.matmul %mul3A_55, %get3A_58, %dot_general3A_59 {dimension_numbers = #tpu.dot_dimension_numbers<[1], [0], [0], [1], [0, 0, 1, 1], [], []>, transpose_lhs_hint = false} : vector<256x128xf32>, vector<128x128xf32>, vector<256x128xf32> -> vector<256x128xf32>
    %add3A_61 = arith.addf %dot_general3A_54, %dot_general3A_60 : vector<256x128xf32>
    %get3A_62 = arith.constant 0 : index
    %get3A_63 = arith.constant 0 : index
    %get3A_64 = vector.load %arg11[%get3A_62, %get3A_63] : memref<1x128xf32, #tpu.memory_space<vmem>>, vector<1x128xf32>
    %add3A_65 = vector.broadcast %get3A_64 : vector<1x128xf32> to vector<256x128xf32>
    %add3A_66 = arith.addf %add3A_61, %add3A_65 : vector<256x128xf32>
    %tanh3A_67 = math.tanh %add3A_66 : vector<256x128xf32>
    %sub3A = arith.constant 1.000000e+00 : f32
    %sub3A_68 = vector.broadcast %sub3A : f32 to vector<256x128xf32>
    %sub3A_69 = arith.subf %sub3A_68, %logistic3A_27 : vector<256x128xf32>
    %mul3A_70 = arith.mulf %sub3A_69, %get3A_8 : vector<256x128xf32>
    %mul3A_71 = arith.mulf %logistic3A_27, %tanh3A_67 : vector<256x128xf32>
    %add3A_72 = arith.addf %mul3A_70, %mul3A_71 : vector<256x128xf32>
    %swap3A = arith.constant 0 : index
    %swap3A_73 = arith.constant 0 : index
    %swap3A_74 = vector.load %arg12[%swap3A, %swap3A_73] : memref<256x128xf32, #tpu.memory_space<vmem>>, vector<256x128xf32>
    tpu.vector_store %arg12[%swap3A, %swap3A_73], %add3A_72 {strides = array<i32>} : memref<256x128xf32, #tpu.memory_space<vmem>>, vector<256x128xf32>,
    return
  }
}

module attributes {stable_mosaic.version = 14 : i64} {
  func.func @_layer1_body(%arg0: i32, %arg1: memref<1024x256xf32, #tpu.memory_space<vmem>>, %arg2: memref<1024x128xf32, #tpu.memory_space<vmem>>, %arg3: memref<2x1024x128xf32, #tpu.memory_space<vmem>>, %arg4: memref<256x128xf32, #tpu.memory_space<vmem>>, %arg5: memref<1024x256xf32, #tpu.memory_space<vmem>>, %arg6: memref<2x1024x128xf32, #tpu.memory_space<vmem>>) attributes {dimension_semantics = [#tpu.dimension_semantics<arbitrary>], iteration_bounds = array<i64: 10>, scalar_prefetch = 0 : i64, scratch_operands = 0 : i64, tpu.core_type = #tpu.core_type<tc>, window_params = [{transform_indices = @transform_0, window_bounds = array<i64: 1024, 256>}, {transform_indices = @transform_1, window_bounds = array<i64: 1024, 128>}, {transform_indices = @transform_2, window_bounds = array<i64: 2, 1024, 128>}, {pipeline_mode = #tpu.pipeline_mode<synchronous>, transform_indices = @transform_3, window_bounds = array<i64: 256, 128>}, {transform_indices = @transform_4, window_bounds = array<i64: 1024, 256>}, {transform_indices = @transform_5, window_bounds = array<i64: 2, 1024, 128>}]} {
    %get3A = arith.constant 0 : index
    %get3A_0 = arith.constant 0 : index
    %get3A_1 = vector.load %arg1[%get3A, %get3A_0] : memref<1024x256xf32, #tpu.memory_space<vmem>>, vector<1024x256xf32>
    %reduce_sum3A = arith.constant dense<0.000000e+00> : vector<1024xf32>
    %reduce_sum3A_2 = vector.multi_reduction <add>, %get3A_1, %reduce_sum3A [1] : vector<1024x256xf32> to vector<1024xf32>
    %broadcast_in_dim3A = vector.shape_cast %reduce_sum3A_2 : vector<1024xf32> to vector<1024x1xf32>
    %add3A = arith.constant 1.000000e+00 : f32
    %add3A_3 = vector.broadcast %add3A : f32 to vector<1024x1xf32>
    %add3A_4 = arith.addf %broadcast_in_dim3A, %add3A_3 : vector<1024x1xf32>
    %rsqrt3A = math.rsqrt %add3A_4 : vector<1024x1xf32>
    %get3A_5 = arith.constant 0 : index
    %get3A_6 = arith.constant 0 : index
    %get3A_7 = arith.constant 0 : index
    %get3A_8 = vector.load %arg3[%get3A_5, %get3A_6, %get3A_7] : memref<2x1024x128xf32, #tpu.memory_space<vmem>>, vector<1x1024x128xf32>
    %get3A_9 = vector.shape_cast %get3A_8 : vector<1x1024x128xf32> to vector<1024x128xf32>
    %get3A_10 = arith.constant 1 : index
    %get3A_11 = arith.constant 0 : index
    %get3A_12 = arith.constant 0 : index
    %get3A_13 = vector.load %arg3[%get3A_10, %get3A_11, %get3A_12] : memref<2x1024x128xf32, #tpu.memory_space<vmem>>, vector<1x1024x128xf32>
    %get3A_14 = vector.shape_cast %get3A_13 : vector<1x1024x128xf32> to vector<1024x128xf32>
    %add3A_15 = arith.addf %get3A_9, %get3A_14 : vector<1024x128xf32>
    %get3A_16 = arith.constant 0 : index
    %get3A_17 = arith.constant 0 : index
    %get3A_18 = vector.load %arg2[%get3A_16, %get3A_17] : memref<1024x128xf32, #tpu.memory_space<vmem>>, vector<1024x128xf32>
    %add3A_19 = arith.addf %add3A_15, %get3A_18 : vector<1024x128xf32>
    %mul3A = vector.broadcast %rsqrt3A : vector<1024x1xf32> to vector<1024x128xf32>
    %mul3A_20 = arith.mulf %add3A_19, %mul3A : vector<1024x128xf32>
    %get3A_21 = arith.constant 0 : index
    %get3A_22 = arith.constant 0 : index
    %get3A_23 = vector.load %arg4[%get3A_21, %get3A_22] : memref<256x128xf32, #tpu.memory_space<vmem>>, vector<256x128xf32>
    %dot_general3A = arith.constant dense<0.000000e+00> : vector<1024x256xf32>
    %dot_general3A_24 = tpu.matmul %mul3A_20, %get3A_23, %dot_general3A {dimension_numbers = #tpu.dot_dimension_numbers<[1], [1], [0], [0], [0, 0, 1, 0], [], []>, transpose_lhs_hint = false} : vector<1024x128xf32>, vector<256x128xf32>, vector<1024x256xf32> -> vector<1024x256xf32>
    %max3A = arith.constant 0.000000e+00 : f32
    %max3A_25 = vector.broadcast %max3A : f32 to vector<1024x256xf32>
    %max3A_26 = arith.maximumf %dot_general3A_24, %max3A_25 : vector<1024x256xf32>
    %swap3A = arith.constant 0 : index
    %swap3A_27 = arith.constant 0 : index
    %swap3A_28 = vector.load %arg5[%swap3A, %swap3A_27] : memref<1024x256xf32, #tpu.memory_space<vmem>>, vector<1024x256xf32>
    tpu.vector_store %arg5[%swap3A, %swap3A_27], %max3A_26 {strides = array<i32>} : memref<1024x256xf32, #tpu.memory_space<vmem>>, vector<1024x256xf32>,
    %slice3A = vector.extract_strided_slice %max3A_26 {offsets = [0, 0], sizes = [1024, 128], strides = [1, 1]} : vector<1024x256xf32> to vector<1024x128xf32>
    %mul3A_29 = vector.broadcast %rsqrt3A : vector<1024x1xf32> to vector<1024x128xf32>
    %mul3A_30 = arith.mulf %slice3A, %mul3A_29 : vector<1024x128xf32>
    %swap3A_31 = arith.constant 0 : index
    %swap3A_32 = arith.constant 0 : index
    %swap3A_33 = arith.constant 0 : index
    %swap3A_34 = vector.load %arg6[%swap3A_31, %swap3A_32, %swap3A_33] : memref<2x1024x128xf32, #tpu.memory_space<vmem>>, vector<1x1024x128xf32>
    %swap3A_35 = vector.shape_cast %swap3A_34 : vector<1x1024x128xf32> to vector<1024x128xf32>
    %swap3A_36 = vector.shape_cast %mul3A_30 : vector<1024x128xf32> to vector<1x1024x128xf32>
    tpu.vector_store %arg6[%swap3A_31, %swap3A_32, %swap3A_33], %swap3A_36 {strides = array<i32>} : memref<2x1024x128xf32, #tpu.memory_space<vmem>>, vector<1x1024x128xf32>,
    %slice3A_37 = vector.extract_strided_slice %max3A_26 {offsets = [0, 128], sizes = [1024, 128], strides = [1, 1]} : vector<1024x256xf32> to vector<1024x128xf32>
    %mul3A_38 = vector.broadcast %rsqrt3A : vector<1024x1xf32> to vector<1024x128xf32>
    %mul3A_39 = arith.mulf %slice3A_37, %mul3A_38 : vector<1024x128xf32>
    %swap3A_40 = arith.constant 1 : index
    %swap3A_41 = arith.constant 0 : index
    %swap3A_42 = arith.constant 0 : index
    %swap3A_43 = vector.load %arg6[%swap3A_40, %swap3A_41, %swap3A_42] : memref<2x1024x128xf32, #tpu.memory_space<vmem>>, vector<1x1024x128xf32>
    %swap3A_44 = vector.shape_cast %swap3A_43 : vector<1x1024x128xf32> to vector<1024x128xf32>
    %swap3A_45 = vector.shape_cast %mul3A_39 : vector<1024x128xf32> to vector<1x1024x128xf32>
    tpu.vector_store %arg6[%swap3A_40, %swap3A_41, %swap3A_42], %swap3A_45 {strides = array<i32>} : memref<2x1024x128xf32, #tpu.memory_space<vmem>>, vector<1x1024x128xf32>,
    return
  }
  func.func @transform_0(%arg0: i32) -> (i32, i32) {
    %c0_i32 = arith.constant 0 : i32
    %c0_i32_0 = arith.constant 0 : i32
    return %arg0, %c0_i32 : i32, i32
  }
  func.func @transform_1(%arg0: i32) -> (i32, i32) {
    %c0_i32 = arith.constant 0 : i32
    %c0_i32_0 = arith.constant 0 : i32
    return %arg0, %c0_i32 : i32, i32
  }
  func.func @transform_2(%arg0: i32) -> (i32, i32, i32) {
    %c0_i32 = arith.constant 0 : i32
    %c0_i32_0 = arith.constant 0 : i32
    %c0_i32_1 = arith.constant 0 : i32
    return %c0_i32, %arg0, %c0_i32_0 : i32, i32, i32
  }
  func.func @transform_3(%arg0: i32) -> (i32, i32) {
    %c0_i32 = arith.constant 0 : i32
    %c0_i32_0 = arith.constant 0 : i32
    %c0_i32_1 = arith.constant 0 : i32
    return %c0_i32, %c0_i32_0 : i32, i32
  }
  func.func @transform_4(%arg0: i32) -> (i32, i32) {
    %c0_i32 = arith.constant 0 : i32
    %c0_i32_0 = arith.constant 0 : i32
    return %arg0, %c0_i32 : i32, i32
  }
  func.func @transform_5(%arg0: i32) -> (i32, i32, i32) {
    %c0_i32 = arith.constant 0 : i32
    %c0_i32_0 = arith.constant 0 : i32
    %c0_i32_1 = arith.constant 0 : i32
    return %c0_i32, %arg0, %c0_i32_0 : i32, i32, i32
  }
}

module attributes {stable_mosaic.version = 14 : i64} {
  func.func @_topk_body(%arg0: memref<10240x256xf32, #tpu.memory_space<vmem>>, %arg1: memref<1x256xf32, #tpu.memory_space<vmem>>, %arg2: memref<256x1xf32, #tpu.memory_space<vmem>>, %arg3: memref<256x256xf32, #tpu.memory_space<vmem>>) attributes {dimension_semantics = [], scalar_prefetch = 0 : i64, scratch_operands = 0 : i64, tpu.core_type = #tpu.core_type<tc>} {
    %get3A = arith.constant 0 : index
    %get3A_0 = arith.constant 0 : index
    %get3A_1 = vector.load %arg1[%get3A, %get3A_0] : memref<1x256xf32, #tpu.memory_space<vmem>>, vector<1x256xf32>
    %mul3A = arith.mulf %get3A_1, %get3A_1 : vector<1x256xf32>
    %reduce_sum3A = vector.shape_cast %mul3A : vector<1x256xf32> to vector<1x1x256xf32>
    %reduce_sum3A_2 = arith.constant dense<0.000000e+00> : vector<1xf32>
    %reduce_sum3A_3 = vector.multi_reduction <add>, %reduce_sum3A, %reduce_sum3A_2 [1, 2] : vector<1x1x256xf32> to vector<1xf32>
    %reduce_sum3A_4 = vector.shape_cast %reduce_sum3A_3 : vector<1xf32> to vector<1x1x1xf32>
    %reduce_sum3A_5 = vector.extract %reduce_sum3A_4[0, 0, 0] : f32 from vector<1x1x1xf32>
    %sqrt3A = math.sqrt %reduce_sum3A_5 : f32
    %add3A = arith.constant 9.99999996E-13 : f32
    %add3A_6 = arith.addf %sqrt3A, %add3A : f32
    %div3A = arith.constant 1.000000e+00 : f32
    %div3A_7 = arith.divf %div3A, %add3A_6 : f32
    %get3A_8 = arith.constant 0 : index
    %get3A_9 = arith.constant 0 : index
    %get3A_10 = vector.load %arg0[%get3A_8, %get3A_9] : memref<10240x256xf32, #tpu.memory_space<vmem>>, vector<1280x256xf32>
    %dot_general3A = arith.constant dense<0.000000e+00> : vector<1x1280xf32>
    %dot_general3A_11 = tpu.matmul %get3A_1, %get3A_10, %dot_general3A {dimension_numbers = #tpu.dot_dimension_numbers<[1], [1], [0], [0], [0, 0, 1, 0], [], []>, transpose_lhs_hint = false} : vector<1x256xf32>, vector<1280x256xf32>, vector<1x1280xf32> -> vector<1x1280xf32>
    %get3A_12 = arith.constant 1280 : index
    %get3A_13 = arith.constant 0 : index
    %get3A_14 = vector.load %arg0[%get3A_12, %get3A_13] : memref<10240x256xf32, #tpu.memory_space<vmem>>, vector<1280x256xf32>
    %dot_general3A_15 = arith.constant dense<0.000000e+00> : vector<1x1280xf32>
    %dot_general3A_16 = tpu.matmul %get3A_1, %get3A_14, %dot_general3A_15 {dimension_numbers = #tpu.dot_dimension_numbers<[1], [1], [0], [0], [0, 0, 1, 0], [], []>, transpose_lhs_hint = false} : vector<1x256xf32>, vector<1280x256xf32>, vector<1x1280xf32> -> vector<1x1280xf32>
    %get3A_17 = arith.constant 2560 : index
    %get3A_18 = arith.constant 0 : index
    %get3A_19 = vector.load %arg0[%get3A_17, %get3A_18] : memref<10240x256xf32, #tpu.memory_space<vmem>>, vector<1280x256xf32>
    %dot_general3A_20 = arith.constant dense<0.000000e+00> : vector<1x1280xf32>
    %dot_general3A_21 = tpu.matmul %get3A_1, %get3A_19, %dot_general3A_20 {dimension_numbers = #tpu.dot_dimension_numbers<[1], [1], [0], [0], [0, 0, 1, 0], [], []>, transpose_lhs_hint = false} : vector<1x256xf32>, vector<1280x256xf32>, vector<1x1280xf32> -> vector<1x1280xf32>
    %get3A_22 = arith.constant 3840 : index
    %get3A_23 = arith.constant 0 : index
    %get3A_24 = vector.load %arg0[%get3A_22, %get3A_23] : memref<10240x256xf32, #tpu.memory_space<vmem>>, vector<1280x256xf32>
    %dot_general3A_25 = arith.constant dense<0.000000e+00> : vector<1x1280xf32>
    %dot_general3A_26 = tpu.matmul %get3A_1, %get3A_24, %dot_general3A_25 {dimension_numbers = #tpu.dot_dimension_numbers<[1], [1], [0], [0], [0, 0, 1, 0], [], []>, transpose_lhs_hint = false} : vector<1x256xf32>, vector<1280x256xf32>, vector<1x1280xf32> -> vector<1x1280xf32>
    %get3A_27 = arith.constant 5120 : index
    %get3A_28 = arith.constant 0 : index
    %get3A_29 = vector.load %arg0[%get3A_27, %get3A_28] : memref<10240x256xf32, #tpu.memory_space<vmem>>, vector<1280x256xf32>
    %dot_general3A_30 = arith.constant dense<0.000000e+00> : vector<1x1280xf32>
    %dot_general3A_31 = tpu.matmul %get3A_1, %get3A_29, %dot_general3A_30 {dimension_numbers = #tpu.dot_dimension_numbers<[1], [1], [0], [0], [0, 0, 1, 0], [], []>, transpose_lhs_hint = false} : vector<1x256xf32>, vector<1280x256xf32>, vector<1x1280xf32> -> vector<1x1280xf32>
    %get3A_32 = arith.constant 6400 : index
    %get3A_33 = arith.constant 0 : index
    %get3A_34 = vector.load %arg0[%get3A_32, %get3A_33] : memref<10240x256xf32, #tpu.memory_space<vmem>>, vector<1280x256xf32>
    %dot_general3A_35 = arith.constant dense<0.000000e+00> : vector<1x1280xf32>
    %dot_general3A_36 = tpu.matmul %get3A_1, %get3A_34, %dot_general3A_35 {dimension_numbers = #tpu.dot_dimension_numbers<[1], [1], [0], [0], [0, 0, 1, 0], [], []>, transpose_lhs_hint = false} : vector<1x256xf32>, vector<1280x256xf32>, vector<1x1280xf32> -> vector<1x1280xf32>
    %get3A_37 = arith.constant 7680 : index
    %get3A_38 = arith.constant 0 : index
    %get3A_39 = vector.load %arg0[%get3A_37, %get3A_38] : memref<10240x256xf32, #tpu.memory_space<vmem>>, vector<1280x256xf32>
    %dot_general3A_40 = arith.constant dense<0.000000e+00> : vector<1x1280xf32>
    %dot_general3A_41 = tpu.matmul %get3A_1, %get3A_39, %dot_general3A_40 {dimension_numbers = #tpu.dot_dimension_numbers<[1], [1], [0], [0], [0, 0, 1, 0], [], []>, transpose_lhs_hint = false} : vector<1x256xf32>, vector<1280x256xf32>, vector<1x1280xf32> -> vector<1x1280xf32>
    %get3A_42 = arith.constant 8960 : index
    %get3A_43 = arith.constant 0 : index
    %get3A_44 = vector.load %arg0[%get3A_42, %get3A_43] : memref<10240x256xf32, #tpu.memory_space<vmem>>, vector<1280x256xf32>
    %dot_general3A_45 = arith.constant dense<0.000000e+00> : vector<1x1280xf32>
    %dot_general3A_46 = tpu.matmul %get3A_1, %get3A_44, %dot_general3A_45 {dimension_numbers = #tpu.dot_dimension_numbers<[1], [1], [0], [0], [0, 0, 1, 0], [], []>, transpose_lhs_hint = false} : vector<1x256xf32>, vector<1280x256xf32>, vector<1x1280xf32> -> vector<1x1280xf32>
    %concatenate3A = tpu.concatenate %dot_general3A_11, %dot_general3A_16, %dot_general3A_21, %dot_general3A_26, %dot_general3A_31, %dot_general3A_36, %dot_general3A_41, %dot_general3A_46 in 0 : vector<1x1280xf32>, vector<1x1280xf32>, vector<1x1280xf32>, vector<1x1280xf32>, vector<1x1280xf32>, vector<1x1280xf32>, vector<1x1280xf32>, vector<1x1280xf32> -> vector<8x1280xf32>
    %mul3A_47 = vector.broadcast %div3A_7 : f32 to vector<8x1280xf32>
    %mul3A_48 = arith.mulf %concatenate3A, %mul3A_47 : vector<8x1280xf32>
    %iota3A = tpu.iota {dimensions = array<i32: 0>} : vector<8x1280xi32>
    %mul3A_49 = arith.constant 1280 : i32
    %mul3A_50 = vector.broadcast %mul3A_49 : i32 to vector<8x1280xi32>
    %mul3A_51 = arith.muli %iota3A, %mul3A_50 : vector<8x1280xi32>
    %iota3A_52 = tpu.iota {dimensions = array<i32: 1>} : vector<8x1280xi32>
    %add3A_53 = arith.addi %mul3A_51, %iota3A_52 : vector<8x1280xi32>
    %lt3A = arith.constant 10000 : i32
    %lt3A_54 = vector.broadcast %lt3A : i32 to vector<8x1280xi32>
    %lt3A_55 = arith.cmpi slt, %add3A_53, %lt3A_54 : vector<8x1280xi32>
    %jit3A = arith.constant -3.000000e+38 : f32
    %broadcast_in_dim3A = vector.broadcast %jit3A : f32 to vector<8x1280xf32>
    %select_n3A = arith.select %lt3A_55, %mul3A_48, %broadcast_in_dim3A : vector<8x1280xi1>, vector<8x1280xf32>
    %scan3A = arith.constant -3.000000e+38 : f32
    %scan3A_56 = arith.constant 0 : i32
    %scan3A_57 = arith.constant 256 : i32
    %scan3A_58 = arith.addi %scan3A_56, %scan3A_57 : i32
    %scan3A_59 = arith.constant 1 : i32
    %scan3A_60 = scf.for %scan3A_62 = %scan3A_56 to %scan3A_58 step %scan3A_59 iter_args(%scan3A_63 = %select_n3A) -> (vector<8x1280xf32>)  : i32 {
      %reduce_max3A = vector.shape_cast %scan3A_63 : vector<8x1280xf32> to vector<1x8x1280xf32>
      %reduce_max3A_64 = arith.constant dense<0xFF800000> : vector<1xf32>
      %reduce_max3A_65 = vector.multi_reduction <maximumf>, %reduce_max3A, %reduce_max3A_64 [1, 2] : vector<1x8x1280xf32> to vector<1xf32>
      %reduce_max3A_66 = vector.shape_cast %reduce_max3A_65 : vector<1xf32> to vector<1x1x1xf32>
      %reduce_max3A_67 = vector.extract %reduce_max3A_66[0, 0, 0] : f32 from vector<1x1x1xf32>
      %eq3A = vector.broadcast %reduce_max3A_67 : f32 to vector<8x1280xf32>
      %eq3A_68 = arith.cmpf oeq, %scan3A_63, %eq3A : vector<8x1280xf32>
      %jit3A_69 = arith.constant 1073741824 : i32
      %broadcast_in_dim3A_70 = vector.broadcast %jit3A_69 : i32 to vector<8x1280xi32>
      %select_n3A_71 = arith.select %eq3A_68, %add3A_53, %broadcast_in_dim3A_70 : vector<8x1280xi1>, vector<8x1280xi32>
      %reduce_min3A = vector.shape_cast %select_n3A_71 : vector<8x1280xi32> to vector<1x8x1280xi32>
      %reduce_min3A_72 = arith.constant dense<2147483647> : vector<1xi32>
      %reduce_min3A_73 = vector.multi_reduction <minsi>, %reduce_min3A, %reduce_min3A_72 [1, 2] : vector<1x8x1280xi32> to vector<1xi32>
      %reduce_min3A_74 = vector.shape_cast %reduce_min3A_73 : vector<1xi32> to vector<1x1x1xi32>
      %reduce_min3A_75 = vector.extract %reduce_min3A_74[0, 0, 0] : i32 from vector<1x1x1xi32>
      %reshape3A = vector.broadcast %reduce_max3A_67 : f32 to vector<1x1xf32>
      %swap3A = arith.index_cast %scan3A_62 : i32 to index
      %swap3A_76 = arith.constant 0 : index
      %swap3A_77 = vector.load %arg2[%swap3A, %swap3A_76] : memref<256x1xf32, #tpu.memory_space<vmem>>, vector<1x1xf32>
      tpu.vector_store %arg2[%swap3A, %swap3A_76], %reshape3A {strides = array<i32>} : memref<256x1xf32, #tpu.memory_space<vmem>>, vector<1x1xf32>,
      %get3A_78 = arith.index_cast %reduce_min3A_75 : i32 to index
      %get3A_79 = arith.constant 0 : index
      %get3A_80 = vector.load %arg0[%get3A_78, %get3A_79] : memref<10240x256xf32, #tpu.memory_space<vmem>>, vector<1x256xf32>
      %swap3A_81 = arith.index_cast %scan3A_62 : i32 to index
      %swap3A_82 = arith.constant 0 : index
      %swap3A_83 = vector.load %arg3[%swap3A_81, %swap3A_82] : memref<256x256xf32, #tpu.memory_space<vmem>>, vector<1x256xf32>
      tpu.vector_store %arg3[%swap3A_81, %swap3A_82], %get3A_80 {strides = array<i32>} : memref<256x256xf32, #tpu.memory_space<vmem>>, vector<1x256xf32>,
      %eq3A_84 = vector.broadcast %reduce_min3A_75 : i32 to vector<8x1280xi32>
      %eq3A_85 = arith.cmpi eq, %add3A_53, %eq3A_84 : vector<8x1280xi32>
      %broadcast_in_dim3A_86 = vector.broadcast %scan3A : f32 to vector<8x1280xf32>
      %select_n3A_87 = arith.select %eq3A_85, %broadcast_in_dim3A_86, %scan3A_63 : vector<8x1280xi1>, vector<8x1280xf32>
      scf.yield %select_n3A_87 : vector<8x1280xf32>
    }
    %scan3A_61 = arith.constant 256 : i32
    return
  }
}

module attributes {stable_mosaic.version = 14 : i64} {
  func.func @_gru_body(%arg0: memref<256x256xf32, #tpu.memory_space<vmem>>, %arg1: memref<256x1xf32, #tpu.memory_space<vmem>>, %arg2: memref<256x256xf32, #tpu.memory_space<vmem>>, %arg3: memref<256x256xf32, #tpu.memory_space<vmem>>, %arg4: memref<256x256xf32, #tpu.memory_space<vmem>>, %arg5: memref<256x256xf32, #tpu.memory_space<vmem>>, %arg6: memref<256x256xf32, #tpu.memory_space<vmem>>, %arg7: memref<256x256xf32, #tpu.memory_space<vmem>>, %arg8: memref<256x256xf32, #tpu.memory_space<vmem>>, %arg9: memref<1x256xf32, #tpu.memory_space<vmem>>, %arg10: memref<1x256xf32, #tpu.memory_space<vmem>>, %arg11: memref<1x256xf32, #tpu.memory_space<vmem>>, %arg12: memref<256x256xf32, #tpu.memory_space<vmem>>) attributes {dimension_semantics = [], scalar_prefetch = 0 : i64, scratch_operands = 0 : i64, tpu.core_type = #tpu.core_type<tc>} {
    %get3A = arith.constant 0 : index
    %get3A_0 = arith.constant 0 : index
    %get3A_1 = vector.load %arg0[%get3A, %get3A_0] : memref<256x256xf32, #tpu.memory_space<vmem>>, vector<256x256xf32>
    %get3A_2 = arith.constant 0 : index
    %get3A_3 = arith.constant 0 : index
    %get3A_4 = vector.load %arg1[%get3A_2, %get3A_3] : memref<256x1xf32, #tpu.memory_space<vmem>>, vector<256x1xf32>
    %tanh3A = math.tanh %get3A_4 : vector<256x1xf32>
    %mul3A = vector.broadcast %tanh3A : vector<256x1xf32> to vector<256x256xf32>
    %mul3A_5 = arith.mulf %get3A_1, %mul3A : vector<256x256xf32>
    %get3A_6 = arith.constant 0 : index
    %get3A_7 = arith.constant 0 : index
    %get3A_8 = vector.load %arg2[%get3A_6, %get3A_7] : memref<256x256xf32, #tpu.memory_space<vmem>>, vector<256x256xf32>
    %get3A_9 = arith.constant 0 : index
    %get3A_10 = arith.constant 0 : index
    %get3A_11 = vector.load %arg3[%get3A_9, %get3A_10] : memref<256x256xf32, #tpu.memory_space<vmem>>, vector<256x256xf32>
    %dot_general3A = arith.constant dense<0.000000e+00> : vector<256x256xf32>
    %dot_general3A_12 = tpu.matmul %mul3A_5, %get3A_11, %dot_general3A {dimension_numbers = #tpu.dot_dimension_numbers<[1], [0], [0], [1], [0, 0, 1, 1], [], []>, transpose_lhs_hint = false} : vector<256x256xf32>, vector<256x256xf32>, vector<256x256xf32> -> vector<256x256xf32>
    %get3A_13 = arith.constant 0 : index
    %get3A_14 = arith.constant 0 : index
    %get3A_15 = vector.load %arg4[%get3A_13, %get3A_14] : memref<256x256xf32, #tpu.memory_space<vmem>>, vector<256x256xf32>
    %dot_general3A_16 = arith.constant dense<0.000000e+00> : vector<256x256xf32>
    %dot_general3A_17 = tpu.matmul %get3A_8, %get3A_15, %dot_general3A_16 {dimension_numbers = #tpu.dot_dimension_numbers<[1], [0], [0], [1], [0, 0, 1, 1], [], []>, transpose_lhs_hint = false} : vector<256x256xf32>, vector<256x256xf32>, vector<256x256xf32> -> vector<256x256xf32>
    %add3A = arith.addf %dot_general3A_12, %dot_general3A_17 : vector<256x256xf32>
    %get3A_18 = arith.constant 0 : index
    %get3A_19 = arith.constant 0 : index
    %get3A_20 = vector.load %arg9[%get3A_18, %get3A_19] : memref<1x256xf32, #tpu.memory_space<vmem>>, vector<1x256xf32>
    %add3A_21 = vector.broadcast %get3A_20 : vector<1x256xf32> to vector<256x256xf32>
    %add3A_22 = arith.addf %add3A, %add3A_21 : vector<256x256xf32>
    %logistic3A = arith.negf %add3A_22 : vector<256x256xf32>
    %logistic3A_23 = math.exp %logistic3A : vector<256x256xf32>
    %logistic3A_24 = arith.constant 1.000000e+00 : f32
    %logistic3A_25 = vector.broadcast %logistic3A_24 : f32 to vector<256x256xf32>
    %logistic3A_26 = arith.addf %logistic3A_25, %logistic3A_23 : vector<256x256xf32>
    %logistic3A_27 = arith.divf %logistic3A_25, %logistic3A_26 : vector<256x256xf32>
    %get3A_28 = arith.constant 0 : index
    %get3A_29 = arith.constant 0 : index
    %get3A_30 = vector.load %arg5[%get3A_28, %get3A_29] : memref<256x256xf32, #tpu.memory_space<vmem>>, vector<256x256xf32>
    %dot_general3A_31 = arith.constant dense<0.000000e+00> : vector<256x256xf32>
    %dot_general3A_32 = tpu.matmul %mul3A_5, %get3A_30, %dot_general3A_31 {dimension_numbers = #tpu.dot_dimension_numbers<[1], [0], [0], [1], [0, 0, 1, 1], [], []>, transpose_lhs_hint = false} : vector<256x256xf32>, vector<256x256xf32>, vector<256x256xf32> -> vector<256x256xf32>
    %get3A_33 = arith.constant 0 : index
    %get3A_34 = arith.constant 0 : index
    %get3A_35 = vector.load %arg6[%get3A_33, %get3A_34] : memref<256x256xf32, #tpu.memory_space<vmem>>, vector<256x256xf32>
    %dot_general3A_36 = arith.constant dense<0.000000e+00> : vector<256x256xf32>
    %dot_general3A_37 = tpu.matmul %get3A_8, %get3A_35, %dot_general3A_36 {dimension_numbers = #tpu.dot_dimension_numbers<[1], [0], [0], [1], [0, 0, 1, 1], [], []>, transpose_lhs_hint = false} : vector<256x256xf32>, vector<256x256xf32>, vector<256x256xf32> -> vector<256x256xf32>
    %add3A_38 = arith.addf %dot_general3A_32, %dot_general3A_37 : vector<256x256xf32>
    %get3A_39 = arith.constant 0 : index
    %get3A_40 = arith.constant 0 : index
    %get3A_41 = vector.load %arg10[%get3A_39, %get3A_40] : memref<1x256xf32, #tpu.memory_space<vmem>>, vector<1x256xf32>
    %add3A_42 = vector.broadcast %get3A_41 : vector<1x256xf32> to vector<256x256xf32>
    %add3A_43 = arith.addf %add3A_38, %add3A_42 : vector<256x256xf32>
    %logistic3A_44 = arith.negf %add3A_43 : vector<256x256xf32>
    %logistic3A_45 = math.exp %logistic3A_44 : vector<256x256xf32>
    %logistic3A_46 = arith.constant 1.000000e+00 : f32
    %logistic3A_47 = vector.broadcast %logistic3A_46 : f32 to vector<256x256xf32>
    %logistic3A_48 = arith.addf %logistic3A_47, %logistic3A_45 : vector<256x256xf32>
    %logistic3A_49 = arith.divf %logistic3A_47, %logistic3A_48 : vector<256x256xf32>
    %get3A_50 = arith.constant 0 : index
    %get3A_51 = arith.constant 0 : index
    %get3A_52 = vector.load %arg7[%get3A_50, %get3A_51] : memref<256x256xf32, #tpu.memory_space<vmem>>, vector<256x256xf32>
    %dot_general3A_53 = arith.constant dense<0.000000e+00> : vector<256x256xf32>
    %dot_general3A_54 = tpu.matmul %mul3A_5, %get3A_52, %dot_general3A_53 {dimension_numbers = #tpu.dot_dimension_numbers<[1], [0], [0], [1], [0, 0, 1, 1], [], []>, transpose_lhs_hint = false} : vector<256x256xf32>, vector<256x256xf32>, vector<256x256xf32> -> vector<256x256xf32>
    %mul3A_55 = arith.mulf %logistic3A_49, %get3A_8 : vector<256x256xf32>
    %get3A_56 = arith.constant 0 : index
    %get3A_57 = arith.constant 0 : index
    %get3A_58 = vector.load %arg8[%get3A_56, %get3A_57] : memref<256x256xf32, #tpu.memory_space<vmem>>, vector<256x256xf32>
    %dot_general3A_59 = arith.constant dense<0.000000e+00> : vector<256x256xf32>
    %dot_general3A_60 = tpu.matmul %mul3A_55, %get3A_58, %dot_general3A_59 {dimension_numbers = #tpu.dot_dimension_numbers<[1], [0], [0], [1], [0, 0, 1, 1], [], []>, transpose_lhs_hint = false} : vector<256x256xf32>, vector<256x256xf32>, vector<256x256xf32> -> vector<256x256xf32>
    %add3A_61 = arith.addf %dot_general3A_54, %dot_general3A_60 : vector<256x256xf32>
    %get3A_62 = arith.constant 0 : index
    %get3A_63 = arith.constant 0 : index
    %get3A_64 = vector.load %arg11[%get3A_62, %get3A_63] : memref<1x256xf32, #tpu.memory_space<vmem>>, vector<1x256xf32>
    %add3A_65 = vector.broadcast %get3A_64 : vector<1x256xf32> to vector<256x256xf32>
    %add3A_66 = arith.addf %add3A_61, %add3A_65 : vector<256x256xf32>
    %tanh3A_67 = math.tanh %add3A_66 : vector<256x256xf32>
    %sub3A = arith.constant 1.000000e+00 : f32
    %sub3A_68 = vector.broadcast %sub3A : f32 to vector<256x256xf32>
    %sub3A_69 = arith.subf %sub3A_68, %logistic3A_27 : vector<256x256xf32>
    %mul3A_70 = arith.mulf %sub3A_69, %get3A_8 : vector<256x256xf32>
    %mul3A_71 = arith.mulf %logistic3A_27, %tanh3A_67 : vector<256x256xf32>
    %add3A_72 = arith.addf %mul3A_70, %mul3A_71 : vector<256x256xf32>
    %swap3A = arith.constant 0 : index
    %swap3A_73 = arith.constant 0 : index
    %swap3A_74 = vector.load %arg12[%swap3A, %swap3A_73] : memref<256x256xf32, #tpu.memory_space<vmem>>, vector<256x256xf32>
    tpu.vector_store %arg12[%swap3A, %swap3A_73], %add3A_72 {strides = array<i32>} : memref<256x256xf32, #tpu.memory_space<vmem>>, vector<256x256xf32>,
    return
  }
}

module attributes {stable_mosaic.version = 14 : i64} {
  func.func @_layer2_body(%arg0: i32, %arg1: memref<1024x256xf32, #tpu.memory_space<vmem>>, %arg2: memref<2x1024x128xf32, #tpu.memory_space<vmem>>, %arg3: memref<2x1024x128xf32, #tpu.memory_space<vmem>>, %arg4: memref<256x256xf32, #tpu.memory_space<vmem>>, %arg5: memref<256x64xf32, #tpu.memory_space<vmem>>, %arg6: memref<1x64xf32, #tpu.memory_space<vmem>>, %arg7: memref<1024x64xf32, #tpu.memory_space<vmem>>) attributes {dimension_semantics = [#tpu.dimension_semantics<arbitrary>], iteration_bounds = array<i64: 10>, scalar_prefetch = 0 : i64, scratch_operands = 0 : i64, tpu.core_type = #tpu.core_type<tc>, window_params = [{transform_indices = @transform_0, window_bounds = array<i64: 1024, 256>}, {transform_indices = @transform_1, window_bounds = array<i64: 2, 1024, 128>}, {transform_indices = @transform_2, window_bounds = array<i64: 2, 1024, 128>}, {pipeline_mode = #tpu.pipeline_mode<synchronous>, transform_indices = @transform_3, window_bounds = array<i64: 256, 256>}, {pipeline_mode = #tpu.pipeline_mode<synchronous>, transform_indices = @transform_4, window_bounds = array<i64: 256, 64>}, {pipeline_mode = #tpu.pipeline_mode<synchronous>, transform_indices = @transform_5, window_bounds = array<i64: 1, 64>}, {transform_indices = @transform_6, window_bounds = array<i64: 1024, 64>}]} {
    %get3A = arith.constant 0 : index
    %get3A_0 = arith.constant 0 : index
    %get3A_1 = vector.load %arg1[%get3A, %get3A_0] : memref<1024x256xf32, #tpu.memory_space<vmem>>, vector<1024x256xf32>
    %reduce_sum3A = arith.constant dense<0.000000e+00> : vector<1024xf32>
    %reduce_sum3A_2 = vector.multi_reduction <add>, %get3A_1, %reduce_sum3A [1] : vector<1024x256xf32> to vector<1024xf32>
    %broadcast_in_dim3A = vector.shape_cast %reduce_sum3A_2 : vector<1024xf32> to vector<1024x1xf32>
    %add3A = arith.constant 1.000000e+00 : f32
    %add3A_3 = vector.broadcast %add3A : f32 to vector<1024x1xf32>
    %add3A_4 = arith.addf %broadcast_in_dim3A, %add3A_3 : vector<1024x1xf32>
    %rsqrt3A = math.rsqrt %add3A_4 : vector<1024x1xf32>
    %get3A_5 = arith.constant 0 : index
    %get3A_6 = arith.constant 0 : index
    %get3A_7 = arith.constant 0 : index
    %get3A_8 = vector.load %arg3[%get3A_5, %get3A_6, %get3A_7] : memref<2x1024x128xf32, #tpu.memory_space<vmem>>, vector<1x1024x128xf32>
    %get3A_9 = vector.shape_cast %get3A_8 : vector<1x1024x128xf32> to vector<1024x128xf32>
    %get3A_10 = arith.constant 0 : index
    %get3A_11 = arith.constant 0 : index
    %get3A_12 = arith.constant 0 : index
    %get3A_13 = vector.load %arg2[%get3A_10, %get3A_11, %get3A_12] : memref<2x1024x128xf32, #tpu.memory_space<vmem>>, vector<1x1024x128xf32>
    %get3A_14 = vector.shape_cast %get3A_13 : vector<1x1024x128xf32> to vector<1024x128xf32>
    %add3A_15 = arith.addf %get3A_9, %get3A_14 : vector<1024x128xf32>
    %mul3A = vector.broadcast %rsqrt3A : vector<1024x1xf32> to vector<1024x128xf32>
    %mul3A_16 = arith.mulf %add3A_15, %mul3A : vector<1024x128xf32>
    %get3A_17 = arith.constant 1 : index
    %get3A_18 = arith.constant 0 : index
    %get3A_19 = arith.constant 0 : index
    %get3A_20 = vector.load %arg3[%get3A_17, %get3A_18, %get3A_19] : memref<2x1024x128xf32, #tpu.memory_space<vmem>>, vector<1x1024x128xf32>
    %get3A_21 = vector.shape_cast %get3A_20 : vector<1x1024x128xf32> to vector<1024x128xf32>
    %get3A_22 = arith.constant 1 : index
    %get3A_23 = arith.constant 0 : index
    %get3A_24 = arith.constant 0 : index
    %get3A_25 = vector.load %arg2[%get3A_22, %get3A_23, %get3A_24] : memref<2x1024x128xf32, #tpu.memory_space<vmem>>, vector<1x1024x128xf32>
    %get3A_26 = vector.shape_cast %get3A_25 : vector<1x1024x128xf32> to vector<1024x128xf32>
    %add3A_27 = arith.addf %get3A_21, %get3A_26 : vector<1024x128xf32>
    %mul3A_28 = vector.broadcast %rsqrt3A : vector<1024x1xf32> to vector<1024x128xf32>
    %mul3A_29 = arith.mulf %add3A_27, %mul3A_28 : vector<1024x128xf32>
    %concatenate3A = tpu.concatenate %mul3A_16, %mul3A_29 in 1 : vector<1024x128xf32>, vector<1024x128xf32> -> vector<1024x256xf32>
    %get3A_30 = arith.constant 0 : index
    %get3A_31 = arith.constant 0 : index
    %get3A_32 = vector.load %arg4[%get3A_30, %get3A_31] : memref<256x256xf32, #tpu.memory_space<vmem>>, vector<256x256xf32>
    %dot_general3A = arith.constant dense<0.000000e+00> : vector<1024x256xf32>
    %dot_general3A_33 = tpu.matmul %concatenate3A, %get3A_32, %dot_general3A {dimension_numbers = #tpu.dot_dimension_numbers<[1], [1], [0], [0], [0, 0, 1, 0], [], []>, transpose_lhs_hint = false} : vector<1024x256xf32>, vector<256x256xf32>, vector<1024x256xf32> -> vector<1024x256xf32>
    %max3A = arith.constant 0.000000e+00 : f32
    %max3A_34 = vector.broadcast %max3A : f32 to vector<1024x256xf32>
    %max3A_35 = arith.maximumf %dot_general3A_33, %max3A_34 : vector<1024x256xf32>
    %get3A_36 = arith.constant 0 : index
    %get3A_37 = arith.constant 0 : index
    %get3A_38 = vector.load %arg5[%get3A_36, %get3A_37] : memref<256x64xf32, #tpu.memory_space<vmem>>, vector<256x64xf32>
    %dot_general3A_39 = arith.constant dense<0.000000e+00> : vector<1024x64xf32>
    %dot_general3A_40 = tpu.matmul %max3A_35, %get3A_38, %dot_general3A_39 {dimension_numbers = #tpu.dot_dimension_numbers<[1], [0], [0], [1], [0, 0, 1, 1], [], []>, transpose_lhs_hint = false} : vector<1024x256xf32>, vector<256x64xf32>, vector<1024x64xf32> -> vector<1024x64xf32>
    %get3A_41 = arith.constant 0 : index
    %get3A_42 = arith.constant 0 : index
    %get3A_43 = vector.load %arg6[%get3A_41, %get3A_42] : memref<1x64xf32, #tpu.memory_space<vmem>>, vector<1x64xf32>
    %add3A_44 = vector.broadcast %get3A_43 : vector<1x64xf32> to vector<1024x64xf32>
    %add3A_45 = arith.addf %dot_general3A_40, %add3A_44 : vector<1024x64xf32>
    %swap3A = arith.constant 0 : index
    %swap3A_46 = arith.constant 0 : index
    %swap3A_47 = vector.load %arg7[%swap3A, %swap3A_46] : memref<1024x64xf32, #tpu.memory_space<vmem>>, vector<1024x64xf32>
    tpu.vector_store %arg7[%swap3A, %swap3A_46], %add3A_45 {strides = array<i32>} : memref<1024x64xf32, #tpu.memory_space<vmem>>, vector<1024x64xf32>,
    return
  }
  func.func @transform_0(%arg0: i32) -> (i32, i32) {
    %c0_i32 = arith.constant 0 : i32
    %c0_i32_0 = arith.constant 0 : i32
    return %arg0, %c0_i32 : i32, i32
  }
  func.func @transform_1(%arg0: i32) -> (i32, i32, i32) {
    %c0_i32 = arith.constant 0 : i32
    %c0_i32_0 = arith.constant 0 : i32
    %c0_i32_1 = arith.constant 0 : i32
    return %c0_i32, %arg0, %c0_i32_0 : i32, i32, i32
  }
  func.func @transform_2(%arg0: i32) -> (i32, i32, i32) {
    %c0_i32 = arith.constant 0 : i32
    %c0_i32_0 = arith.constant 0 : i32
    %c0_i32_1 = arith.constant 0 : i32
    return %c0_i32, %arg0, %c0_i32_0 : i32, i32, i32
  }
  func.func @transform_3(%arg0: i32) -> (i32, i32) {
    %c0_i32 = arith.constant 0 : i32
    %c0_i32_0 = arith.constant 0 : i32
    %c0_i32_1 = arith.constant 0 : i32
    return %c0_i32, %c0_i32_0 : i32, i32
  }
  func.func @transform_4(%arg0: i32) -> (i32, i32) {
    %c0_i32 = arith.constant 0 : i32
    %c0_i32_0 = arith.constant 0 : i32
    %c0_i32_1 = arith.constant 0 : i32
    return %c0_i32, %c0_i32_0 : i32, i32
  }
  func.func @transform_5(%arg0: i32) -> (i32, i32) {
    %c0_i32 = arith.constant 0 : i32
    %c0_i32_0 = arith.constant 0 : i32
    %c0_i32_1 = arith.constant 0 : i32
    return %c0_i32, %c0_i32_0 : i32, i32
  }
  func.func @transform_6(%arg0: i32) -> (i32, i32) {
    %c0_i32 = arith.constant 0 : i32
    %c0_i32_0 = arith.constant 0 : i32
    return %arg0, %c0_i32 : i32, i32
  }
}

</mosaic_0001>

<sc_bundles>
// kernel: kernel.12.cloned.1.call-start
scs
__scs_entry_jumppad:
0x0: {  	(pc) =	sbr.rel $0x88, $3  }
0x1: {  	(tag) =	ssettag $0x0;
	lr =	simm.s32 $0x1  }
0x2: {  	[smem:$0x3F87] =	sst lr;
	_ =	strace $0xD0000000  }
0x3: {  	_ = 	snop  }
0x4: {  	_ = 	snop  }
0x5: {  	_ = 	snop  }
0x6: {  	_ = 	snop  }
0x7: {  	_ = 	snop  }
__scs_overlays_trampoline_lowered:
0x8: {  	[smem:$0x3F96] =	sst s0  }
0x9: {  	[smem:$0x3F97] =	sst s1  }
0xa: {  	[smem:$0x3F98] =	sst s2  }
0xb: {  	[smem:$0x3F99] =	sst s3  }
0xc: {  	[smem:$0x3F9A] =	sst s4  }
0xd: {  	[smem:$0x3F9B] =	sst s5  }
0xe: {  	[smem:$0x3F9C] =	sst s6  }
0xf: {  	[smem:$0x3F9D] =	sst s7  }
0x10: {  	[smem:$0x3F9E] =	sst s8  }
0x11: {  	[smem:$0x3F9F] =	sst s9;
	s0 =	simm.s32 @!p0 $0x0  }
0x12: {  	s1 =	sld [smem:$0x3F85];
	s0 =	simm.s32 @p0 $0x1  }
0x13: {  	[smem:$0x3FA0] =	sst s0;
	s0 =	simm.s32 @!p1 $0x0  }
0x14: {  	s2 =	sld [smem:$0x3F84];
	s0 =	simm.s32 @p1 $0x1  }
0x15: {  	[smem:$0x3FA1] =	sst s0;
	s0 =	simm.s32 @!p2 $0x0  }
0x16: {  	s3 =	sld [smem:$0x3FDB];
	s0 =	simm.s32 @p2 $0x1  }
0x17: {  	s4 =	simm.s32 $0x1BF5;
	[smem:$0x3FA3] =	sst s0  }
0x18: {  	s0 =	sld [smem:$0x3F86];
	_ =	swait.ge [sflag:s4], $0x0  }
0x19: {  	s7 =	sld [smem:$0x3F87]  }
0x1a: {  	s8 =	sadd.s32 $0xFFFFE003, lr  }
0x1b: {  	s9 =	sadd.s32 $0xFFFFFEF7, lr;
	s5 =	simm.s32 $0xFFFFFFFF;
	p2 =	slt.u32 s8, $0xFFFFF086  }
0x1c: {  	p1 =	slt.u32 s9, $0xF7A;
	s5 =	simm.s32 @!p2 $0x0  }
0x1d: {  	s5 =	simm.s32 @p1 $0x1;
	p0 =	seq.s32 s7, s2  }
0x1e: {  	s7 =	smul.u32 @!p0 $0xF7A, s2;
	p2 =	seq.s32 @!p0 s5, $0x0  }
0x1f: {  	s9 =	smul.u32 $0xF7A, s1;
	s8 =	simm.s32 @!p0 $0x1BF5;
	p2 =	por !p2, p0  }
0x20: {  	[sflag:s8] =	ssyncset.s32 @!p0 $0xFFFFF086;
	s6 =	sadd.s32 @!p0 s3, s7;
	s7 =	simm.s32 @!p0 $0x108  }
0x21: {  	s3 =	sadd.s32 s3, s9;
	s6 =	sadd.s32 @!p0 $0x88, s6;
	s7 =	simm.s32 @p2 $0x1082  }
0x22: {  	[simem:s7], [sflag:s8] =	dma.local @!p0 [hbm:s6], $0xF7A  }
0x23: {  	s9 =	sor.u32 $0xD0000000, s2;
	s6 =	simm.s32 $0x108;
	_ =	swait.ge @!p0 [sflag:s8], $0x0  }
0x24: {  	s3 =	sadd.s32 $0x88, s3;
	s6 =	simm.s32 @!p1 $0x1082;
	[sflag:s4] =	ssyncset.s32 $0xFFFFF086  }
0x25: {  	[simem:s6], [sflag:s4] =	dma.local [hbm:s3], $0xF7A  }
0x26: {  	[smem:$0x3F87] =	sst s1;
	(tag) =	ssettag s2;
	_ =	strace s9  }
0x27: {  	s1 =	sld [smem:$0x3F97]  }
0x28: {  	s2 =	sld [smem:$0x3F98]  }
0x29: {  	s4 =	sld [smem:$0x3F9A]  }
0x2a: {  	p0 =	seq.s32 s5, $0x0;
	s5 =	sld [smem:$0x3F9B]  }
0x2b: {  	s6 =	sld [smem:$0x3F9C]  }
0x2c: {  	s7 =	sld [smem:$0x3F9D]  }
0x2d: {  	s3 =	simm.s32 $0x108;
	s8 =	sld [smem:$0x3F9E]  }
0x2e: {  	s3 =	simm.s32 @!p0 $0x1082;
	s9 =	sld [smem:$0x3F9F]  }
0x2f: {  	lr =	sadd.s32 s0, s3;
	s0 =	sld [smem:$0x3F96]  }
0x30: {  	s3 =	sld [smem:$0x3F99]  }
0x31: {  	[smem:$0x3FA2] =	sst s10  }
0x32: {  	s10 =	sld [smem:$0x3FA0];
	_ =	sdelay $0x3  }
0x33: {  	p0 =	seq.s32 s10, $0x1;
	s10 =	sld [smem:$0x3FA2];
	_ =	sdelay $0x3  }
0x34: {  	[smem:$0x3FA2] =	sst s10  }
0x35: {  	s10 =	sld [smem:$0x3FA1];
	_ =	sdelay $0x3  }
0x36: {  	p1 =	seq.s32 s10, $0x1;
	s10 =	sld [smem:$0x3FA2];
	_ =	sdelay $0x3  }
0x37: {  	[smem:$0x3FA2] =	sst s10  }
0x38: {  	s10 =	sld [smem:$0x3FA3]  }
0x39: {  	_ = 	snop;
	(pc) =	sbr.ind lr, $3  }
0x3a: {  	_ = 	snop  }
0x3b: {  	_ = 	snop  }
0x3c: {  	p2 =	seq.s32 s10, $0x1;
	s10 =	sld [smem:$0x3FA2]  }
0x3d: {  	_ =	shalt  }
0x3e: {  	_ =	shalt  }
0x3f: {  	_ =	shalt  }
0x40: {  	_ =	shalt  }
0x41: {  	_ =	shalt  }
0x42: {  	_ =	shalt  }
0x43: {  	_ =	shalt  }
0x44: {  	_ =	shalt  }
0x45: {  	_ =	shalt  }
0x46: {  	_ =	shalt  }
0x47: {  	_ =	shalt  }
0x48: {  	_ =	shalt  }
0x49: {  	_ =	shalt  }
0x4a: {  	_ =	shalt  }
0x4b: {  	_ =	shalt  }
0x4c: {  	_ =	shalt  }
0x4d: {  	_ =	shalt  }
0x4e: {  	_ =	shalt  }
0x4f: {  	_ =	shalt  }
0x50: {  	_ =	shalt  }
0x51: {  	_ =	shalt  }
0x52: {  	_ =	shalt  }
0x53: {  	_ =	shalt  }
0x54: {  	_ =	shalt  }
0x55: {  	_ =	shalt  }
0x56: {  	_ =	shalt  }
0x57: {  	_ =	shalt  }
0x58: {  	_ =	shalt  }
0x59: {  	_ =	shalt  }
0x5a: {  	_ =	shalt  }
0x5b: {  	_ =	shalt  }
0x5c: {  	_ =	shalt  }
0x5d: {  	_ =	shalt  }
0x5e: {  	_ =	shalt  }
0x5f: {  	_ =	shalt  }
0x60: {  	_ =	shalt  }
0x61: {  	_ =	shalt  }
0x62: {  	_ =	shalt  }
0x63: {  	_ =	shalt  }
0x64: {  	_ =	shalt  }
0x65: {  	_ =	shalt  }
0x66: {  	_ =	shalt  }
0x67: {  	_ =	shalt  }
0x68: {  	_ =	shalt  }
0x69: {  	_ =	shalt  }
0x6a: {  	_ =	shalt  }
0x6b: {  	_ =	shalt  }
0x6c: {  	_ =	shalt  }
0x6d: {  	_ =	shalt  }
0x6e: {  	_ =	shalt  }
0x6f: {  	_ =	shalt  }
0x70: {  	_ =	shalt  }
0x71: {  	_ =	shalt  }
0x72: {  	_ =	shalt  }
0x73: {  	_ =	shalt  }
0x74: {  	_ =	shalt  }
0x75: {  	_ =	shalt  }
0x76: {  	_ =	shalt  }
0x77: {  	_ =	shalt  }
0x78: {  	_ =	shalt  }
0x79: {  	_ =	shalt  }
0x7a: {  	_ =	shalt  }
0x7b: {  	_ =	shalt  }
0x7c: {  	_ =	shalt  }
0x7d: {  	_ =	shalt  }
0x7e: {  	_ =	shalt  }
0x7f: {  	_ =	shalt  }
0x80: {  	_ =	shalt  }
0x81: {  	_ =	shalt  }
0x82: {  	_ =	shalt  }
0x83: {  	_ =	shalt  }
0x84: {  	_ =	shalt  }
0x85: {  	_ =	shalt  }
0x86: {  	_ =	shalt  }
0x87: {  	_ =	shalt  }
.Lfunc_end0:
.L_simem_size_0:
called_computation_lowered:
.L_overlay_start_0:
0x88: {  	s2 =	sld [smem:$0x3FD9]  }
0x89: {  	s3 =	sld [smem:$0x3FFE];
	_ =	sdelay $0x1  }
0x8a: {  	s1 =	srdreg.scid  }
0x8b: {  	s0 =	sand.u32 $0x1, s1  }
0x8c: {  	s14 =	sshll.u32 s0, $0xA;
	s2 =	sadd.s32 s3, s2  }
0x8d: {  	s2 =	sadd.s32 s2, s14  }
0x8e: {  	[smem:$0x3FAE] =	sst s2  }
0x8f: {  	_ = 	snop  }
0x90: {  	s2 =	sld [smem:$0x3FD0];
	_ =	sdelay $0x2  }
0x91: {  	s15 =	simm.s32 $0xA;
	s4 =	simm.s32 $0x10  }
0x92: {  	[smem:s4], [sflag:s15] =	dma.local [hbm:s2], $0x1  }
0x93: {  	_ =	swait.eq [sflag:s15], $0x1  }
0x94: {  	[sflag:s15] =	ssyncset.done $0x0  }
0x95: {  	[sflag:s15] =	ssyncadd.s32 $0xFFFFFFFF  }
0x96: {  	s16 =	sld [smem:$0x10];
	(tm) =	ssettm $0x1  }
0x97: {  	s17 =	sld [smem:$0x3FFB];
	_ =	sdelay $0x3  }
0x98: {  	_ =	strace s17  }
0x99: {  	s3 =	sld [smem:$0x3FFC];
	_ =	sdelay $0x3  }
0x9a: {  	_ =	strace s3  }
0x9b: {  	s3 =	sld [smem:$0x3FFD];
	_ =	sdelay $0x3  }
0x9c: {  	_ =	strace s3  }
0x9d: {  	_ =	strace $0x8FFFFFFF  }
0x9e: {  	s18 =	sld [smem:$0x3FDB];
	_ =	sdelay $0x1  }
0x9f: {  	s19 =	simm.s32 $_scs_section_size  }
0xa0: {  	s5 =	simm.s32 $_size__tile_overlayer_lowered;
	s6 =	simm.s32 $_tile_overlayer_lowered  }
0xa1: {  	s22 =	simm.s32 $0x1BFF;
	s21 =	sshll.u32 s6, $0x1;
	s3 =	sadd.s32 s19, s18  }
0xa2: {  	s7 =	simm.s32 $0x0;
	s20 =	sshll.u32 s5, $0x1;
	s5 =	sadd.s32 s21, s3  }
0xa3: {  	[timem:s7], [sflag:s22] =	dma.local [hbm:s5], s20  }
0xa4: {  	_ =	swait.ge [sflag:s22], s20  }
0xa5: {  	s4 =	ssub.s32 $0x0, s20;
	[sflag:s22] =	ssyncset.done $0x0  }
0xa6: {  	[sflag:s22] =	ssyncadd.s32 s4;
	_ =	sdelay $0x1  }
0xa7: {  	s23 =	simm.s32 $0x1B8B  }
0xa8: {  	_ =	swait.ge [sflag:s23], $0x1  }
0xa9: {  	[sflag:s23] =	ssyncset.done $0x0  }
0xaa: {  	s25 =	simm.s32 $0x1B8E;
	s24 =	sld [smem:$0x3FFE];
	[sflag:s23] =	ssyncadd.s32 $0xFFFFFFFF  }
0xab: {  	s26 =	simm.s32 $execute0_lowered;
	[smem:$0x3FD2] =	sst s25  }
0xac: {  	s5 =	sshll.u32 s26, $0x1;
	_ =	strace $0x80000046;
	[dreg:$0x1] =	wrdreg $0xFFFFFFFF  }
0xad: {  	s28 =	simm.s32 $_size_execute0_lowered;
	s3 =	sadd.s32 s3, s5;
	[dreg:$0x0] =	wrdreg $0x0  }
0xae: {  	s5 =	sshll.u32 s28, $0x1;
	[dreg:$0x2] =	wrdreg s3  }
0xaf: {  	[dreg:$0x3] =	wrdreg s5  }
0xb0: {  	[dreg:$0x4] =	wrdreg $0xC0  }
0xb1: {  	_ =	task [dreg:s7], $0x5FFFF  }
0xb2: {  	[dreg:$0x1] =	wrdreg $0xFFFFFFFF  }
0xb3: {  	[dreg:$0x0] =	wrdreg $0x60  }
0xb4: {  	[dreg:$0x2] =	wrdreg s16  }
0xb5: {  	[dreg:$0x3] =	wrdreg s24  }
0xb6: {  	[dreg:$0x4] =	wrdreg $0x9  }
0xb7: {  	_ =	task.clear_ibuf [dreg:s7], $0x5FFFF;
	_ =	strace $0x90000046  }
0xb8: {  	s29 =	simm.s32 $0x9;
	_ =	strace $0x80000048  }
0xb9: {  	_ =	swait.ge [sflag:s29], $0x1  }
0xba: {  	[sflag:s29] =	ssyncadd.s32 $0xFFFFFFFF  }
0xbb: {  	_ =	strace $0x90000048  }
0xbc: {  	_ =	sfence  }
0xbd: {  	s30 =	sld [smem:$0x0];
	_ =	sdelay $0x2  }
0xbe: {  	s31 =	sshll.u32 s1, $0xD;
	s1 =	sshrl.u32 s1, $0x2  }
0xbf: {  	s3 =	sand.u32 $0x4000, s31;
	s1 =	sadd.s32 s1, s30  }
0xc0: {  	s0 =	sor.u32 s3, s0;
	s1 =	sshll.u32 s1, $0x11  }
0xc1: {  	s0 =	sor.u32 s1, s0  }
0xc2: {  	s0 =	sadd.s32 $0x8F2B, s0  }
0xc3: {  	[sflag:s0] =	ssyncadd.remote.s32 $0x1  }
0xc4: {  	_ =	sfence.sel $0xFFFF  }
0xc5: {  	[dreg:$0x0] =	wrdreg $0xFFFFFFFF;
	(pc) =	sbr.abs _section_cstart, $3  }
0xc6: {  	[dreg:$0x1] =	wrdreg $0xFFFFFFFF  }
0xc7: {  	_ =	task.clear_ibuf [dreg:s7], $0x2FFFF;
	_ =	strace $0x9FFFFFFF  }
0xc8: {  	(tm) =	ssettm $0x7FFFFFFF  }
0xc9: {  	_ =	shalt  }
tec
execute0_lowered:
.L_overlay_start_1:
0x0: {  	(tag) =	ssettag $0x1  }
0x1: {  	s1 =	srdreg.scid;
	s4 =	rddreg [dreg:$0x0]  }
0x2: {  	s0 =	stileid.u32;
	s6 =	rddreg [dreg:$0x1];
	s2 =	simm.s32 $0x0  }
0x3: {  	s10 =	simm.s32 $0x0;
	s3 =	sand.u32 $0x1, s1;
	s24 =	sshrl.u32 s0, $0x3  }
0x4: {  	s1 =	rddreg [dreg:$0x2];
	s8 =	sshll.u32 s0, $0x7;
	s5 =	smul.u32 $0x140000, s3  }
0x5: {  	[smem:$0x7FF] =	sst s2;
	s30 =	sshll.u32 s0, $0xC;
	s7 =	smul.u32 $0xA0000, s24  }
0x6: {  	s25 =	sand.u32 $0x380, s8;
	_ =	strace $0x80000047;
	s26 =	ssub.s32 $0x2, s3  }
0x7: {  	s9 =	smul.u32 $0x1400, s3;
	s3 =	sadd.s32 s4, s30;
	s5 =	sadd.s32 s5, s7  }
0x8: {  	s8 =	simm.s32 $0x1;
	s28 =	sshrl.u32 s26, $0x1;
	s5 =	sor.u32 s25, s5  }
0x9: {  	s29 =	ssub.s32 s26, s28;
	s31 =	sadd.s32 $0x1400, s9;
	s5 =	sshrl.u32 s5, $0x3  }
0xa: {  	v0 =	vmov s9;
	s7 =	simm.s32 $0x400;
	s9 =	simm.s32 $0x800;
	s5 =	sadd.s32 s5, s6  }
0xb: {  	v2 =	vimm.f32 $0.0e+00;
	v3 =	vlaneseq.u32;
	v1 =	vmov s31;
	s6 =	simm.s32 $0x80;
	s4 =	sadd.s32 $0x5E00, s5;
	s5 =	smax.u32 s29, $0x1  }
.LBB2_1:
0xc: {  	s11 =	simm.s32 $0x840  }
0xd: {  	[tilespmem:s11+$0xFFFFFFC0] =	vst v2  }
0xe: {  	[tilespmem:s11+$0x30] =	vst v2  }
0xf: {  	[tilespmem:s11+$0x20] =	vst v2  }
0x10: {  	[tilespmem:s11+$0x10] =	vst v2  }
0x11: {  	[tilespmem:s11+$0x0] =	vst v2  }
0x12: {  	[tilespmem:s11+$0xFFFFFFF0] =	vst v2  }
0x13: {  	s12 =	simm.s32 $0x0;
	[tilespmem:s11+$0xFFFFFFE0] =	vst v2  }
.LBB2_2:
0x14: {  	s12 =	sadd.s32 $0x8, s12;
	[tilespmem:s11+$0xFFFFFFD0] =	vst v2;
	s11 =	sadd.s32 $0x80, s11  }
0x15: {  	[tilespmem:s11+$0xFFFFFFC0] =	vst v2;
	p0 =	slt.u32 s12, $0x13F8  }
0x16: {  	[tilespmem:s11+$0x30] =	vst v2  }
.Ltmp0:
0x17: {  	[tilespmem:s11+$0x20] =	vst v2;
	(pc) =	sbr.rel @p0 .LBB2_2-.Ltmp0, $4  }
0x18: {  	[tilespmem:s11+$0x10] =	vst v2  }
0x19: {  	[tilespmem:s11+$0x0] =	vst v2  }
0x1a: {  	[tilespmem:s11+$0xFFFFFFF0] =	vst v2  }
0x1b: {  	[tilespmem:s11+$0xFFFFFFE0] =	vst v2  }
0x1c: {  	[tilespmem:s11+$0xFFFFFFD0] =	vst v2;
	s11 =	simm.s32 $0x0  }
.LBB2_4:
0x1d: {  	s12 =	sshll.u32 s11, $0x8  }
0x1e: {  	s13 =	sshll.u32 s11, $0x4;
	s12 =	sand.u32 $0x800, s12  }
0x1f: {  	s13 =	sand.u32 $0x70, s13;
	s12 =	sadd.s32 s12, s3  }
0x20: {  	s12 =	sadd.s32 s13, s12  }
0x21: {  	[tilespmem:s2], [sflag:$0x1] =	stream.strided.gather [hbm4b:s12+s6], $0x800, s7, s6, $0x38;
	[tilespmem:$0x14800] =	vst v63  }
0x22: {  	_ =	swait.ge [sflag:s8], $0x800  }
0x23: {  	[sflag:s8] =	ssyncset.done $0x0  }
0x24: {  	s13 =	simm.s32 $0x20;
	s12 =	simm.s32 $0xFFFFFFFC;
	[sflag:s8] =	ssyncadd.s32 $0xFFFFF800  }
.LBB2_5:
0x25: {  	v4 =	vld [tilespmem:s13+$0xFFFFFFE0];
	_ =	sdelay $0x4  }
0x26: {  	v5 =	vsub.s32 v4, v0  }
0x27: {  	vm0 =	vge.s32 v4, v0;
	vm1 =	vlt.s32 v4, v1;
	v4 =	vshll.u32 v5, $0x4  }
0x28: {  	vm0 =	vmand vm0, vm1;
	v4 =	vor.u32 v3, v4  }
0x29: {  	v4 =	vsel vm0, v4, v3;
	_ =	sdelay $0x3  }
0x2a: {  	v5 =	vsel vm0, $0x3F800000, v2  }
0x2b: {  	[tilespmem:v4+s9+$0x0] =	vst.idx.add.f32.msk $0xffff, v5  }
0x2c: {  	v4 =	vld [tilespmem:s13+$0xFFFFFFF0];
	_ =	sdelay $0x4  }
0x2d: {  	v5 =	vsub.s32 v4, v0  }
0x2e: {  	vm10 =	vge.s32 v4, v0;
	vm11 =	vlt.s32 v4, v1;
	v4 =	vshll.u32 v5, $0x4  }
0x2f: {  	vm0 =	vmand vm10, vm11;
	v4 =	vor.u32 v3, v4  }
0x30: {  	v4 =	vsel vm0, v4, v3;
	_ =	sdelay $0x3  }
0x31: {  	v5 =	vsel vm0, $0x3F800000, v2  }
0x32: {  	[tilespmem:v4+s9+$0x0] =	vst.idx.add.f32.msk $0xffff, v5  }
0x33: {  	v4 =	vld [tilespmem:s13+$0x0];
	_ =	sdelay $0x4  }
0x34: {  	v5 =	vsub.s32 v4, v0  }
0x35: {  	vm12 =	vge.s32 v4, v0;
	vm13 =	vlt.s32 v4, v1;
	v4 =	vshll.u32 v5, $0x4  }
0x36: {  	vm0 =	vmand vm12, vm13;
	v4 =	vor.u32 v3, v4  }
0x37: {  	v4 =	vsel vm0, v4, v3;
	_ =	sdelay $0x3  }
0x38: {  	v5 =	vsel vm0, $0x3F800000, v2  }
0x39: {  	[tilespmem:v4+s9+$0x0] =	vst.idx.add.f32.msk $0xffff, v5  }
0x3a: {  	v4 =	vld [tilespmem:s13+$0x10];
	_ =	sdelay $0x4  }
0x3b: {  	v5 =	vsub.s32 v4, v0  }
0x3c: {  	vm14 =	vge.s32 v4, v0;
	vm15 =	vlt.s32 v4, v1;
	v4 =	vshll.u32 v5, $0x4  }
0x3d: {  	s12 =	sadd.s32 $0x4, s12;
	vm0 =	vmand vm14, vm15;
	v4 =	vor.u32 v3, v4  }
0x3e: {  	p0 =	slt.u32 s12, $0x78;
	v4 =	vsel vm0, v4, v3  }
.Ltmp1:
0x3f: {  	_ = 	snop;
	(pc) =	sbr.rel @p0 .LBB2_5-.Ltmp1, $3  }
0x40: {  	_ =	sdelay $0x1  }
0x41: {  	v5 =	vsel vm0, $0x3F800000, v2  }
0x42: {  	s13 =	sadd.s32 $0x40, s13;
	[tilespmem:v4+s9+$0x0] =	vst.idx.add.f32.msk $0xffff, v5  }
0x43: {  	v4 =	vld [tilespmem:$0x7C0];
	_ =	sdelay $0x4  }
0x44: {  	v5 =	vsub.s32 v4, v0  }
0x45: {  	vm0 =	vge.s32 v4, v0;
	vm1 =	vlt.s32 v4, v1;
	v4 =	vshll.u32 v5, $0x4  }
0x46: {  	s11 =	sadd.s32 $0x1, s11;
	vm0 =	vmand vm0, vm1;
	v4 =	vor.u32 v3, v4  }
0x47: {  	p0 =	sne.s32 s11, $0xA;
	v4 =	vsel vm0, v4, v3  }
.Ltmp2:
0x48: {  	_ = 	snop;
	(pc) =	sbr.rel @p0 .LBB2_4-.Ltmp2, $3  }
0x49: {  	_ =	sdelay $0x1  }
0x4a: {  	v5 =	vsel vm0, $0x3F800000, v2  }
0x4b: {  	[tilespmem:v4+s9+$0x0] =	vst.idx.add.f32.msk $0xffff, v5  }
0x4c: {  	s10 =	sadd.s32 $0x1, s10  }
0x4d: {  	p0 =	sne.s32 s10, s5  }
.Ltmp3:
0x4e: {  	_ = 	snop;
	(pc) =	sbr.rel @p0 .LBB2_1-.Ltmp3, $4  }
0x4f: {  	[hbm4b:s4+s6] =	stream.strided.scatter [tilespmem:s9], [sflag:$0x1], $0x14000, s7, s6, $0x38;
	[tilespmem:$0x14800] =	vst v63  }
0x50: {  	_ =	swait.ge [sflag:s8], $0x14000  }
0x51: {  	[sflag:s8] =	ssyncset.done $0x0  }
0x52: {  	[sflag:s8] =	ssyncadd.s32 $0xFFFEC000  }
0x53: {  	_ =	sfence.sel $0x180000  }
0x54: {  	[bflag:$0x0] =	sbarrier.arrive $0xFFFF  }
0x55: {  	p0 =	sne.s32 s0, $0x0;
	_ =	strace $0x90000047  }
0x56: {  	s0 =	sadd.s32 @!p0 $0x100000, s1;
	[bflag:$0x2] =	sbarrier.arrive $0xFFFF  }
0x57: {  	[sflag:s0] =	ssyncadd.tile.s32 @!p0 $0x1;
	_ =	shalt  }
.Lfunc_end2:
_tile_overlayer_lowered:
.L_overlay_start_2:
0x58: {  	(tag) =	ssettag $0x2  }
0x59: {  	s0 =	rddreg [dreg:$0x0];
	s2 =	stileid.u32  }
0x5a: {  	s1 =	rddreg [dreg:$0x1];
	p0 =	sne.s32 s2, $0x0  }
0x5b: {  	s3 =	rddreg [dreg:$0x2];
	[bflag:$0x3] =	sbarrier.arrive $0xFFFF;
	s2 =	simm.s32 @!p0 $0x1C01  }
0x5c: {  	[timem:s3], [sflag:s2] =	dma.local @!p0 [hbm:s0], s1  }
0x5d: {  	s0 =	simm.s32 @!p0 $0x1  }
0x5e: {  	_ =	swait.ge @!p0 [sflag:s0], s1  }
0x5f: {  	s1 =	ssub.s32 @!p0 $0x0, s1;
	[sflag:s0] =	ssyncset.done @!p0 $0x0  }
0x60: {  	[sflag:s0] =	ssyncadd.s32 @!p0 s1  }
0x61: {  	[bflag:$0x3] =	sbarrier.arrive $0xFFFF  }
0x62: {  	_ =	shalt  }

// kernel: kernel.15.cloned.1.call-start
scs
__scs_entry_jumppad:
0x0: {  	(pc) =	sbr.rel $0x88, $3  }
0x1: {  	(tag) =	ssettag $0x0;
	lr =	simm.s32 $0x1  }
0x2: {  	[smem:$0x3F87] =	sst lr;
	_ =	strace $0xD0000000  }
0x3: {  	_ = 	snop  }
0x4: {  	_ = 	snop  }
0x5: {  	_ = 	snop  }
0x6: {  	_ = 	snop  }
0x7: {  	_ = 	snop  }
__scs_overlays_trampoline_lowered:
0x8: {  	[smem:$0x3F96] =	sst s0  }
0x9: {  	[smem:$0x3F97] =	sst s1  }
0xa: {  	[smem:$0x3F98] =	sst s2  }
0xb: {  	[smem:$0x3F99] =	sst s3  }
0xc: {  	[smem:$0x3F9A] =	sst s4  }
0xd: {  	[smem:$0x3F9B] =	sst s5  }
0xe: {  	[smem:$0x3F9C] =	sst s6  }
0xf: {  	[smem:$0x3F9D] =	sst s7  }
0x10: {  	[smem:$0x3F9E] =	sst s8  }
0x11: {  	[smem:$0x3F9F] =	sst s9;
	s0 =	simm.s32 @!p0 $0x0  }
0x12: {  	s1 =	sld [smem:$0x3F85];
	s0 =	simm.s32 @p0 $0x1  }
0x13: {  	[smem:$0x3FA0] =	sst s0;
	s0 =	simm.s32 @!p1 $0x0  }
0x14: {  	s2 =	sld [smem:$0x3F84];
	s0 =	simm.s32 @p1 $0x1  }
0x15: {  	[smem:$0x3FA1] =	sst s0;
	s0 =	simm.s32 @!p2 $0x0  }
0x16: {  	s3 =	sld [smem:$0x3FDB];
	s0 =	simm.s32 @p2 $0x1  }
0x17: {  	s4 =	simm.s32 $0x1BF5;
	[smem:$0x3FA3] =	sst s0  }
0x18: {  	s0 =	sld [smem:$0x3F86];
	_ =	swait.ge [sflag:s4], $0x0  }
0x19: {  	s7 =	sld [smem:$0x3F87]  }
0x1a: {  	s8 =	sadd.s32 $0xFFFFE003, lr  }
0x1b: {  	s9 =	sadd.s32 $0xFFFFFEF7, lr;
	s5 =	simm.s32 $0xFFFFFFFF;
	p2 =	slt.u32 s8, $0xFFFFF086  }
0x1c: {  	p1 =	slt.u32 s9, $0xF7A;
	s5 =	simm.s32 @!p2 $0x0  }
0x1d: {  	s5 =	simm.s32 @p1 $0x1;
	p0 =	seq.s32 s7, s2  }
0x1e: {  	s7 =	smul.u32 @!p0 $0xF7A, s2;
	p2 =	seq.s32 @!p0 s5, $0x0  }
0x1f: {  	s9 =	smul.u32 $0xF7A, s1;
	s8 =	simm.s32 @!p0 $0x1BF5;
	p2 =	por !p2, p0  }
0x20: {  	[sflag:s8] =	ssyncset.s32 @!p0 $0xFFFFF086;
	s6 =	sadd.s32 @!p0 s3, s7;
	s7 =	simm.s32 @!p0 $0x108  }
0x21: {  	s3 =	sadd.s32 s3, s9;
	s6 =	sadd.s32 @!p0 $0x88, s6;
	s7 =	simm.s32 @p2 $0x1082  }
0x22: {  	[simem:s7], [sflag:s8] =	dma.local @!p0 [hbm:s6], $0xF7A  }
0x23: {  	s9 =	sor.u32 $0xD0000000, s2;
	s6 =	simm.s32 $0x108;
	_ =	swait.ge @!p0 [sflag:s8], $0x0  }
0x24: {  	s3 =	sadd.s32 $0x88, s3;
	s6 =	simm.s32 @!p1 $0x1082;
	[sflag:s4] =	ssyncset.s32 $0xFFFFF086  }
0x25: {  	[simem:s6], [sflag:s4] =	dma.local [hbm:s3], $0xF7A  }
0x26: {  	[smem:$0x3F87] =	sst s1;
	(tag) =	ssettag s2;
	_ =	strace s9  }
0x27: {  	s1 =	sld [smem:$0x3F97]  }
0x28: {  	s2 =	sld [smem:$0x3F98]  }
0x29: {  	s4 =	sld [smem:$0x3F9A]  }
0x2a: {  	p0 =	seq.s32 s5, $0x0;
	s5 =	sld [smem:$0x3F9B]  }
0x2b: {  	s6 =	sld [smem:$0x3F9C]  }
0x2c: {  	s7 =	sld [smem:$0x3F9D]  }
0x2d: {  	s3 =	simm.s32 $0x108;
	s8 =	sld [smem:$0x3F9E]  }
0x2e: {  	s3 =	simm.s32 @!p0 $0x1082;
	s9 =	sld [smem:$0x3F9F]  }
0x2f: {  	lr =	sadd.s32 s0, s3;
	s0 =	sld [smem:$0x3F96]  }
0x30: {  	s3 =	sld [smem:$0x3F99]  }
0x31: {  	[smem:$0x3FA2] =	sst s10  }
0x32: {  	s10 =	sld [smem:$0x3FA0];
	_ =	sdelay $0x3  }
0x33: {  	p0 =	seq.s32 s10, $0x1;
	s10 =	sld [smem:$0x3FA2];
	_ =	sdelay $0x3  }
0x34: {  	[smem:$0x3FA2] =	sst s10  }
0x35: {  	s10 =	sld [smem:$0x3FA1];
	_ =	sdelay $0x3  }
0x36: {  	p1 =	seq.s32 s10, $0x1;
	s10 =	sld [smem:$0x3FA2];
	_ =	sdelay $0x3  }
0x37: {  	[smem:$0x3FA2] =	sst s10  }
0x38: {  	s10 =	sld [smem:$0x3FA3]  }
0x39: {  	_ = 	snop;
	(pc) =	sbr.ind lr, $3  }
0x3a: {  	_ = 	snop  }
0x3b: {  	_ = 	snop  }
0x3c: {  	p2 =	seq.s32 s10, $0x1;
	s10 =	sld [smem:$0x3FA2]  }
0x3d: {  	_ =	shalt  }
0x3e: {  	_ =	shalt  }
0x3f: {  	_ =	shalt  }
0x40: {  	_ =	shalt  }
0x41: {  	_ =	shalt  }
0x42: {  	_ =	shalt  }
0x43: {  	_ =	shalt  }
0x44: {  	_ =	shalt  }
0x45: {  	_ =	shalt  }
0x46: {  	_ =	shalt  }
0x47: {  	_ =	shalt  }
0x48: {  	_ =	shalt  }
0x49: {  	_ =	shalt  }
0x4a: {  	_ =	shalt  }
0x4b: {  	_ =	shalt  }
0x4c: {  	_ =	shalt  }
0x4d: {  	_ =	shalt  }
0x4e: {  	_ =	shalt  }
0x4f: {  	_ =	shalt  }
0x50: {  	_ =	shalt  }
0x51: {  	_ =	shalt  }
0x52: {  	_ =	shalt  }
0x53: {  	_ =	shalt  }
0x54: {  	_ =	shalt  }
0x55: {  	_ =	shalt  }
0x56: {  	_ =	shalt  }
0x57: {  	_ =	shalt  }
0x58: {  	_ =	shalt  }
0x59: {  	_ =	shalt  }
0x5a: {  	_ =	shalt  }
0x5b: {  	_ =	shalt  }
0x5c: {  	_ =	shalt  }
0x5d: {  	_ =	shalt  }
0x5e: {  	_ =	shalt  }
0x5f: {  	_ =	shalt  }
0x60: {  	_ =	shalt  }
0x61: {  	_ =	shalt  }
0x62: {  	_ =	shalt  }
0x63: {  	_ =	shalt  }
0x64: {  	_ =	shalt  }
0x65: {  	_ =	shalt  }
0x66: {  	_ =	shalt  }
0x67: {  	_ =	shalt  }
0x68: {  	_ =	shalt  }
0x69: {  	_ =	shalt  }
0x6a: {  	_ =	shalt  }
0x6b: {  	_ =	shalt  }
0x6c: {  	_ =	shalt  }
0x6d: {  	_ =	shalt  }
0x6e: {  	_ =	shalt  }
0x6f: {  	_ =	shalt  }
0x70: {  	_ =	shalt  }
0x71: {  	_ =	shalt  }
0x72: {  	_ =	shalt  }
0x73: {  	_ =	shalt  }
0x74: {  	_ =	shalt  }
0x75: {  	_ =	shalt  }
0x76: {  	_ =	shalt  }
0x77: {  	_ =	shalt  }
0x78: {  	_ =	shalt  }
0x79: {  	_ =	shalt  }
0x7a: {  	_ =	shalt  }
0x7b: {  	_ =	shalt  }
0x7c: {  	_ =	shalt  }
0x7d: {  	_ =	shalt  }
0x7e: {  	_ =	shalt  }
0x7f: {  	_ =	shalt  }
0x80: {  	_ =	shalt  }
0x81: {  	_ =	shalt  }
0x82: {  	_ =	shalt  }
0x83: {  	_ =	shalt  }
0x84: {  	_ =	shalt  }
0x85: {  	_ =	shalt  }
0x86: {  	_ =	shalt  }
0x87: {  	_ =	shalt  }
.Lfunc_end0:
.L_simem_size_0:
called_computation.1_lowered:
.L_overlay_start_0:
0x88: {  	s2 =	sld [smem:$0x3FD9]  }
0x89: {  	s3 =	sld [smem:$0x3FFE];
	_ =	sdelay $0x1  }
0x8a: {  	s1 =	srdreg.scid  }
0x8b: {  	s0 =	sand.u32 $0x1, s1  }
0x8c: {  	s16 =	sshll.u32 s0, $0xA;
	s2 =	sadd.s32 s3, s2  }
0x8d: {  	s2 =	sadd.s32 s2, s16  }
0x8e: {  	[smem:$0x3FAE] =	sst s2  }
0x8f: {  	_ = 	snop  }
0x90: {  	(tm) =	ssettm $0x1  }
0x91: {  	s17 =	sld [smem:$0x3FFB];
	_ =	sdelay $0x3  }
0x92: {  	_ =	strace s17  }
0x93: {  	s2 =	sld [smem:$0x3FFC];
	_ =	sdelay $0x3  }
0x94: {  	_ =	strace s2  }
0x95: {  	s2 =	sld [smem:$0x3FFD];
	_ =	sdelay $0x3  }
0x96: {  	_ =	strace s2  }
0x97: {  	_ =	strace $0x8FFFFFFF  }
0x98: {  	s18 =	sld [smem:$0x3FDB];
	_ =	sdelay $0x1  }
0x99: {  	s19 =	simm.s32 $_scs_section_size  }
0x9a: {  	s4 =	simm.s32 $_size__tile_overlayer_lowered;
	s5 =	simm.s32 $_tile_overlayer_lowered  }
0x9b: {  	s22 =	simm.s32 $0x1BFF;
	s21 =	sshll.u32 s5, $0x1;
	s2 =	sadd.s32 s19, s18  }
0x9c: {  	s6 =	simm.s32 $0x0;
	s20 =	sshll.u32 s4, $0x1;
	s4 =	sadd.s32 s21, s2  }
0x9d: {  	[timem:s6], [sflag:s22] =	dma.local [hbm:s4], s20  }
0x9e: {  	_ =	swait.ge [sflag:s22], s20  }
0x9f: {  	s3 =	ssub.s32 $0x0, s20;
	[sflag:s22] =	ssyncset.done $0x0  }
0xa0: {  	[sflag:s22] =	ssyncadd.s32 s3;
	_ =	sdelay $0x1  }
0xa1: {  	s23 =	simm.s32 $0x1B8B  }
0xa2: {  	_ =	swait.ge [sflag:s23], $0x1  }
0xa3: {  	[sflag:s23] =	ssyncset.done $0x0  }
0xa4: {  	s25 =	simm.s32 $0x1B8E;
	s24 =	sld [smem:$0x3FFE];
	[sflag:s23] =	ssyncadd.s32 $0xFFFFFFFF  }
0xa5: {  	s26 =	simm.s32 $execute0_lowered;
	[smem:$0x3FD2] =	sst s25  }
0xa6: {  	s4 =	sshll.u32 s26, $0x1;
	_ =	strace $0x80000049;
	[dreg:$0x1] =	wrdreg $0xFFFFFFFF  }
0xa7: {  	s28 =	simm.s32 $_size_execute0_lowered;
	s2 =	sadd.s32 s2, s4;
	[dreg:$0x0] =	wrdreg $0x0  }
0xa8: {  	s4 =	sshll.u32 s28, $0x1;
	[dreg:$0x2] =	wrdreg s2  }
0xa9: {  	[dreg:$0x3] =	wrdreg s4  }
0xaa: {  	[dreg:$0x4] =	wrdreg $0xC0  }
0xab: {  	_ =	task [dreg:s6], $0x5FFFF  }
0xac: {  	[dreg:$0x1] =	wrdreg $0xFFFFFFFF  }
0xad: {  	[dreg:$0x0] =	wrdreg $0x60  }
0xae: {  	[dreg:$0x2] =	wrdreg s24  }
0xaf: {  	[dreg:$0x3] =	wrdreg $0x90000  }
0xb0: {  	[dreg:$0x4] =	wrdreg $0x9  }
0xb1: {  	_ =	task.clear_ibuf [dreg:s6], $0x5FFFF;
	_ =	strace $0x90000049  }
0xb2: {  	s29 =	simm.s32 $0x9;
	_ =	strace $0x8000004B  }
0xb3: {  	_ =	swait.ge [sflag:s29], $0x1  }
0xb4: {  	[sflag:s29] =	ssyncadd.s32 $0xFFFFFFFF  }
0xb5: {  	_ =	strace $0x9000004B  }
0xb6: {  	_ =	sfence  }
0xb7: {  	s30 =	sld [smem:$0x0];
	_ =	sdelay $0x2  }
0xb8: {  	s31 =	sshll.u32 s1, $0xD;
	s1 =	sshrl.u32 s1, $0x2  }
0xb9: {  	s3 =	sand.u32 $0x4000, s31;
	s1 =	sadd.s32 s1, s30  }
0xba: {  	s0 =	sor.u32 s3, s0;
	s1 =	sshll.u32 s1, $0x11  }
0xbb: {  	s0 =	sor.u32 s1, s0  }
0xbc: {  	s0 =	sadd.s32 $0x8F2B, s0  }
0xbd: {  	[sflag:s0] =	ssyncadd.remote.s32 $0x1  }
0xbe: {  	_ =	sfence.sel $0xFFFF  }
0xbf: {  	[dreg:$0x0] =	wrdreg $0xFFFFFFFF;
	(pc) =	sbr.abs _section_cstart, $3  }
0xc0: {  	[dreg:$0x1] =	wrdreg $0xFFFFFFFF  }
0xc1: {  	_ =	task.clear_ibuf [dreg:s6], $0x2FFFF;
	_ =	strace $0x9FFFFFFF  }
0xc2: {  	(tm) =	ssettm $0x7FFFFFFF  }
0xc3: {  	_ =	shalt  }
tec
execute0_lowered:
.L_overlay_start_1:
0x0: {  	(tag) =	ssettag $0x1  }
0x1: {  	s0 =	rddreg [dreg:$0x0];
	s1 =	srdreg.scid  }
0x2: {  	s2 =	rddreg [dreg:$0x1];
	s10 =	stileid.u32;
	s3 =	simm.s32 $0x0  }
0x3: {  	s19 =	simm.s32 $0x4000;
	s20 =	simm.s32 $0x5;
	s21 =	simm.s32 $0x2000  }
0x4: {  	s22 =	simm.s32 $0x50;
	s23 =	simm.s32 $0x6800;
	s24 =	simm.s32 $0x4  }
0x5: {  	s25 =	simm.s32 $0x1;
	s28 =	simm.s32 $0x2;
	s29 =	simm.s32 $0x0  }
0x6: {  	s1 =	sand.u32 $0x1, s1;
	s5 =	smul.u32 $0x14000, s10;
	[smem:$0x7FF] =	sst s3  }
0x7: {  	s7 =	sadd.s32 $0x65E00, s0;
	s8 =	sadd.s32 $0x55E00, s0;
	s30 =	smul.u32 $0x50000, s10  }
0x8: {  	s9 =	sshll.u32 s10, $0xB;
	s4 =	smul.u32 $0x140000, s1;
	s26 =	ssub.s32 $0x2, s1  }
0x9: {  	_ =	strace $0x8000004A;
	s1 =	sshll.u32 s1, $0xF;
	s6 =	sshrl.u32 s26, $0x1  }
0xa: {  	s1 =	sor.u32 s9, s1;
	s31 =	sshrl.u32 s30, $0x2;
	s5 =	sadd.s32 s5, s4  }
0xb: {  	s4 =	sadd.s32 $0x75E00, s0;
	s11 =	ssub.s32 s26, s6;
	s6 =	sadd.s32 s8, s1  }
0xc: {  	s10 =	sadd.s32 s31, s2;
	s26 =	simm.s32 $0x3;
	s5 =	sshrl.u32 s5, $0x3  }
0xd: {  	s11 =	smax.u32 s11, $0x1;
	s12 =	sadd.s32 $0x2800, s10;
	s13 =	sadd.s32 $0x5000, s10  }
0xe: {  	s14 =	sadd.s32 $0x7800, s10;
	s15 =	sadd.s32 $0xA000, s10;
	s16 =	sadd.s32 $0xC800, s10  }
0xf: {  	s0 =	sadd.s32 s5, s0;
	s5 =	sadd.s32 s7, s1;
	s1 =	sor.u32 $0x400, s1  }
0x10: {  	s17 =	sadd.s32 $0xF000, s10;
	s18 =	sadd.s32 $0x11800, s10;
	s7 =	sadd.s32 s7, s1  }
0x11: {  	v0 =	vimm.f32 $0.0e+00;
	s8 =	sadd.s32 s8, s1;
	s9 =	sadd.s32 $0x9DE00, s0;
	s0 =	simm.s32 $0x3E00  }
.LBB2_1:
0x12: {  	s30 =	simm.s32 $0x4080  }
0x13: {  	[tilespmem:s30+$0xFFFFFF80] =	vst v0  }
0x14: {  	[tilespmem:s30+$0x70] =	vst v0  }
0x15: {  	[tilespmem:s30+$0x60] =	vst v0  }
0x16: {  	[tilespmem:s30+$0x50] =	vst v0  }
0x17: {  	[tilespmem:s30+$0x40] =	vst v0  }
0x18: {  	[tilespmem:s30+$0x30] =	vst v0  }
0x19: {  	[tilespmem:s30+$0x20] =	vst v0  }
0x1a: {  	[tilespmem:s30+$0x10] =	vst v0  }
0x1b: {  	[tilespmem:s30+$0x0] =	vst v0  }
0x1c: {  	[tilespmem:s30+$0xFFFFFFF0] =	vst v0  }
0x1d: {  	[tilespmem:s30+$0xFFFFFFE0] =	vst v0  }
0x1e: {  	[tilespmem:s30+$0xFFFFFFD0] =	vst v0  }
0x1f: {  	[tilespmem:s30+$0xFFFFFFC0] =	vst v0  }
0x20: {  	[tilespmem:s30+$0xFFFFFFB0] =	vst v0  }
0x21: {  	s1 =	simm.s32 $0x0;
	[tilespmem:s30+$0xFFFFFFA0] =	vst v0  }
.LBB2_2:
0x22: {  	s1 =	sadd.s32 $0x2, s1;
	[tilespmem:s30+$0xFFFFFF90] =	vst v0;
	s30 =	sadd.s32 $0x100, s30  }
0x23: {  	[tilespmem:s30+$0xFFFFFF80] =	vst v0;
	p0 =	slt.u32 s1, $0x4E  }
0x24: {  	[tilespmem:s30+$0x70] =	vst v0  }
0x25: {  	[tilespmem:s30+$0x60] =	vst v0  }
0x26: {  	[tilespmem:s30+$0x50] =	vst v0  }
0x27: {  	[tilespmem:s30+$0x40] =	vst v0  }
0x28: {  	[tilespmem:s30+$0x30] =	vst v0  }
0x29: {  	[tilespmem:s30+$0x20] =	vst v0  }
0x2a: {  	[tilespmem:s30+$0x10] =	vst v0  }
0x2b: {  	[tilespmem:s30+$0x0] =	vst v0  }
0x2c: {  	[tilespmem:s30+$0xFFFFFFF0] =	vst v0  }
.Ltmp0:
0x2d: {  	[tilespmem:s30+$0xFFFFFFE0] =	vst v0;
	(pc) =	sbr.rel @p0 .LBB2_2-.Ltmp0, $4  }
0x2e: {  	[tilespmem:s30+$0xFFFFFFD0] =	vst v0  }
0x2f: {  	[tilespmem:s30+$0xFFFFFFC0] =	vst v0  }
0x30: {  	[tilespmem:s30+$0xFFFFFFB0] =	vst v0  }
0x31: {  	[tilespmem:s30+$0xFFFFFFA0] =	vst v0  }
0x32: {  	[tilespmem:s30+$0xFFFFFF90] =	vst v0  }
0x33: {  	[spmem:s10] =	stream.linear.scatter [tilespmem:s19], [sflag:$0x5], $0x2800, $0x38;
	[tilespmem:$0x1D000] =	vst v63  }
0x34: {  	_ =	swait.ge [sflag:s20], $0x2800  }
0x35: {  	[sflag:s20] =	ssyncset.done $0x0  }
0x36: {  	[sflag:s20] =	ssyncadd.s32 $0xFFFFD800  }
0x37: {  	[spmem:s12] =	stream.linear.scatter [tilespmem:s19], [sflag:$0x5], $0x2800, $0x38;
	[tilespmem:$0x1D000] =	vst v63  }
0x38: {  	_ =	swait.ge [sflag:s20], $0x2800  }
0x39: {  	[sflag:s20] =	ssyncset.done $0x0  }
0x3a: {  	[sflag:s20] =	ssyncadd.s32 $0xFFFFD800  }
0x3b: {  	[spmem:s13] =	stream.linear.scatter [tilespmem:s19], [sflag:$0x5], $0x2800, $0x38;
	[tilespmem:$0x1D000] =	vst v63  }
0x3c: {  	_ =	swait.ge [sflag:s20], $0x2800  }
0x3d: {  	[sflag:s20] =	ssyncset.done $0x0  }
0x3e: {  	[sflag:s20] =	ssyncadd.s32 $0xFFFFD800  }
0x3f: {  	[spmem:s14] =	stream.linear.scatter [tilespmem:s19], [sflag:$0x5], $0x2800, $0x38;
	[tilespmem:$0x1D000] =	vst v63  }
0x40: {  	_ =	swait.ge [sflag:s20], $0x2800  }
0x41: {  	[sflag:s20] =	ssyncset.done $0x0  }
0x42: {  	[sflag:s20] =	ssyncadd.s32 $0xFFFFD800  }
0x43: {  	[spmem:s15] =	stream.linear.scatter [tilespmem:s19], [sflag:$0x5], $0x2800, $0x38;
	[tilespmem:$0x1D000] =	vst v63  }
0x44: {  	_ =	swait.ge [sflag:s20], $0x2800  }
0x45: {  	[sflag:s20] =	ssyncset.done $0x0  }
0x46: {  	[sflag:s20] =	ssyncadd.s32 $0xFFFFD800  }
0x47: {  	[spmem:s16] =	stream.linear.scatter [tilespmem:s19], [sflag:$0x5], $0x2800, $0x38;
	[tilespmem:$0x1D000] =	vst v63  }
0x48: {  	_ =	swait.ge [sflag:s20], $0x2800  }
0x49: {  	[sflag:s20] =	ssyncset.done $0x0  }
0x4a: {  	[sflag:s20] =	ssyncadd.s32 $0xFFFFD800  }
0x4b: {  	[spmem:s17] =	stream.linear.scatter [tilespmem:s19], [sflag:$0x5], $0x2800, $0x38;
	[tilespmem:$0x1D000] =	vst v63  }
0x4c: {  	_ =	swait.ge [sflag:s20], $0x2800  }
0x4d: {  	[sflag:s20] =	ssyncset.done $0x0  }
0x4e: {  	[sflag:s20] =	ssyncadd.s32 $0xFFFFD800  }
0x4f: {  	[spmem:s18] =	stream.linear.scatter [tilespmem:s19], [sflag:$0x5], $0x2800, $0x38;
	[tilespmem:$0x1D000] =	vst v63  }
0x50: {  	_ =	swait.ge [sflag:s20], $0x2800  }
0x51: {  	[sflag:s20] =	ssyncset.done $0x0  }
0x52: {  	[sflag:s20] =	ssyncadd.s32 $0xFFFFD800  }
0x53: {  	[bflag:$0x0] =	sbarrier.arrive $0xFFFF  }
0x54: {  	[tilespmem:s3], [sflag:$0x5] =	stream.linear.gather [hbm4b:s5+s3], $0x2000, $0x38;
	[tilespmem:$0x1D000] =	vst v63  }
0x55: {  	_ =	swait.ge [sflag:s20], $0x2000  }
0x56: {  	[sflag:s20] =	ssyncset.done $0x0  }
0x57: {  	[sflag:s20] =	ssyncadd.s32 $0xFFFFE000  }
0x58: {  	[tilespmem:s21], [sflag:$0x5] =	stream.linear.gather [hbm4b:s6+s3], $0x2000, $0x38;
	[tilespmem:$0x1D000] =	vst v63  }
0x59: {  	_ =	swait.ge [sflag:s20], $0x2000  }
0x5a: {  	[sflag:s20] =	ssyncset.done $0x0  }
0x5b: {  	s30 =	simm.s32 $0x6880;
	[sflag:s20] =	ssyncadd.s32 $0xFFFFE000  }
0x5c: {  	[tilespmem:s30+$0xFFFFFF80] =	vst v0  }
0x5d: {  	[tilespmem:s30+$0x70] =	vst v0  }
0x5e: {  	[tilespmem:s30+$0x60] =	vst v0  }
0x5f: {  	[tilespmem:s30+$0x50] =	vst v0  }
0x60: {  	[tilespmem:s30+$0x40] =	vst v0  }
0x61: {  	[tilespmem:s30+$0x30] =	vst v0  }
0x62: {  	[tilespmem:s30+$0x20] =	vst v0  }
0x63: {  	[tilespmem:s30+$0x10] =	vst v0  }
0x64: {  	[tilespmem:s30+$0x0] =	vst v0  }
0x65: {  	[tilespmem:s30+$0xFFFFFFF0] =	vst v0  }
0x66: {  	[tilespmem:s30+$0xFFFFFFE0] =	vst v0  }
0x67: {  	[tilespmem:s30+$0xFFFFFFD0] =	vst v0  }
0x68: {  	[tilespmem:s30+$0xFFFFFFC0] =	vst v0  }
0x69: {  	[tilespmem:s30+$0xFFFFFFB0] =	vst v0  }
0x6a: {  	s1 =	simm.s32 $0x0;
	[tilespmem:s30+$0xFFFFFFA0] =	vst v0  }
.LBB2_4:
0x6b: {  	s1 =	sadd.s32 $0x2, s1;
	[tilespmem:s30+$0xFFFFFF90] =	vst v0;
	s30 =	sadd.s32 $0x100, s30  }
0x6c: {  	[tilespmem:s30+$0xFFFFFF80] =	vst v0;
	p0 =	slt.u32 s1, $0x4E  }
0x6d: {  	[tilespmem:s30+$0x70] =	vst v0  }
0x6e: {  	[tilespmem:s30+$0x60] =	vst v0  }
0x6f: {  	[tilespmem:s30+$0x50] =	vst v0  }
0x70: {  	[tilespmem:s30+$0x40] =	vst v0  }
0x71: {  	[tilespmem:s30+$0x30] =	vst v0  }
0x72: {  	[tilespmem:s30+$0x20] =	vst v0  }
0x73: {  	[tilespmem:s30+$0x10] =	vst v0  }
0x74: {  	[tilespmem:s30+$0x0] =	vst v0  }
0x75: {  	[tilespmem:s30+$0xFFFFFFF0] =	vst v0  }
.Ltmp1:
0x76: {  	[tilespmem:s30+$0xFFFFFFE0] =	vst v0;
	(pc) =	sbr.rel @p0 .LBB2_4-.Ltmp1, $4  }
0x77: {  	[tilespmem:s30+$0xFFFFFFD0] =	vst v0  }
0x78: {  	[tilespmem:s30+$0xFFFFFFC0] =	vst v0  }
0x79: {  	[tilespmem:s30+$0xFFFFFFB0] =	vst v0  }
0x7a: {  	[tilespmem:s30+$0xFFFFFFA0] =	vst v0  }
0x7b: {  	[tilespmem:s30+$0xFFFFFF90] =	vst v0  }
0x7c: {  	[spmem:s2] =	stream.indirect.scatter.add.f32 [tilespmem:s23], [sflag:$0x4], $0x80, s21, s22, $0xb8;
	[tilespmem:$0x1D000] =	vst v63  }
0x7d: {  	s1 =	simm.s32 $0x0  }
0x7e: {  	[tilespmem:s19], [sflag:$0x1] =	stream.indirect.gather [hbm4b:s4+s22], $0x80, s1, s22, $0xb8;
	[tilespmem:$0x1D000] =	vst v63  }
0x7f: {  	_ =	swait.ge [sflag:s24], $0x2800  }
0x80: {  	[sflag:s24] =	ssyncset.done $0x0  }
0x81: {  	s31 =	simm.s32 $0x80;
	[sflag:s24] =	ssyncadd.s32 $0xFFFFD800  }
0x82: {  	[tilespmem:s23], [sflag:$0x2] =	stream.indirect.gather [hbm4b:s4+s22], $0x80, s31, s22, $0xb8;
	[tilespmem:$0x1D000] =	vst v63  }
0x83: {  	_ =	swait.ge [sflag:s25], $0x2800  }
0x84: {  	[sflag:s25] =	ssyncset.done $0x0  }
0x85: {  	s31 =	simm.s32 $0x2000;
	[sflag:s25] =	ssyncadd.s32 $0xFFFFD800  }
0x86: {  	[spmem:s2] =	stream.indirect.scatter.add.f32 [tilespmem:s19], [sflag:$0x3], $0x80, s31, s22, $0xb8;
	[tilespmem:$0x1D000] =	vst v63  }
0x87: {  	_ =	swait.ge [sflag:s26], $0x2800  }
0x88: {  	[sflag:s26] =	ssyncset.done $0x0  }
0x89: {  	s31 =	simm.s32 $0x100;
	[sflag:s26] =	ssyncadd.s32 $0xFFFFD800  }
0x8a: {  	[tilespmem:s19], [sflag:$0x1] =	stream.indirect.gather [hbm4b:s4+s22], $0x80, s31, s22, $0xb8;
	[tilespmem:$0x1D000] =	vst v63  }
0x8b: {  	_ =	swait.ge [sflag:s28], $0x2800  }
0x8c: {  	[sflag:s28] =	ssyncset.done $0x0  }
0x8d: {  	s30 =	simm.s32 $0x400;
	s1 =	simm.s32 $0x2080;
	[sflag:s28] =	ssyncadd.s32 $0xFFFFD800  }
.LBB2_6:
0x8e: {  	[spmem:s2] =	stream.indirect.scatter.add.f32 [tilespmem:s23], [sflag:$0x4], $0x80, s1, s22, $0xb8;
	[tilespmem:$0x1D000] =	vst v63  }
0x8f: {  	s1 =	smov.u32 s30  }
0x90: {  	p0 =	sne.s32 s30, $0x7800;
	s30 =	sadd.s32 $0x400, s30;
	_ =	swait.ge [sflag:s24], $0x2800  }
0x91: {  	s1 =	sshra.s32 s1, $0x2;
	[sflag:s24] =	ssyncset.done $0x0  }
0x92: {  	s31 =	sadd.s32 $0x80, s1;
	[sflag:s24] =	ssyncadd.s32 $0xFFFFD800  }
0x93: {  	[tilespmem:s23], [sflag:$0x2] =	stream.indirect.gather [hbm4b:s4+s22], $0x80, s31, s22, $0xb8;
	[tilespmem:$0x1D000] =	vst v63  }
0x94: {  	_ =	swait.ge [sflag:s25], $0x2800  }
0x95: {  	[sflag:s25] =	ssyncset.done $0x0  }
0x96: {  	s31 =	sadd.s32 $0x2000, s1;
	[sflag:s25] =	ssyncadd.s32 $0xFFFFD800  }
0x97: {  	[spmem:s2] =	stream.indirect.scatter.add.f32 [tilespmem:s19], [sflag:$0x3], $0x80, s31, s22, $0xb8;
	[tilespmem:$0x1D000] =	vst v63  }
0x98: {  	_ =	swait.ge [sflag:s26], $0x2800  }
0x99: {  	[sflag:s26] =	ssyncset.done $0x0  }
.Ltmp2:
0x9a: {  	s31 =	sadd.s32 $0x100, s1;
	[sflag:s26] =	ssyncadd.s32 $0xFFFFD800;
	(pc) =	sbr.rel @p0 .LBB2_6-.Ltmp2, $4  }
0x9b: {  	[tilespmem:s19], [sflag:$0x1] =	stream.indirect.gather [hbm4b:s4+s22], $0x80, s31, s22, $0xb8;
	[tilespmem:$0x1D000] =	vst v63  }
0x9c: {  	_ =	swait.ge [sflag:s28], $0x2800  }
0x9d: {  	[sflag:s28] =	ssyncset.done $0x0  }
0x9e: {  	s1 =	sadd.s32 $0x2080, s1;
	[sflag:s28] =	ssyncadd.s32 $0xFFFFD800  }
0x9f: {  	[spmem:s2] =	stream.indirect.scatter.add.f32 [tilespmem:s23], [sflag:$0x4], $0x80, s1, s22, $0xb8;
	[tilespmem:$0x1D000] =	vst v63  }
0xa0: {  	_ =	swait.ge [sflag:s24], $0x2800  }
0xa1: {  	[sflag:s24] =	ssyncset.done $0x0  }
0xa2: {  	s31 =	simm.s32 $0x1F80;
	[sflag:s24] =	ssyncadd.s32 $0xFFFFD800  }
0xa3: {  	[tilespmem:s23], [sflag:$0x2] =	stream.indirect.gather [hbm4b:s4+s22], $0x80, s31, s22, $0xb8;
	[tilespmem:$0x1D000] =	vst v63  }
0xa4: {  	_ =	swait.ge [sflag:s25], $0x2800  }
0xa5: {  	[sflag:s25] =	ssyncset.done $0x0  }
0xa6: {  	s31 =	simm.s32 $0x3F00;
	[sflag:s25] =	ssyncadd.s32 $0xFFFFD800  }
0xa7: {  	[spmem:s2] =	stream.indirect.scatter.add.f32 [tilespmem:s19], [sflag:$0x3], $0x80, s31, s22, $0xb8;
	[tilespmem:$0x1D000] =	vst v63  }
0xa8: {  	_ =	swait.ge [sflag:s26], $0x2800  }
0xa9: {  	[sflag:s26] =	ssyncset.done $0x0  }
0xaa: {  	[sflag:s26] =	ssyncadd.s32 $0xFFFFD800  }
0xab: {  	[tilespmem:s19], [sflag:$0x1] =	stream.indirect.gather [hbm4b:s4+s22], $0x80, s3, s22, $0xb8;
	[tilespmem:$0x1D000] =	vst v63  }
0xac: {  	_ =	swait.ge [sflag:s28], $0x2800  }
0xad: {  	[sflag:s28] =	ssyncset.done $0x0  }
0xae: {  	s31 =	simm.s32 $0x3F80;
	[sflag:s28] =	ssyncadd.s32 $0xFFFFD800  }
0xaf: {  	[spmem:s2] =	stream.indirect.scatter.add.f32 [tilespmem:s23], [sflag:$0x4], $0x80, s31, s22, $0xb8;
	[tilespmem:$0x1D000] =	vst v63  }
0xb0: {  	_ =	swait.ge [sflag:s25], $0x2800  }
0xb1: {  	[sflag:s25] =	ssyncset.done $0x0  }
0xb2: {  	[sflag:s25] =	ssyncadd.s32 $0xFFFFD800  }
0xb3: {  	_ =	swait.ge [sflag:s24], $0x2800  }
0xb4: {  	[sflag:s24] =	ssyncset.done $0x0  }
0xb5: {  	[sflag:s24] =	ssyncadd.s32 $0xFFFFD800  }
0xb6: {  	[tilespmem:s3], [sflag:$0x5] =	stream.linear.gather [hbm4b:s7+s3], $0x1E80, $0x38;
	[tilespmem:$0x1D000] =	vst v63  }
0xb7: {  	_ =	swait.ge [sflag:s20], $0x1E80  }
0xb8: {  	[sflag:s20] =	ssyncset.done $0x0  }
0xb9: {  	[sflag:s20] =	ssyncadd.s32 $0xFFFFE180  }
0xba: {  	[tilespmem:s21], [sflag:$0x5] =	stream.linear.gather [hbm4b:s8+s3], $0x1E80, $0x38;
	[tilespmem:$0x1D000] =	vst v63  }
0xbb: {  	_ =	swait.ge [sflag:s20], $0x1E80  }
0xbc: {  	[sflag:s20] =	ssyncset.done $0x0  }
0xbd: {  	s30 =	simm.s32 $0x6880;
	[sflag:s20] =	ssyncadd.s32 $0xFFFFE180  }
0xbe: {  	[tilespmem:s30+$0xFFFFFF80] =	vst v0  }
0xbf: {  	[tilespmem:s30+$0x70] =	vst v0  }
0xc0: {  	[tilespmem:s30+$0x60] =	vst v0  }
0xc1: {  	[tilespmem:s30+$0x50] =	vst v0  }
0xc2: {  	[tilespmem:s30+$0x40] =	vst v0  }
0xc3: {  	[tilespmem:s30+$0x30] =	vst v0  }
0xc4: {  	[tilespmem:s30+$0x20] =	vst v0  }
0xc5: {  	[tilespmem:s30+$0x10] =	vst v0  }
0xc6: {  	[tilespmem:s30+$0x0] =	vst v0  }
0xc7: {  	[tilespmem:s30+$0xFFFFFFF0] =	vst v0  }
0xc8: {  	[tilespmem:s30+$0xFFFFFFE0] =	vst v0  }
0xc9: {  	[tilespmem:s30+$0xFFFFFFD0] =	vst v0  }
0xca: {  	[tilespmem:s30+$0xFFFFFFC0] =	vst v0  }
0xcb: {  	[tilespmem:s30+$0xFFFFFFB0] =	vst v0  }
0xcc: {  	s1 =	simm.s32 $0x0;
	[tilespmem:s30+$0xFFFFFFA0] =	vst v0  }
.LBB2_8:
0xcd: {  	s1 =	sadd.s32 $0x2, s1;
	[tilespmem:s30+$0xFFFFFF90] =	vst v0;
	s30 =	sadd.s32 $0x100, s30  }
0xce: {  	[tilespmem:s30+$0xFFFFFF80] =	vst v0;
	p0 =	slt.u32 s1, $0x4E  }
0xcf: {  	[tilespmem:s30+$0x70] =	vst v0  }
0xd0: {  	[tilespmem:s30+$0x60] =	vst v0  }
0xd1: {  	[tilespmem:s30+$0x50] =	vst v0  }
0xd2: {  	[tilespmem:s30+$0x40] =	vst v0  }
0xd3: {  	[tilespmem:s30+$0x30] =	vst v0  }
0xd4: {  	[tilespmem:s30+$0x20] =	vst v0  }
0xd5: {  	[tilespmem:s30+$0x10] =	vst v0  }
0xd6: {  	[tilespmem:s30+$0x0] =	vst v0  }
0xd7: {  	[tilespmem:s30+$0xFFFFFFF0] =	vst v0  }
.Ltmp3:
0xd8: {  	[tilespmem:s30+$0xFFFFFFE0] =	vst v0;
	(pc) =	sbr.rel @p0 .LBB2_8-.Ltmp3, $4  }
0xd9: {  	[tilespmem:s30+$0xFFFFFFD0] =	vst v0  }
0xda: {  	[tilespmem:s30+$0xFFFFFFC0] =	vst v0  }
0xdb: {  	[tilespmem:s30+$0xFFFFFFB0] =	vst v0  }
0xdc: {  	[tilespmem:s30+$0xFFFFFFA0] =	vst v0  }
0xdd: {  	[tilespmem:s30+$0xFFFFFF90] =	vst v0  }
0xde: {  	[spmem:s2] =	stream.indirect.scatter.add.f32 [tilespmem:s23], [sflag:$0x4], $0x80, s21, s22, $0xb8;
	[tilespmem:$0x1D000] =	vst v63  }
0xdf: {  	s1 =	simm.s32 $0x0  }
0xe0: {  	[tilespmem:s19], [sflag:$0x1] =	stream.indirect.gather [hbm4b:s4+s22], $0x80, s1, s22, $0xb8;
	[tilespmem:$0x1D000] =	vst v63  }
0xe1: {  	_ =	swait.ge [sflag:s24], $0x2800  }
0xe2: {  	[sflag:s24] =	ssyncset.done $0x0  }
0xe3: {  	s31 =	simm.s32 $0x80;
	[sflag:s24] =	ssyncadd.s32 $0xFFFFD800  }
0xe4: {  	[tilespmem:s23], [sflag:$0x2] =	stream.indirect.gather [hbm4b:s4+s22], $0x80, s31, s22, $0xb8;
	[tilespmem:$0x1D000] =	vst v63  }
0xe5: {  	_ =	swait.ge [sflag:s25], $0x2800  }
0xe6: {  	[sflag:s25] =	ssyncset.done $0x0  }
0xe7: {  	s31 =	simm.s32 $0x2000;
	[sflag:s25] =	ssyncadd.s32 $0xFFFFD800  }
0xe8: {  	[spmem:s2] =	stream.indirect.scatter.add.f32 [tilespmem:s19], [sflag:$0x3], $0x80, s31, s22, $0xb8;
	[tilespmem:$0x1D000] =	vst v63  }
0xe9: {  	_ =	swait.ge [sflag:s26], $0x2800  }
0xea: {  	[sflag:s26] =	ssyncset.done $0x0  }
0xeb: {  	s31 =	simm.s32 $0x100;
	[sflag:s26] =	ssyncadd.s32 $0xFFFFD800  }
0xec: {  	[tilespmem:s19], [sflag:$0x1] =	stream.indirect.gather [hbm4b:s4+s22], $0x80, s31, s22, $0xb8;
	[tilespmem:$0x1D000] =	vst v63  }
0xed: {  	_ =	swait.ge [sflag:s28], $0x2800  }
0xee: {  	[sflag:s28] =	ssyncset.done $0x0  }
0xef: {  	s30 =	simm.s32 $0x400;
	s1 =	simm.s32 $0x2080;
	[sflag:s28] =	ssyncadd.s32 $0xFFFFD800  }
.LBB2_10:
0xf0: {  	[spmem:s2] =	stream.indirect.scatter.add.f32 [tilespmem:s23], [sflag:$0x4], $0x80, s1, s22, $0xb8;
	[tilespmem:$0x1D000] =	vst v63  }
0xf1: {  	s1 =	smov.u32 s30  }
0xf2: {  	p0 =	sne.s32 s30, $0x7400;
	s30 =	sadd.s32 $0x400, s30;
	_ =	swait.ge [sflag:s24], $0x2800  }
0xf3: {  	s1 =	sshra.s32 s1, $0x2;
	[sflag:s24] =	ssyncset.done $0x0  }
0xf4: {  	s31 =	sadd.s32 $0x80, s1;
	[sflag:s24] =	ssyncadd.s32 $0xFFFFD800  }
0xf5: {  	[tilespmem:s23], [sflag:$0x2] =	stream.indirect.gather [hbm4b:s4+s22], $0x80, s31, s22, $0xb8;
	[tilespmem:$0x1D000] =	vst v63  }
0xf6: {  	_ =	swait.ge [sflag:s25], $0x2800  }
0xf7: {  	[sflag:s25] =	ssyncset.done $0x0  }
0xf8: {  	s31 =	sadd.s32 $0x2000, s1;
	[sflag:s25] =	ssyncadd.s32 $0xFFFFD800  }
0xf9: {  	[spmem:s2] =	stream.indirect.scatter.add.f32 [tilespmem:s19], [sflag:$0x3], $0x80, s31, s22, $0xb8;
	[tilespmem:$0x1D000] =	vst v63  }
0xfa: {  	_ =	swait.ge [sflag:s26], $0x2800  }
0xfb: {  	[sflag:s26] =	ssyncset.done $0x0  }
.Ltmp4:
0xfc: {  	s31 =	sadd.s32 $0x100, s1;
	[sflag:s26] =	ssyncadd.s32 $0xFFFFD800;
	(pc) =	sbr.rel @p0 .LBB2_10-.Ltmp4, $4  }
0xfd: {  	[tilespmem:s19], [sflag:$0x1] =	stream.indirect.gather [hbm4b:s4+s22], $0x80, s31, s22, $0xb8;
	[tilespmem:$0x1D000] =	vst v63  }
0xfe: {  	_ =	swait.ge [sflag:s28], $0x2800  }
0xff: {  	[sflag:s28] =	ssyncset.done $0x0  }
0x100: {  	s1 =	sadd.s32 $0x2080, s1;
	[sflag:s28] =	ssyncadd.s32 $0xFFFFD800  }
0x101: {  	[spmem:s2] =	stream.indirect.scatter.add.f32 [tilespmem:s23], [sflag:$0x4], $0x80, s1, s22, $0xb8;
	[tilespmem:$0x1D000] =	vst v63  }
0x102: {  	_ =	swait.ge [sflag:s25], $0x2800  }
0x103: {  	[sflag:s25] =	ssyncset.done $0x0  }
0x104: {  	[sflag:s25] =	ssyncadd.s32 $0xFFFFD800  }
0x105: {  	[spmem:s2] =	stream.indirect.scatter.add.f32 [tilespmem:s19], [sflag:$0x3], $0x80, s0, s22, $0xb8;
	[tilespmem:$0x1D000] =	vst v63  }
0x106: {  	_ =	swait.ge [sflag:s26], $0x2800  }
0x107: {  	[sflag:s26] =	ssyncset.done $0x0  }
0x108: {  	[sflag:s26] =	ssyncadd.s32 $0xFFFFD800  }
0x109: {  	s31 =	stileid.u32;
	_ =	swait.ge [sflag:s24], $0x2800  }
0x10a: {  	s30 =	sshrl.u32 s10, $0x3;
	s29 =	sadd.s32 $0x1, s29;
	[sflag:s24] =	ssyncset.done $0x0  }
0x10b: {  	s1 =	sshll.u32 s31, $0x6;
	p0 =	sne.s32 s29, s11;
	[sflag:s24] =	ssyncadd.s32 $0xFFFFD800  }
.Ltmp5:
0x10c: {  	s1 =	sor.u32 $0x1C05, s1;
	[bflag:$0x0] =	sbarrier.arrive $0xFFFF;
	(pc) =	sbr.rel @p0 .LBB2_1-.Ltmp5, $4  }
0x10d: {  	[hbm:s9], [sflag:s1] =	dma.local [spmem:s30], $0x2800  }
0x10e: {  	_ =	swait.ge [sflag:s20], $0x2800  }
0x10f: {  	[sflag:s20] =	ssyncset.done $0x0  }
0x110: {  	[sflag:s20] =	ssyncadd.s32 $0xFFFFD800  }
0x111: {  	_ =	sfence.sel $0x180000  }
0x112: {  	[bflag:$0x0] =	sbarrier.arrive $0xFFFF  }
0x113: {  	_ =	strace $0x9000004A  }
0x114: {  	s0 =	stileid.u32;
	[bflag:$0x2] =	sbarrier.arrive $0xFFFF  }
0x115: {  	p0 =	sne.s32 s0, $0x0;
	s0 =	rddreg [dreg:$0x2]  }
0x116: {  	s0 =	sadd.s32 @!p0 $0x100000, s0  }
0x117: {  	[sflag:s0] =	ssyncadd.tile.s32 @!p0 $0x1;
	_ =	shalt  }
.Lfunc_end2:
_tile_overlayer_lowered:
.L_overlay_start_2:
0x118: {  	(tag) =	ssettag $0x2  }
0x119: {  	s0 =	rddreg [dreg:$0x0];
	s2 =	stileid.u32  }
0x11a: {  	s1 =	rddreg [dreg:$0x1];
	p0 =	sne.s32 s2, $0x0  }
0x11b: {  	s3 =	rddreg [dreg:$0x2];
	[bflag:$0x3] =	sbarrier.arrive $0xFFFF;
	s2 =	simm.s32 @!p0 $0x1C05  }
0x11c: {  	[timem:s3], [sflag:s2] =	dma.local @!p0 [hbm:s0], s1  }
0x11d: {  	s0 =	simm.s32 @!p0 $0x5  }
0x11e: {  	_ =	swait.ge @!p0 [sflag:s0], s1  }
0x11f: {  	s1 =	ssub.s32 @!p0 $0x0, s1;
	[sflag:s0] =	ssyncset.done @!p0 $0x0  }
0x120: {  	[sflag:s0] =	ssyncadd.s32 @!p0 s1  }
0x121: {  	[bflag:$0x3] =	sbarrier.arrive $0xFFFF  }
0x122: {  	_ =	shalt  }

// kernel: kernel.18.cloned.1.call-start
scs
__scs_entry_jumppad:
0x0: {  	(pc) =	sbr.rel $0x88, $3  }
0x1: {  	(tag) =	ssettag $0x0;
	lr =	simm.s32 $0x1  }
0x2: {  	[smem:$0x3F87] =	sst lr;
	_ =	strace $0xD0000000  }
0x3: {  	_ = 	snop  }
0x4: {  	_ = 	snop  }
0x5: {  	_ = 	snop  }
0x6: {  	_ = 	snop  }
0x7: {  	_ = 	snop  }
__scs_overlays_trampoline_lowered:
0x8: {  	[smem:$0x3F96] =	sst s0  }
0x9: {  	[smem:$0x3F97] =	sst s1  }
0xa: {  	[smem:$0x3F98] =	sst s2  }
0xb: {  	[smem:$0x3F99] =	sst s3  }
0xc: {  	[smem:$0x3F9A] =	sst s4  }
0xd: {  	[smem:$0x3F9B] =	sst s5  }
0xe: {  	[smem:$0x3F9C] =	sst s6  }
0xf: {  	[smem:$0x3F9D] =	sst s7  }
0x10: {  	[smem:$0x3F9E] =	sst s8  }
0x11: {  	[smem:$0x3F9F] =	sst s9;
	s0 =	simm.s32 @!p0 $0x0  }
0x12: {  	s1 =	sld [smem:$0x3F85];
	s0 =	simm.s32 @p0 $0x1  }
0x13: {  	[smem:$0x3FA0] =	sst s0;
	s0 =	simm.s32 @!p1 $0x0  }
0x14: {  	s2 =	sld [smem:$0x3F84];
	s0 =	simm.s32 @p1 $0x1  }
0x15: {  	[smem:$0x3FA1] =	sst s0;
	s0 =	simm.s32 @!p2 $0x0  }
0x16: {  	s3 =	sld [smem:$0x3FDB];
	s0 =	simm.s32 @p2 $0x1  }
0x17: {  	s4 =	simm.s32 $0x1BF5;
	[smem:$0x3FA3] =	sst s0  }
0x18: {  	s0 =	sld [smem:$0x3F86];
	_ =	swait.ge [sflag:s4], $0x0  }
0x19: {  	s7 =	sld [smem:$0x3F87]  }
0x1a: {  	s8 =	sadd.s32 $0xFFFFE003, lr  }
0x1b: {  	s9 =	sadd.s32 $0xFFFFFEF7, lr;
	s5 =	simm.s32 $0xFFFFFFFF;
	p2 =	slt.u32 s8, $0xFFFFF086  }
0x1c: {  	p1 =	slt.u32 s9, $0xF7A;
	s5 =	simm.s32 @!p2 $0x0  }
0x1d: {  	s5 =	simm.s32 @p1 $0x1;
	p0 =	seq.s32 s7, s2  }
0x1e: {  	s7 =	smul.u32 @!p0 $0xF7A, s2;
	p2 =	seq.s32 @!p0 s5, $0x0  }
0x1f: {  	s9 =	smul.u32 $0xF7A, s1;
	s8 =	simm.s32 @!p0 $0x1BF5;
	p2 =	por !p2, p0  }
0x20: {  	[sflag:s8] =	ssyncset.s32 @!p0 $0xFFFFF086;
	s6 =	sadd.s32 @!p0 s3, s7;
	s7 =	simm.s32 @!p0 $0x108  }
0x21: {  	s3 =	sadd.s32 s3, s9;
	s6 =	sadd.s32 @!p0 $0x88, s6;
	s7 =	simm.s32 @p2 $0x1082  }
0x22: {  	[simem:s7], [sflag:s8] =	dma.local @!p0 [hbm:s6], $0xF7A  }
0x23: {  	s9 =	sor.u32 $0xD0000000, s2;
	s6 =	simm.s32 $0x108;
	_ =	swait.ge @!p0 [sflag:s8], $0x0  }
0x24: {  	s3 =	sadd.s32 $0x88, s3;
	s6 =	simm.s32 @!p1 $0x1082;
	[sflag:s4] =	ssyncset.s32 $0xFFFFF086  }
0x25: {  	[simem:s6], [sflag:s4] =	dma.local [hbm:s3], $0xF7A  }
0x26: {  	[smem:$0x3F87] =	sst s1;
	(tag) =	ssettag s2;
	_ =	strace s9  }
0x27: {  	s1 =	sld [smem:$0x3F97]  }
0x28: {  	s2 =	sld [smem:$0x3F98]  }
0x29: {  	s4 =	sld [smem:$0x3F9A]  }
0x2a: {  	p0 =	seq.s32 s5, $0x0;
	s5 =	sld [smem:$0x3F9B]  }
0x2b: {  	s6 =	sld [smem:$0x3F9C]  }
0x2c: {  	s7 =	sld [smem:$0x3F9D]  }
0x2d: {  	s3 =	simm.s32 $0x108;
	s8 =	sld [smem:$0x3F9E]  }
0x2e: {  	s3 =	simm.s32 @!p0 $0x1082;
	s9 =	sld [smem:$0x3F9F]  }
0x2f: {  	lr =	sadd.s32 s0, s3;
	s0 =	sld [smem:$0x3F96]  }
0x30: {  	s3 =	sld [smem:$0x3F99]  }
0x31: {  	[smem:$0x3FA2] =	sst s10  }
0x32: {  	s10 =	sld [smem:$0x3FA0];
	_ =	sdelay $0x3  }
0x33: {  	p0 =	seq.s32 s10, $0x1;
	s10 =	sld [smem:$0x3FA2];
	_ =	sdelay $0x3  }
0x34: {  	[smem:$0x3FA2] =	sst s10  }
0x35: {  	s10 =	sld [smem:$0x3FA1];
	_ =	sdelay $0x3  }
0x36: {  	p1 =	seq.s32 s10, $0x1;
	s10 =	sld [smem:$0x3FA2];
	_ =	sdelay $0x3  }
0x37: {  	[smem:$0x3FA2] =	sst s10  }
0x38: {  	s10 =	sld [smem:$0x3FA3]  }
0x39: {  	_ = 	snop;
	(pc) =	sbr.ind lr, $3  }
0x3a: {  	_ = 	snop  }
0x3b: {  	_ = 	snop  }
0x3c: {  	p2 =	seq.s32 s10, $0x1;
	s10 =	sld [smem:$0x3FA2]  }
0x3d: {  	_ =	shalt  }
0x3e: {  	_ =	shalt  }
0x3f: {  	_ =	shalt  }
0x40: {  	_ =	shalt  }
0x41: {  	_ =	shalt  }
0x42: {  	_ =	shalt  }
0x43: {  	_ =	shalt  }
0x44: {  	_ =	shalt  }
0x45: {  	_ =	shalt  }
0x46: {  	_ =	shalt  }
0x47: {  	_ =	shalt  }
0x48: {  	_ =	shalt  }
0x49: {  	_ =	shalt  }
0x4a: {  	_ =	shalt  }
0x4b: {  	_ =	shalt  }
0x4c: {  	_ =	shalt  }
0x4d: {  	_ =	shalt  }
0x4e: {  	_ =	shalt  }
0x4f: {  	_ =	shalt  }
0x50: {  	_ =	shalt  }
0x51: {  	_ =	shalt  }
0x52: {  	_ =	shalt  }
0x53: {  	_ =	shalt  }
0x54: {  	_ =	shalt  }
0x55: {  	_ =	shalt  }
0x56: {  	_ =	shalt  }
0x57: {  	_ =	shalt  }
0x58: {  	_ =	shalt  }
0x59: {  	_ =	shalt  }
0x5a: {  	_ =	shalt  }
0x5b: {  	_ =	shalt  }
0x5c: {  	_ =	shalt  }
0x5d: {  	_ =	shalt  }
0x5e: {  	_ =	shalt  }
0x5f: {  	_ =	shalt  }
0x60: {  	_ =	shalt  }
0x61: {  	_ =	shalt  }
0x62: {  	_ =	shalt  }
0x63: {  	_ =	shalt  }
0x64: {  	_ =	shalt  }
0x65: {  	_ =	shalt  }
0x66: {  	_ =	shalt  }
0x67: {  	_ =	shalt  }
0x68: {  	_ =	shalt  }
0x69: {  	_ =	shalt  }
0x6a: {  	_ =	shalt  }
0x6b: {  	_ =	shalt  }
0x6c: {  	_ =	shalt  }
0x6d: {  	_ =	shalt  }
0x6e: {  	_ =	shalt  }
0x6f: {  	_ =	shalt  }
0x70: {  	_ =	shalt  }
0x71: {  	_ =	shalt  }
0x72: {  	_ =	shalt  }
0x73: {  	_ =	shalt  }
0x74: {  	_ =	shalt  }
0x75: {  	_ =	shalt  }
0x76: {  	_ =	shalt  }
0x77: {  	_ =	shalt  }
0x78: {  	_ =	shalt  }
0x79: {  	_ =	shalt  }
0x7a: {  	_ =	shalt  }
0x7b: {  	_ =	shalt  }
0x7c: {  	_ =	shalt  }
0x7d: {  	_ =	shalt  }
0x7e: {  	_ =	shalt  }
0x7f: {  	_ =	shalt  }
0x80: {  	_ =	shalt  }
0x81: {  	_ =	shalt  }
0x82: {  	_ =	shalt  }
0x83: {  	_ =	shalt  }
0x84: {  	_ =	shalt  }
0x85: {  	_ =	shalt  }
0x86: {  	_ =	shalt  }
0x87: {  	_ =	shalt  }
.Lfunc_end0:
.L_simem_size_0:
called_computation.2_lowered:
.L_overlay_start_0:
0x88: {  	s2 =	sld [smem:$0x3FD9]  }
0x89: {  	s3 =	sld [smem:$0x3FFE];
	_ =	sdelay $0x1  }
0x8a: {  	s1 =	srdreg.scid  }
0x8b: {  	s0 =	sand.u32 $0x1, s1  }
0x8c: {  	s14 =	sshll.u32 s0, $0xA;
	s2 =	sadd.s32 s3, s2  }
0x8d: {  	s2 =	sadd.s32 s2, s14  }
0x8e: {  	[smem:$0x3FAE] =	sst s2  }
0x8f: {  	_ = 	snop  }
0x90: {  	s2 =	sld [smem:$0x3FD0];
	_ =	sdelay $0x2  }
0x91: {  	s15 =	simm.s32 $0xA;
	s4 =	simm.s32 $0x10  }
0x92: {  	[smem:s4], [sflag:s15] =	dma.local [hbm:s2], $0x1  }
0x93: {  	_ =	swait.eq [sflag:s15], $0x1  }
0x94: {  	[sflag:s15] =	ssyncset.done $0x0  }
0x95: {  	[sflag:s15] =	ssyncadd.s32 $0xFFFFFFFF  }
0x96: {  	s16 =	sld [smem:$0x10];
	(tm) =	ssettm $0x1  }
0x97: {  	s17 =	sld [smem:$0x3FFB];
	_ =	sdelay $0x3  }
0x98: {  	_ =	strace s17  }
0x99: {  	s3 =	sld [smem:$0x3FFC];
	_ =	sdelay $0x3  }
0x9a: {  	_ =	strace s3  }
0x9b: {  	s3 =	sld [smem:$0x3FFD];
	_ =	sdelay $0x3  }
0x9c: {  	_ =	strace s3  }
0x9d: {  	_ =	strace $0x8FFFFFFF  }
0x9e: {  	s18 =	sld [smem:$0x3FDB];
	_ =	sdelay $0x1  }
0x9f: {  	s19 =	simm.s32 $_scs_section_size  }
0xa0: {  	s5 =	simm.s32 $_size__tile_overlayer_lowered;
	s6 =	simm.s32 $_tile_overlayer_lowered  }
0xa1: {  	s22 =	simm.s32 $0x1BFF;
	s21 =	sshll.u32 s6, $0x1;
	s3 =	sadd.s32 s19, s18  }
0xa2: {  	s7 =	simm.s32 $0x0;
	s20 =	sshll.u32 s5, $0x1;
	s5 =	sadd.s32 s21, s3  }
0xa3: {  	[timem:s7], [sflag:s22] =	dma.local [hbm:s5], s20  }
0xa4: {  	_ =	swait.ge [sflag:s22], s20  }
0xa5: {  	s4 =	ssub.s32 $0x0, s20;
	[sflag:s22] =	ssyncset.done $0x0  }
0xa6: {  	[sflag:s22] =	ssyncadd.s32 s4;
	_ =	sdelay $0x1  }
0xa7: {  	s23 =	simm.s32 $0x1B8B  }
0xa8: {  	_ =	swait.ge [sflag:s23], $0x1  }
0xa9: {  	[sflag:s23] =	ssyncset.done $0x0  }
0xaa: {  	s25 =	simm.s32 $0x1B8E;
	s24 =	sld [smem:$0x3FFE];
	[sflag:s23] =	ssyncadd.s32 $0xFFFFFFFF  }
0xab: {  	s26 =	simm.s32 $execute0_lowered;
	[smem:$0x3FD2] =	sst s25  }
0xac: {  	s5 =	sshll.u32 s26, $0x1;
	_ =	strace $0x8000004C;
	[dreg:$0x1] =	wrdreg $0xFFFFFFFF  }
0xad: {  	s28 =	simm.s32 $_size_execute0_lowered;
	s3 =	sadd.s32 s3, s5;
	[dreg:$0x0] =	wrdreg $0x0  }
0xae: {  	s5 =	sshll.u32 s28, $0x1;
	[dreg:$0x2] =	wrdreg s3  }
0xaf: {  	[dreg:$0x3] =	wrdreg s5  }
0xb0: {  	[dreg:$0x4] =	wrdreg $0xC0  }
0xb1: {  	_ =	task [dreg:s7], $0x5FFFF  }
0xb2: {  	[dreg:$0x1] =	wrdreg $0xFFFFFFFF  }
0xb3: {  	[dreg:$0x0] =	wrdreg $0x60  }
0xb4: {  	[dreg:$0x2] =	wrdreg s24  }
0xb5: {  	[dreg:$0x3] =	wrdreg s16  }
0xb6: {  	[dreg:$0x4] =	wrdreg $0x90000  }
0xb7: {  	[dreg:$0x5] =	wrdreg $0x9  }
0xb8: {  	_ =	task.clear_ibuf [dreg:s7], $0x6FFFF;
	_ =	strace $0x9000004C  }
0xb9: {  	s29 =	simm.s32 $0x9;
	_ =	strace $0x8000004E  }
0xba: {  	_ =	swait.ge [sflag:s29], $0x1  }
0xbb: {  	[sflag:s29] =	ssyncadd.s32 $0xFFFFFFFF  }
0xbc: {  	_ =	strace $0x9000004E  }
0xbd: {  	_ =	sfence  }
0xbe: {  	s30 =	sld [smem:$0x0];
	_ =	sdelay $0x2  }
0xbf: {  	s31 =	sshll.u32 s1, $0xD;
	s1 =	sshrl.u32 s1, $0x2  }
0xc0: {  	s3 =	sand.u32 $0x4000, s31;
	s1 =	sadd.s32 s1, s30  }
0xc1: {  	s0 =	sor.u32 s3, s0;
	s1 =	sshll.u32 s1, $0x11  }
0xc2: {  	s0 =	sor.u32 s1, s0  }
0xc3: {  	s0 =	sadd.s32 $0x8F2B, s0  }
0xc4: {  	[sflag:s0] =	ssyncadd.remote.s32 $0x1  }
0xc5: {  	_ =	sfence.sel $0xFFFF  }
0xc6: {  	[dreg:$0x0] =	wrdreg $0xFFFFFFFF;
	(pc) =	sbr.abs _section_cstart, $3  }
0xc7: {  	[dreg:$0x1] =	wrdreg $0xFFFFFFFF  }
0xc8: {  	_ =	task.clear_ibuf [dreg:s7], $0x2FFFF;
	_ =	strace $0x9FFFFFFF  }
0xc9: {  	(tm) =	ssettm $0x7FFFFFFF  }
tec
execute0_lowered:
.L_overlay_start_1:
0x0: {  	(tag) =	ssettag $0x1  }
0x1: {  	s0 =	rddreg [dreg:$0x0]  }
0x2: {  	s1 =	rddreg [dreg:$0x1]  }
0x3: {  	s2 =	rddreg [dreg:$0x2]  }
0x4: {  	s3 =	srdreg.scid;
	s4 =	simm.s32 $0x0;
	s11 =	stileid.u32  }
0x5: {  	s18 =	simm.s32 $0x4000;
	s19 =	simm.s32 $0x5;
	s20 =	simm.s32 $0x2000  }
0x6: {  	s28 =	simm.s32 $0x1F80;
	s29 =	simm.s32 $0x3F00;
	s30 =	simm.s32 $0x3F80  }
0x7: {  	s31 =	simm.s32 $0x3E00;
	s3 =	sand.u32 $0x1, s3;
	s7 =	smul.u32 $0x14000, s11  }
0x8: {  	[smem:$0x7FF] =	sst s4;
	s5 =	sadd.s32 $0xFDE00, s0;
	s10 =	smul.u32 $0x50000, s11  }
0x9: {  	s6 =	smul.u32 $0x140000, s3;
	_ =	strace $0x8000004D;
	s21 =	ssub.s32 $0x2, s3  }
0xa: {  	s3 =	smul.u32 $0x2800, s3;
	s9 =	sshrl.u32 s21, $0x1;
	s23 =	sshrl.u32 s10, $0x2  }
0xb: {  	s6 =	sadd.s32 s7, s6;
	s22 =	ssub.s32 s21, s9;
	s7 =	sshll.u32 s11, $0xC  }
0xc: {  	s9 =	sadd.s32 s23, s2;
	s21 =	simm.s32 $0x50;
	s23 =	simm.s32 $0x4  }
0xd: {  	s8 =	sshrl.u32 s6, $0x3;
	s6 =	sadd.s32 $0xEDE00, s0;
	s24 =	smax.u32 s22, $0x1  }
0xe: {  	s25 =	sadd.s32 $0x2800, s9;
	s26 =	sadd.s32 $0x5000, s9;
	s13 =	sadd.s32 $0x7800, s9  }
0xf: {  	s14 =	sadd.s32 $0xA000, s9;
	s15 =	sadd.s32 $0xC800, s9;
	[dreg:$0x5] =	wrdreg s24  }
0x10: {  	s16 =	sadd.s32 $0xF000, s9;
	s17 =	sadd.s32 $0x11800, s9;
	[dreg:$0x6] =	wrdreg s25  }
0x11: {  	s22 =	simm.s32 $0x6800;
	s0 =	sadd.s32 s8, s0;
	[dreg:$0x7] =	wrdreg s26  }
0x12: {  	s24 =	simm.s32 $0x1;
	s25 =	simm.s32 $0x3;
	s0 =	sadd.s32 $0x14DE00, s0  }
0x13: {  	v1 =	vimm.f32 $0.0e+00;
	v0 =	vmov s3;
	s26 =	simm.s32 $0x2;
	[dreg:$0x4] =	wrdreg s0;
	s0 =	simm.s32 $0x0  }
.LBB2_1:
0x14: {  	s3 =	simm.s32 $0x4080  }
0x15: {  	[tilespmem:s3+$0xFFFFFF80] =	vst v1  }
0x16: {  	[tilespmem:s3+$0x70] =	vst v1  }
0x17: {  	[tilespmem:s3+$0x60] =	vst v1  }
0x18: {  	[tilespmem:s3+$0x50] =	vst v1  }
0x19: {  	[tilespmem:s3+$0x40] =	vst v1  }
0x1a: {  	[tilespmem:s3+$0x30] =	vst v1  }
0x1b: {  	[tilespmem:s3+$0x20] =	vst v1  }
0x1c: {  	[tilespmem:s3+$0x10] =	vst v1  }
0x1d: {  	[tilespmem:s3+$0x0] =	vst v1  }
0x1e: {  	[tilespmem:s3+$0xFFFFFFF0] =	vst v1  }
0x1f: {  	[tilespmem:s3+$0xFFFFFFE0] =	vst v1  }
0x20: {  	[tilespmem:s3+$0xFFFFFFD0] =	vst v1  }
0x21: {  	[tilespmem:s3+$0xFFFFFFC0] =	vst v1  }
0x22: {  	[tilespmem:s3+$0xFFFFFFB0] =	vst v1  }
0x23: {  	s8 =	simm.s32 $0x0;
	[tilespmem:s3+$0xFFFFFFA0] =	vst v1  }
.LBB2_2:
0x24: {  	s8 =	sadd.s32 $0x2, s8;
	[tilespmem:s3+$0xFFFFFF90] =	vst v1;
	s3 =	sadd.s32 $0x100, s3  }
0x25: {  	[tilespmem:s3+$0xFFFFFF80] =	vst v1;
	p0 =	slt.u32 s8, $0x4E  }
0x26: {  	[tilespmem:s3+$0x70] =	vst v1  }
0x27: {  	[tilespmem:s3+$0x60] =	vst v1  }
0x28: {  	[tilespmem:s3+$0x50] =	vst v1  }
0x29: {  	[tilespmem:s3+$0x40] =	vst v1  }
0x2a: {  	[tilespmem:s3+$0x30] =	vst v1  }
0x2b: {  	[tilespmem:s3+$0x20] =	vst v1  }
0x2c: {  	[tilespmem:s3+$0x10] =	vst v1  }
0x2d: {  	[tilespmem:s3+$0x0] =	vst v1  }
0x2e: {  	[tilespmem:s3+$0xFFFFFFF0] =	vst v1  }
.Ltmp0:
0x2f: {  	[tilespmem:s3+$0xFFFFFFE0] =	vst v1;
	(pc) =	sbr.rel @p0 .LBB2_2-.Ltmp0, $4  }
0x30: {  	[tilespmem:s3+$0xFFFFFFD0] =	vst v1  }
0x31: {  	[tilespmem:s3+$0xFFFFFFC0] =	vst v1  }
0x32: {  	[tilespmem:s3+$0xFFFFFFB0] =	vst v1  }
0x33: {  	[tilespmem:s3+$0xFFFFFFA0] =	vst v1  }
0x34: {  	[tilespmem:s3+$0xFFFFFF90] =	vst v1  }
0x35: {  	[spmem:s9] =	stream.linear.scatter [tilespmem:s18], [sflag:$0x5], $0x2800, $0x38;
	[tilespmem:$0x1D000] =	vst v63  }
0x36: {  	_ =	swait.ge [sflag:s19], $0x2800  }
0x37: {  	[sflag:s19] =	ssyncset.done $0x0  }
0x38: {  	s11 =	rddreg [dreg:$0x6];
	[sflag:s19] =	ssyncadd.s32 $0xFFFFD800  }
0x39: {  	[spmem:s11] =	stream.linear.scatter [tilespmem:s18], [sflag:$0x5], $0x2800, $0x38;
	[tilespmem:$0x1D000] =	vst v63  }
0x3a: {  	_ =	swait.ge [sflag:s19], $0x2800  }
0x3b: {  	[sflag:s19] =	ssyncset.done $0x0  }
0x3c: {  	s12 =	rddreg [dreg:$0x7];
	[sflag:s19] =	ssyncadd.s32 $0xFFFFD800  }
0x3d: {  	[spmem:s12] =	stream.linear.scatter [tilespmem:s18], [sflag:$0x5], $0x2800, $0x38;
	[tilespmem:$0x1D000] =	vst v63  }
0x3e: {  	_ =	swait.ge [sflag:s19], $0x2800  }
0x3f: {  	[sflag:s19] =	ssyncset.done $0x0  }
0x40: {  	[sflag:s19] =	ssyncadd.s32 $0xFFFFD800  }
0x41: {  	[spmem:s13] =	stream.linear.scatter [tilespmem:s18], [sflag:$0x5], $0x2800, $0x38;
	[tilespmem:$0x1D000] =	vst v63  }
0x42: {  	_ =	swait.ge [sflag:s19], $0x2800  }
0x43: {  	[sflag:s19] =	ssyncset.done $0x0  }
0x44: {  	[sflag:s19] =	ssyncadd.s32 $0xFFFFD800  }
0x45: {  	[spmem:s14] =	stream.linear.scatter [tilespmem:s18], [sflag:$0x5], $0x2800, $0x38;
	[tilespmem:$0x1D000] =	vst v63  }
0x46: {  	_ =	swait.ge [sflag:s19], $0x2800  }
0x47: {  	[sflag:s19] =	ssyncset.done $0x0  }
0x48: {  	[sflag:s19] =	ssyncadd.s32 $0xFFFFD800  }
0x49: {  	[spmem:s15] =	stream.linear.scatter [tilespmem:s18], [sflag:$0x5], $0x2800, $0x38;
	[tilespmem:$0x1D000] =	vst v63  }
0x4a: {  	_ =	swait.ge [sflag:s19], $0x2800  }
0x4b: {  	[sflag:s19] =	ssyncset.done $0x0  }
0x4c: {  	[sflag:s19] =	ssyncadd.s32 $0xFFFFD800  }
0x4d: {  	[spmem:s16] =	stream.linear.scatter [tilespmem:s18], [sflag:$0x5], $0x2800, $0x38;
	[tilespmem:$0x1D000] =	vst v63  }
0x4e: {  	_ =	swait.ge [sflag:s19], $0x2800  }
0x4f: {  	[sflag:s19] =	ssyncset.done $0x0  }
0x50: {  	[sflag:s19] =	ssyncadd.s32 $0xFFFFD800  }
0x51: {  	[spmem:s17] =	stream.linear.scatter [tilespmem:s18], [sflag:$0x5], $0x2800, $0x38;
	[tilespmem:$0x1D000] =	vst v63  }
0x52: {  	_ =	swait.ge [sflag:s19], $0x2800  }
0x53: {  	[sflag:s19] =	ssyncset.done $0x0  }
0x54: {  	s3 =	simm.s32 $0x0;
	[sflag:s19] =	ssyncadd.s32 $0xFFFFD800  }
0x55: {  	p1 =	por $0x1, $0x1;
	s8 =	simm.s32 $0x0;
	[bflag:$0x0] =	sbarrier.arrive $0xFFFF  }
.LBB2_4:
0x56: {  	s8 =	sor.u32 s7, s8  }
0x57: {  	s10 =	sadd.s32 s1, s8  }
0x58: {  	[tilespmem:s3], [sflag:$0x5] =	stream.linear.gather [hbm4b:s10+s3], $0x2000, $0x38;
	[tilespmem:$0x1D000] =	vst v63  }
0x59: {  	_ =	swait.ge [sflag:s19], $0x2000  }
0x5a: {  	[sflag:s19] =	ssyncset.done $0x0  }
0x5b: {  	s12 =	sadd.s32 s6, s8;
	[sflag:s19] =	ssyncadd.s32 $0xFFFFE000  }
0x5c: {  	[tilespmem:s20], [sflag:$0x5] =	stream.linear.gather [hbm4b:s12+s3], $0x2000, $0x38;
	[tilespmem:$0x1D000] =	vst v63  }
0x5d: {  	_ =	swait.ge [sflag:s19], $0x2000  }
0x5e: {  	[sflag:s19] =	ssyncset.done $0x0  }
0x5f: {  	s10 =	simm.s32 $0x0;
	[sflag:s19] =	ssyncadd.s32 $0xFFFFE000  }
0x60: {  	v5 =	vld [tilespmem:s10+$0x0]  }
0x61: {  	v4 =	vld [tilespmem:s10+$0x10]  }
0x62: {  	v2 =	vld [tilespmem:s10+$0x20]  }
0x63: {  	p0 =	por p1, p1;
	s11 =	simm.s32 $0x200;
	v3 =	vld [tilespmem:s10+$0x30]  }
.LBB2_5:
0x64: {  	p1 =	sne.s32 s11, $0x7E00;
	v6 =	vld [tilespmem:s10+$0x40]  }
0x65: {  	v5 =	vadd.s32 v0, v5  }
.Ltmp1:
0x66: {  	s12 =	sshra.s32 s11, $0x2;
	[tilespmem:s10+$0x0] =	vst v5;
	v4 =	vadd.s32 v0, v4;
	(pc) =	sbr.rel @p1 .LBB2_5-.Ltmp1, $4  }
0x67: {  	v5 =	vld [tilespmem:s12+$0x0];
	[tilespmem:s10+$0x10] =	vst v4;
	v2 =	vadd.s32 v0, v2  }
0x68: {  	v4 =	vld [tilespmem:s12+$0x10];
	[tilespmem:s10+$0x20] =	vst v2;
	v3 =	vadd.s32 v0, v3  }
0x69: {  	v2 =	vld [tilespmem:s12+$0x20];
	[tilespmem:s10+$0x30] =	vst v3;
	v6 =	vadd.s32 v0, v6  }
0x6a: {  	s11 =	sadd.s32 $0x200, s11;
	v3 =	vld [tilespmem:s12+$0x30];
	[tilespmem:s10+$0x40] =	vst v6;
	s10 =	smov.u32 s12  }
0x6b: {  	v6 =	vld [tilespmem:s10+$0x40]  }
0x6c: {  	v5 =	vadd.s32 v0, v5  }
0x6d: {  	[tilespmem:s10+$0x0] =	vst v5;
	v4 =	vadd.s32 v0, v4  }
0x6e: {  	[tilespmem:s10+$0x10] =	vst v4;
	v2 =	vadd.s32 v0, v2  }
0x6f: {  	[tilespmem:s10+$0x20] =	vst v2;
	v2 =	vadd.s32 v0, v3  }
0x70: {  	[tilespmem:s10+$0x30] =	vst v2;
	v2 =	vadd.s32 v0, v6  }
0x71: {  	[tilespmem:s10+$0x40] =	vst v2;
	s10 =	simm.s32 $0x6880  }
0x72: {  	[tilespmem:s10+$0xFFFFFF80] =	vst v1  }
0x73: {  	[tilespmem:s10+$0x70] =	vst v1  }
0x74: {  	[tilespmem:s10+$0x60] =	vst v1  }
0x75: {  	[tilespmem:s10+$0x50] =	vst v1  }
0x76: {  	[tilespmem:s10+$0x40] =	vst v1  }
0x77: {  	[tilespmem:s10+$0x30] =	vst v1  }
0x78: {  	[tilespmem:s10+$0x20] =	vst v1  }
0x79: {  	[tilespmem:s10+$0x10] =	vst v1  }
0x7a: {  	[tilespmem:s10+$0x0] =	vst v1  }
0x7b: {  	[tilespmem:s10+$0xFFFFFFF0] =	vst v1  }
0x7c: {  	[tilespmem:s10+$0xFFFFFFE0] =	vst v1  }
0x7d: {  	[tilespmem:s10+$0xFFFFFFD0] =	vst v1  }
0x7e: {  	[tilespmem:s10+$0xFFFFFFC0] =	vst v1  }
0x7f: {  	[tilespmem:s10+$0xFFFFFFB0] =	vst v1  }
0x80: {  	s11 =	simm.s32 $0x0;
	[tilespmem:s10+$0xFFFFFFA0] =	vst v1  }
.LBB2_7:
0x81: {  	s11 =	sadd.s32 $0x2, s11;
	[tilespmem:s10+$0xFFFFFF90] =	vst v1;
	s10 =	sadd.s32 $0x100, s10  }
0x82: {  	[tilespmem:s10+$0xFFFFFF80] =	vst v1;
	p1 =	slt.u32 s11, $0x4E  }
0x83: {  	[tilespmem:s10+$0x70] =	vst v1  }
0x84: {  	[tilespmem:s10+$0x60] =	vst v1  }
0x85: {  	[tilespmem:s10+$0x50] =	vst v1  }
0x86: {  	[tilespmem:s10+$0x40] =	vst v1  }
0x87: {  	[tilespmem:s10+$0x30] =	vst v1  }
0x88: {  	[tilespmem:s10+$0x20] =	vst v1  }
0x89: {  	[tilespmem:s10+$0x10] =	vst v1  }
0x8a: {  	[tilespmem:s10+$0x0] =	vst v1  }
0x8b: {  	[tilespmem:s10+$0xFFFFFFF0] =	vst v1  }
.Ltmp2:
0x8c: {  	[tilespmem:s10+$0xFFFFFFE0] =	vst v1;
	(pc) =	sbr.rel @p1 .LBB2_7-.Ltmp2, $4  }
0x8d: {  	[tilespmem:s10+$0xFFFFFFD0] =	vst v1  }
0x8e: {  	[tilespmem:s10+$0xFFFFFFC0] =	vst v1  }
0x8f: {  	[tilespmem:s10+$0xFFFFFFB0] =	vst v1  }
0x90: {  	[tilespmem:s10+$0xFFFFFFA0] =	vst v1  }
0x91: {  	[tilespmem:s10+$0xFFFFFF90] =	vst v1  }
0x92: {  	[spmem:s2] =	stream.indirect.scatter.add.f32 [tilespmem:s22], [sflag:$0x4], $0x80, s20, s21, $0xb8;
	[tilespmem:$0x1D000] =	vst v63  }
0x93: {  	s11 =	simm.s32 $0x0  }
0x94: {  	[tilespmem:s18], [sflag:$0x1] =	stream.indirect.gather [hbm4b:s5+s21], $0x80, s11, s21, $0xb8;
	[tilespmem:$0x1D000] =	vst v63  }
0x95: {  	_ =	swait.ge [sflag:s23], $0x2800  }
0x96: {  	[sflag:s23] =	ssyncset.done $0x0  }
0x97: {  	s12 =	simm.s32 $0x80;
	[sflag:s23] =	ssyncadd.s32 $0xFFFFD800  }
0x98: {  	[tilespmem:s22], [sflag:$0x2] =	stream.indirect.gather [hbm4b:s5+s21], $0x80, s12, s21, $0xb8;
	[tilespmem:$0x1D000] =	vst v63  }
0x99: {  	_ =	swait.ge [sflag:s24], $0x2800  }
0x9a: {  	[sflag:s24] =	ssyncset.done $0x0  }
0x9b: {  	s11 =	simm.s32 $0x2000;
	[sflag:s24] =	ssyncadd.s32 $0xFFFFD800  }
0x9c: {  	[spmem:s2] =	stream.indirect.scatter.add.f32 [tilespmem:s18], [sflag:$0x3], $0x80, s11, s21, $0xb8;
	[tilespmem:$0x1D000] =	vst v63  }
0x9d: {  	_ =	swait.ge [sflag:s25], $0x2800  }
0x9e: {  	[sflag:s25] =	ssyncset.done $0x0  }
0x9f: {  	s12 =	simm.s32 $0x100;
	[sflag:s25] =	ssyncadd.s32 $0xFFFFD800  }
0xa0: {  	[tilespmem:s18], [sflag:$0x1] =	stream.indirect.gather [hbm4b:s5+s21], $0x80, s12, s21, $0xb8;
	[tilespmem:$0x1D000] =	vst v63  }
0xa1: {  	_ =	swait.ge [sflag:s26], $0x2800  }
0xa2: {  	[sflag:s26] =	ssyncset.done $0x0  }
0xa3: {  	s10 =	simm.s32 $0x400;
	s11 =	simm.s32 $0x2080;
	[sflag:s26] =	ssyncadd.s32 $0xFFFFD800  }
.LBB2_9:
0xa4: {  	[spmem:s2] =	stream.indirect.scatter.add.f32 [tilespmem:s22], [sflag:$0x4], $0x80, s11, s21, $0xb8;
	[tilespmem:$0x1D000] =	vst v63  }
0xa5: {  	s11 =	smov.u32 s10  }
0xa6: {  	p1 =	sne.s32 s10, $0x7800;
	s10 =	sadd.s32 $0x400, s10;
	_ =	swait.ge [sflag:s23], $0x2800  }
0xa7: {  	s11 =	sshra.s32 s11, $0x2;
	[sflag:s23] =	ssyncset.done $0x0  }
0xa8: {  	s12 =	sadd.s32 $0x80, s11;
	[sflag:s23] =	ssyncadd.s32 $0xFFFFD800  }
0xa9: {  	[tilespmem:s22], [sflag:$0x2] =	stream.indirect.gather [hbm4b:s5+s21], $0x80, s12, s21, $0xb8;
	[tilespmem:$0x1D000] =	vst v63  }
0xaa: {  	_ =	swait.ge [sflag:s24], $0x2800  }
0xab: {  	[sflag:s24] =	ssyncset.done $0x0  }
0xac: {  	s12 =	sadd.s32 $0x2000, s11;
	[sflag:s24] =	ssyncadd.s32 $0xFFFFD800  }
0xad: {  	[spmem:s2] =	stream.indirect.scatter.add.f32 [tilespmem:s18], [sflag:$0x3], $0x80, s12, s21, $0xb8;
	[tilespmem:$0x1D000] =	vst v63  }
0xae: {  	_ =	swait.ge [sflag:s25], $0x2800  }
0xaf: {  	[sflag:s25] =	ssyncset.done $0x0  }
.Ltmp3:
0xb0: {  	s12 =	sadd.s32 $0x100, s11;
	[sflag:s25] =	ssyncadd.s32 $0xFFFFD800;
	(pc) =	sbr.rel @p1 .LBB2_9-.Ltmp3, $4  }
0xb1: {  	[tilespmem:s18], [sflag:$0x1] =	stream.indirect.gather [hbm4b:s5+s21], $0x80, s12, s21, $0xb8;
	[tilespmem:$0x1D000] =	vst v63  }
0xb2: {  	_ =	swait.ge [sflag:s26], $0x2800  }
0xb3: {  	[sflag:s26] =	ssyncset.done $0x0  }
0xb4: {  	s11 =	sadd.s32 $0x2080, s11;
	[sflag:s26] =	ssyncadd.s32 $0xFFFFD800  }
0xb5: {  	[spmem:s2] =	stream.indirect.scatter.add.f32 [tilespmem:s22], [sflag:$0x4], $0x80, s11, s21, $0xb8;
	[tilespmem:$0x1D000] =	vst v63  }
0xb6: {  	_ =	swait.ge [sflag:s23], $0x2800  }
0xb7: {  	[sflag:s23] =	ssyncset.done $0x0  }
0xb8: {  	[sflag:s23] =	ssyncadd.s32 $0xFFFFD800  }
0xb9: {  	[tilespmem:s22], [sflag:$0x2] =	stream.indirect.gather [hbm4b:s5+s21], $0x80, s28, s21, $0xb8;
	[tilespmem:$0x1D000] =	vst v63  }
0xba: {  	_ =	swait.ge [sflag:s24], $0x2800  }
0xbb: {  	[sflag:s24] =	ssyncset.done $0x0  }
0xbc: {  	[sflag:s24] =	ssyncadd.s32 $0xFFFFD800  }
0xbd: {  	[spmem:s2] =	stream.indirect.scatter.add.f32 [tilespmem:s18], [sflag:$0x3], $0x80, s29, s21, $0xb8;
	[tilespmem:$0x1D000] =	vst v63  }
0xbe: {  	_ =	swait.ge [sflag:s25], $0x2800  }
0xbf: {  	[sflag:s25] =	ssyncset.done $0x0  }
0xc0: {  	[sflag:s25] =	ssyncadd.s32 $0xFFFFD800  }
0xc1: {  	[tilespmem:s18], [sflag:$0x1] =	stream.indirect.gather [hbm4b:s5+s21], $0x80, s4, s21, $0xb8;
	[tilespmem:$0x1D000] =	vst v63  }
0xc2: {  	_ =	swait.ge [sflag:s26], $0x2800  }
0xc3: {  	[sflag:s26] =	ssyncset.done $0x0  }
0xc4: {  	[sflag:s26] =	ssyncadd.s32 $0xFFFFD800  }
0xc5: {  	[spmem:s2] =	stream.indirect.scatter.add.f32 [tilespmem:s22], [sflag:$0x4], $0x80, s30, s21, $0xb8;
	[tilespmem:$0x1D000] =	vst v63  }
0xc6: {  	_ =	swait.ge [sflag:s24], $0x2800  }
0xc7: {  	[sflag:s24] =	ssyncset.done $0x0  }
0xc8: {  	[sflag:s24] =	ssyncadd.s32 $0xFFFFD800  }
0xc9: {  	_ =	swait.ge [sflag:s23], $0x2800  }
0xca: {  	s8 =	sor.u32 $0x400, s8;
	[sflag:s23] =	ssyncset.done $0x0  }
0xcb: {  	s10 =	sadd.s32 s1, s8;
	[sflag:s23] =	ssyncadd.s32 $0xFFFFD800  }
0xcc: {  	[tilespmem:s4], [sflag:$0x5] =	stream.linear.gather [hbm4b:s10+s4], $0x1E80, $0x38;
	[tilespmem:$0x1D000] =	vst v63  }
0xcd: {  	_ =	swait.ge [sflag:s19], $0x1E80  }
0xce: {  	[sflag:s19] =	ssyncset.done $0x0  }
0xcf: {  	s8 =	sadd.s32 s6, s8;
	[sflag:s19] =	ssyncadd.s32 $0xFFFFE180  }
0xd0: {  	[tilespmem:s20], [sflag:$0x5] =	stream.linear.gather [hbm4b:s8+s4], $0x1E80, $0x38;
	[tilespmem:$0x1D000] =	vst v63  }
0xd1: {  	_ =	swait.ge [sflag:s19], $0x1E80  }
0xd2: {  	[sflag:s19] =	ssyncset.done $0x0  }
0xd3: {  	s8 =	simm.s32 $0x40;
	[sflag:s19] =	ssyncadd.s32 $0xFFFFE180  }
0xd4: {  	v2 =	vld [tilespmem:s8+$0xFFFFFFC0]  }
0xd5: {  	v3 =	vld [tilespmem:s8+$0xFFFFFFD0]  }
0xd6: {  	v4 =	vld [tilespmem:s8+$0xFFFFFFE0]  }
0xd7: {  	v5 =	vld [tilespmem:s8+$0x0]  }
0xd8: {  	v6 =	vld [tilespmem:s8+$0xFFFFFFF0]  }
0xd9: {  	v2 =	vadd.s32 v0, v2  }
0xda: {  	s10 =	simm.s32 $0xC0;
	v3 =	vadd.s32 v0, v3;
	[tilespmem:s8+$0xFFFFFFC0] =	vst v2  }
0xdb: {  	v4 =	vadd.s32 v0, v4;
	v2 =	vld [tilespmem:s10+$0xFFFFFFC0];
	[tilespmem:s8+$0xFFFFFFD0] =	vst v3  }
0xdc: {  	v7 =	vadd.s32 v0, v5;
	v3 =	vld [tilespmem:s10+$0xFFFFFFD0];
	[tilespmem:s8+$0xFFFFFFE0] =	vst v4  }
0xdd: {  	s11 =	simm.s32 $0x500;
	v5 =	vadd.s32 v0, v6;
	v4 =	vld [tilespmem:s10+$0xFFFFFFE0];
	[tilespmem:s8+$0x0] =	vst v7  }
.LBB2_11:
0xde: {  	p1 =	sne.s32 s11, $0x7900;
	v6 =	vld [tilespmem:s10+$0x0];
	[tilespmem:s8+$0xFFFFFFF0] =	vst v5;
	s8 =	smov.u32 s10  }
0xdf: {  	v5 =	vld [tilespmem:s8+$0xFFFFFFF0]  }
.Ltmp4:
0xe0: {  	v2 =	vadd.s32 v0, v2;
	(pc) =	sbr.rel @p1 .LBB2_11-.Ltmp4, $4  }
0xe1: {  	s10 =	sshra.s32 s11, $0x2;
	[tilespmem:s8+$0xFFFFFFC0] =	vst v2;
	v3 =	vadd.s32 v0, v3  }
0xe2: {  	v2 =	vld [tilespmem:s10+$0xFFFFFFC0];
	[tilespmem:s8+$0xFFFFFFD0] =	vst v3;
	v4 =	vadd.s32 v0, v4  }
0xe3: {  	v3 =	vld [tilespmem:s10+$0xFFFFFFD0];
	[tilespmem:s8+$0xFFFFFFE0] =	vst v4;
	v6 =	vadd.s32 v0, v6  }
0xe4: {  	s11 =	sadd.s32 $0x200, s11;
	v4 =	vld [tilespmem:s10+$0xFFFFFFE0];
	v5 =	vadd.s32 v0, v5;
	[tilespmem:s8+$0x0] =	vst v6  }
0xe5: {  	v6 =	vld [tilespmem:s10+$0x0];
	[tilespmem:s8+$0xFFFFFFF0] =	vst v5  }
0xe6: {  	v5 =	vld [tilespmem:s10+$0xFFFFFFF0]  }
0xe7: {  	v2 =	vadd.s32 v0, v2  }
0xe8: {  	[tilespmem:s10+$0xFFFFFFC0] =	vst v2;
	v2 =	vadd.s32 v0, v3  }
0xe9: {  	[tilespmem:s10+$0xFFFFFFD0] =	vst v2;
	v2 =	vadd.s32 v0, v4  }
0xea: {  	[tilespmem:s10+$0xFFFFFFE0] =	vst v2;
	v2 =	vadd.s32 v0, v6  }
0xeb: {  	v3 =	vadd.s32 v0, v5;
	[tilespmem:s10+$0x0] =	vst v2  }
0xec: {  	s8 =	simm.s32 $0x6880;
	[tilespmem:s10+$0xFFFFFFF0] =	vst v3  }
0xed: {  	[tilespmem:s8+$0xFFFFFF80] =	vst v1  }
0xee: {  	[tilespmem:s8+$0x70] =	vst v1  }
0xef: {  	[tilespmem:s8+$0x60] =	vst v1  }
0xf0: {  	[tilespmem:s8+$0x50] =	vst v1  }
0xf1: {  	[tilespmem:s8+$0x40] =	vst v1  }
0xf2: {  	[tilespmem:s8+$0x30] =	vst v1  }
0xf3: {  	[tilespmem:s8+$0x20] =	vst v1  }
0xf4: {  	[tilespmem:s8+$0x10] =	vst v1  }
0xf5: {  	[tilespmem:s8+$0x0] =	vst v1  }
0xf6: {  	[tilespmem:s8+$0xFFFFFFF0] =	vst v1  }
0xf7: {  	[tilespmem:s8+$0xFFFFFFE0] =	vst v1  }
0xf8: {  	[tilespmem:s8+$0xFFFFFFD0] =	vst v1  }
0xf9: {  	[tilespmem:s8+$0xFFFFFFC0] =	vst v1  }
0xfa: {  	[tilespmem:s8+$0xFFFFFFB0] =	vst v1  }
0xfb: {  	s10 =	simm.s32 $0x0;
	[tilespmem:s8+$0xFFFFFFA0] =	vst v1  }
.LBB2_13:
0xfc: {  	s10 =	sadd.s32 $0x2, s10;
	[tilespmem:s8+$0xFFFFFF90] =	vst v1;
	s8 =	sadd.s32 $0x100, s8  }
0xfd: {  	[tilespmem:s8+$0xFFFFFF80] =	vst v1;
	p1 =	slt.u32 s10, $0x4E  }
0xfe: {  	[tilespmem:s8+$0x70] =	vst v1  }
0xff: {  	[tilespmem:s8+$0x60] =	vst v1  }
0x100: {  	[tilespmem:s8+$0x50] =	vst v1  }
0x101: {  	[tilespmem:s8+$0x40] =	vst v1  }
0x102: {  	[tilespmem:s8+$0x30] =	vst v1  }
0x103: {  	[tilespmem:s8+$0x20] =	vst v1  }
0x104: {  	[tilespmem:s8+$0x10] =	vst v1  }
0x105: {  	[tilespmem:s8+$0x0] =	vst v1  }
0x106: {  	[tilespmem:s8+$0xFFFFFFF0] =	vst v1  }
.Ltmp5:
0x107: {  	[tilespmem:s8+$0xFFFFFFE0] =	vst v1;
	(pc) =	sbr.rel @p1 .LBB2_13-.Ltmp5, $4  }
0x108: {  	[tilespmem:s8+$0xFFFFFFD0] =	vst v1  }
0x109: {  	[tilespmem:s8+$0xFFFFFFC0] =	vst v1  }
0x10a: {  	[tilespmem:s8+$0xFFFFFFB0] =	vst v1  }
0x10b: {  	[tilespmem:s8+$0xFFFFFFA0] =	vst v1  }
0x10c: {  	[tilespmem:s8+$0xFFFFFF90] =	vst v1  }
0x10d: {  	[spmem:s2] =	stream.indirect.scatter.add.f32 [tilespmem:s22], [sflag:$0x4], $0x80, s20, s21, $0xb8;
	[tilespmem:$0x1D000] =	vst v63  }
0x10e: {  	s12 =	simm.s32 $0x0  }
0x10f: {  	[tilespmem:s18], [sflag:$0x1] =	stream.indirect.gather [hbm4b:s5+s21], $0x80, s12, s21, $0xb8;
	[tilespmem:$0x1D000] =	vst v63  }
0x110: {  	_ =	swait.ge [sflag:s23], $0x2800  }
0x111: {  	[sflag:s23] =	ssyncset.done $0x0  }
0x112: {  	s10 =	simm.s32 $0x80;
	[sflag:s23] =	ssyncadd.s32 $0xFFFFD800  }
0x113: {  	[tilespmem:s22], [sflag:$0x2] =	stream.indirect.gather [hbm4b:s5+s21], $0x80, s10, s21, $0xb8;
	[tilespmem:$0x1D000] =	vst v63  }
0x114: {  	_ =	swait.ge [sflag:s24], $0x2800  }
0x115: {  	[sflag:s24] =	ssyncset.done $0x0  }
0x116: {  	s11 =	simm.s32 $0x2000;
	[sflag:s24] =	ssyncadd.s32 $0xFFFFD800  }
0x117: {  	[spmem:s2] =	stream.indirect.scatter.add.f32 [tilespmem:s18], [sflag:$0x3], $0x80, s11, s21, $0xb8;
	[tilespmem:$0x1D000] =	vst v63  }
0x118: {  	_ =	swait.ge [sflag:s25], $0x2800  }
0x119: {  	[sflag:s25] =	ssyncset.done $0x0  }
0x11a: {  	s12 =	simm.s32 $0x100;
	[sflag:s25] =	ssyncadd.s32 $0xFFFFD800  }
0x11b: {  	[tilespmem:s18], [sflag:$0x1] =	stream.indirect.gather [hbm4b:s5+s21], $0x80, s12, s21, $0xb8;
	[tilespmem:$0x1D000] =	vst v63  }
0x11c: {  	_ =	swait.ge [sflag:s26], $0x2800  }
0x11d: {  	[sflag:s26] =	ssyncset.done $0x0  }
0x11e: {  	s8 =	simm.s32 $0x400;
	s10 =	simm.s32 $0x2080;
	[sflag:s26] =	ssyncadd.s32 $0xFFFFD800  }
.LBB2_15:
0x11f: {  	[spmem:s2] =	stream.indirect.scatter.add.f32 [tilespmem:s22], [sflag:$0x4], $0x80, s10, s21, $0xb8;
	[tilespmem:$0x1D000] =	vst v63  }
0x120: {  	s10 =	smov.u32 s8  }
0x121: {  	p1 =	sne.s32 s8, $0x7400;
	s8 =	sadd.s32 $0x400, s8;
	_ =	swait.ge [sflag:s23], $0x2800  }
0x122: {  	s10 =	sshra.s32 s10, $0x2;
	[sflag:s23] =	ssyncset.done $0x0  }
0x123: {  	s11 =	sadd.s32 $0x80, s10;
	[sflag:s23] =	ssyncadd.s32 $0xFFFFD800  }
0x124: {  	[tilespmem:s22], [sflag:$0x2] =	stream.indirect.gather [hbm4b:s5+s21], $0x80, s11, s21, $0xb8;
	[tilespmem:$0x1D000] =	vst v63  }
0x125: {  	_ =	swait.ge [sflag:s24], $0x2800  }
0x126: {  	[sflag:s24] =	ssyncset.done $0x0  }
0x127: {  	s11 =	sadd.s32 $0x2000, s10;
	[sflag:s24] =	ssyncadd.s32 $0xFFFFD800  }
0x128: {  	[spmem:s2] =	stream.indirect.scatter.add.f32 [tilespmem:s18], [sflag:$0x3], $0x80, s11, s21, $0xb8;
	[tilespmem:$0x1D000] =	vst v63  }
0x129: {  	_ =	swait.ge [sflag:s25], $0x2800  }
0x12a: {  	[sflag:s25] =	ssyncset.done $0x0  }
.Ltmp6:
0x12b: {  	s11 =	sadd.s32 $0x100, s10;
	[sflag:s25] =	ssyncadd.s32 $0xFFFFD800;
	(pc) =	sbr.rel @p1 .LBB2_15-.Ltmp6, $4  }
0x12c: {  	[tilespmem:s18], [sflag:$0x1] =	stream.indirect.gather [hbm4b:s5+s21], $0x80, s11, s21, $0xb8;
	[tilespmem:$0x1D000] =	vst v63  }
0x12d: {  	_ =	swait.ge [sflag:s26], $0x2800  }
0x12e: {  	[sflag:s26] =	ssyncset.done $0x0  }
0x12f: {  	s10 =	sadd.s32 $0x2080, s10;
	[sflag:s26] =	ssyncadd.s32 $0xFFFFD800  }
0x130: {  	[spmem:s2] =	stream.indirect.scatter.add.f32 [tilespmem:s22], [sflag:$0x4], $0x80, s10, s21, $0xb8;
	[tilespmem:$0x1D000] =	vst v63  }
0x131: {  	_ =	swait.ge [sflag:s24], $0x2800  }
0x132: {  	[sflag:s24] =	ssyncset.done $0x0  }
0x133: {  	[sflag:s24] =	ssyncadd.s32 $0xFFFFD800  }
0x134: {  	[spmem:s2] =	stream.indirect.scatter.add.f32 [tilespmem:s18], [sflag:$0x3], $0x80, s31, s21, $0xb8;
	[tilespmem:$0x1D000] =	vst v63  }
0x135: {  	_ =	swait.ge [sflag:s25], $0x2800  }
.Ltmp7:
0x136: {  	[sflag:s25] =	ssyncset.done $0x0;
	(pc) =	sbr.rel @p0 .LBB2_4-.Ltmp7, $4  }
0x137: {  	[sflag:s25] =	ssyncadd.s32 $0xFFFFD800  }
0x138: {  	_ =	swait.ge [sflag:s23], $0x2800  }
0x139: {  	[sflag:s23] =	ssyncset.done $0x0  }
0x13a: {  	s8 =	simm.s32 $0x800;
	p1 =	por $0x0, $0x0;
	[sflag:s23] =	ssyncadd.s32 $0xFFFFD800  }
0x13b: {  	s3 =	stileid.u32  }
0x13c: {  	[bflag:$0x0] =	sbarrier.arrive $0xFFFF;
	s3 =	sshll.u32 s3, $0x6  }
0x13d: {  	s8 =	sshrl.u32 s9, $0x3;
	s10 =	rddreg [dreg:$0x4];
	s3 =	sor.u32 $0x1C05, s3  }
0x13e: {  	[hbm:s10], [sflag:s3] =	dma.local [spmem:s8], $0x2800  }
0x13f: {  	_ =	swait.ge [sflag:s19], $0x2800  }
0x140: {  	s0 =	sadd.s32 $0x1, s0;
	s12 =	rddreg [dreg:$0x5]  }
0x141: {  	p0 =	sne.s32 s0, s12  }
.Ltmp8:
0x142: {  	_ = 	snop;
	(pc) =	sbr.rel @p0 .LBB2_1-.Ltmp8, $3  }
0x143: {  	_ =	sdelay $0x1  }
0x144: {  	[sflag:s19] =	ssyncset.done $0x0  }
0x145: {  	[sflag:s19] =	ssyncadd.s32 $0xFFFFD800  }
0x146: {  	_ =	sfence.sel $0x180000  }
0x147: {  	[bflag:$0x0] =	sbarrier.arrive $0xFFFF  }
0x148: {  	_ =	strace $0x9000004D  }
0x149: {  	s0 =	stileid.u32;
	[bflag:$0x2] =	sbarrier.arrive $0xFFFF  }
0x14a: {  	p0 =	sne.s32 s0, $0x0;
	s0 =	rddreg [dreg:$0x3]  }
0x14b: {  	s0 =	sadd.s32 @!p0 $0x100000, s0  }
0x14c: {  	[sflag:s0] =	ssyncadd.tile.s32 @!p0 $0x1;
	_ =	shalt  }
.Lfunc_end2:
_tile_overlayer_lowered:
.L_overlay_start_2:
0x14d: {  	(tag) =	ssettag $0x2  }
0x14e: {  	s0 =	rddreg [dreg:$0x0];
	s2 =	stileid.u32  }
0x14f: {  	s1 =	rddreg [dreg:$0x1];
	p0 =	sne.s32 s2, $0x0  }
0x150: {  	s3 =	rddreg [dreg:$0x2];
	[bflag:$0x3] =	sbarrier.arrive $0xFFFF;
	s2 =	simm.s32 @!p0 $0x1C05  }
0x151: {  	[timem:s3], [sflag:s2] =	dma.local @!p0 [hbm:s0], s1  }
0x152: {  	s0 =	simm.s32 @!p0 $0x5  }
0x153: {  	_ =	swait.ge @!p0 [sflag:s0], s1  }
0x154: {  	s1 =	ssub.s32 @!p0 $0x0, s1;
	[sflag:s0] =	ssyncset.done @!p0 $0x0  }
0x155: {  	[sflag:s0] =	ssyncadd.s32 @!p0 s1  }
0x156: {  	[bflag:$0x3] =	sbarrier.arrive $0xFFFF  }
0x157: {  	_ =	shalt  }

</sc_bundles>
